<compile_context>
chip_gen: v7x
topology: tpu7x:2x2x1
jax: 0.10.2.dev20260603
libtpu: 0.0.44.dev20260713+nightly
codegen_flags: <defaults>
</compile_context>

<pallas_src>
import functools

import jax
import jax.numpy as jnp
from jax import lax
from jax.experimental import pallas as pl
from jax.experimental.pallas import tpu as pltpu
from jax.experimental.pallas import tpu_sc as plsc

BIG_KERNEL = 31
SMALL_KERNEL = 5
C_OUT = 16
GROUP_IN = 4
NK = 7
C_IN = C_OUT * GROUP_IN * NK
L = 8192
B = 4
HALO = 16
ROWBUF = L + 2 * HALO
NCHUNK = L // 16

NUM_CORES = 2
NUM_SUBCORES = 16
NUM_WORKERS = NUM_CORES * NUM_SUBCORES
PAIRS_PER_WORKER = (B * C_OUT) // NUM_WORKERS


def _sc_body(
    x_hbm,
    tab_hbm,
    out1,
    out2,
    out3,
    rb0,
    rb1,
    rb2,
    rb3,
    idxbuf,
    acc1,
    acc2,
    acc3,
    sem0,
    sem1,
    sem2,
    sem3,
    tsem,
    wsem,
):
    rbufs = (rb0, rb1, rb2, rb3)
    sems = (sem0, sem1, sem2, sem3)
    wid = lax.axis_index("s") * NUM_CORES + lax.axis_index("c")

    zeros16 = jnp.zeros((16,), jnp.float32)
    for rb in rbufs:
        rb[pl.ds(0, 16)] = zeros16
        rb[pl.ds(ROWBUF - 16, 16)] = zeros16
    iota16 = lax.iota(jnp.int32, 16)
    nci = GROUP_IN * NK

    for pp in range(PAIRS_PER_WORKER):
        p = wid * PAIRS_PER_WORKER + pp
        b = p // C_OUT
        o = lax.rem(p, C_OUT)

        ntab = 3 * nci * 16
        tab_copy = pltpu.make_async_copy(
            tab_hbm.at[pl.ds(o * ntab, ntab)], idxbuf, tsem
        )
        tab_copy.start()

        def row_copy(ci, h):
            c = (ci // NK) * (C_OUT * NK) + o * NK + lax.rem(ci, NK)
            return pltpu.make_async_copy(
                x_hbm.at[pl.ds((b * C_IN + c) * L, L)],
                rbufs[h].at[pl.ds(HALO, L)],
                sems[h],
            )

        row_copy(0, 0).start()
        row_copy(1, 1).start()

        if pp > 0:
            for cp in prev_wb:
                cp.wait()

        @plsc.parallel_loop(0, L, 16, unroll=8)
        def _zero(i):
            sl = pl.ds(pl.multiple_of(i, 16), 16)
            acc1[sl] = zeros16
            acc2[sl] = zeros16
            acc3[sl] = zeros16

        tab_copy.wait()

        def step_body(cj, _):
            for hh in range(2):
                s = cj * 2 + hh
                p = hh
                ca = s * 2
                cb = s * 2 + 1
                row_copy(ca, 2 * p).wait()
                row_copy(cb, 2 * p + 1).wait()

                @pl.when(s + 1 < nci // 2)
                def _():
                    row_copy(ca + 2, 2 * (1 - p)).start()
                    row_copy(cb + 2, 2 * (1 - p) + 1).start()

                v1a = plsc.load_gather(idxbuf, [iota16 + ca * 16])
                v2a = plsc.load_gather(idxbuf, [iota16 + (nci + ca) * 16])
                v3a = plsc.load_gather(idxbuf, [iota16 + (2 * nci + ca) * 16])
                v1b = plsc.load_gather(idxbuf, [iota16 + cb * 16])
                v2b = plsc.load_gather(idxbuf, [iota16 + (nci + cb) * 16])
                v3b = plsc.load_gather(idxbuf, [iota16 + (2 * nci + cb) * 16])
                rba = rbufs[2 * p]
                rbb = rbufs[2 * p + 1]

                @plsc.parallel_loop(0, L, 16, unroll=8)
                def _chunk(i):
                    sl = pl.ds(pl.multiple_of(i, 16), 16)
                    g1 = plsc.load_gather(rba, [v1a + i]) + plsc.load_gather(
                        rbb, [v1b + i]
                    )
                    g2 = plsc.load_gather(rba, [v2a + i]) + plsc.load_gather(
                        rbb, [v2b + i]
                    )
                    g3 = plsc.load_gather(rba, [v3a + i]) + plsc.load_gather(
                        rbb, [v3b + i]
                    )
                    plsc.addupdate(acc1.at[sl], g1)
                    plsc.addupdate(acc2.at[sl], g2)
                    plsc.addupdate(acc3.at[sl], g3)

            return 0

        lax.fori_loop(0, nci // 4, step_body, 0)

        row = pl.ds((b * C_OUT + o) * L, L)
        prev_wb = (
            pltpu.make_async_copy(acc1, out1.at[row], wsem),
            pltpu.make_async_copy(acc2, out2.at[row], wsem),
            pltpu.make_async_copy(acc3, out3.at[row], wsem),
        )
        for cp in prev_wb:
            cp.start()

    for cp in prev_wb:
        cp.wait()


@jax.jit
def _run(x, shift_idx_1, shift_idx_2, shift_idx_3):
    center = (NK - 1) / 2.0
    real_pad = jnp.asarray(
        [int((center - i) * SMALL_KERNEL) for i in range(NK)], jnp.int32
    )
    gi = jnp.arange(GROUP_IN * NK, dtype=jnp.int32) // NK
    t = jnp.arange(GROUP_IN * NK, dtype=jnp.int32) % NK
    o_ids = jnp.arange(C_OUT, dtype=jnp.int32)
    c_table = gi[None, :] * (C_OUT * NK) + o_ids[:, None] * NK + t[None, :]

    def bases(idx):
        shifts = real_pad[idx % NK]
        base = HALO - shifts[c_table]
        return base[:, :, None] + jnp.arange(16, dtype=jnp.int32)[None, None, :]

    tab = jnp.stack(
        [bases(shift_idx_1), bases(shift_idx_2), bases(shift_idx_3)], axis=1
    ).reshape(C_OUT * 3 * GROUP_IN * NK * 16)

    mesh = plsc.VectorSubcoreMesh(
        core_axis_name="c",
        subcore_axis_name="s",
        num_cores=NUM_CORES,
        num_subcores=NUM_SUBCORES,
    )
    out_sd = jax.ShapeDtypeStruct((B * C_OUT * L,), jnp.float32)
    run = pl.kernel(
        _sc_body,
        out_type=(out_sd, out_sd, out_sd),
        mesh=mesh,
        scratch_types=[
            pltpu.VMEM((ROWBUF,), jnp.float32),
            pltpu.VMEM((ROWBUF,), jnp.float32),
            pltpu.VMEM((ROWBUF,), jnp.float32),
            pltpu.VMEM((ROWBUF,), jnp.float32),
            pltpu.VMEM((3 * GROUP_IN * NK * 16,), jnp.int32),
            pltpu.VMEM((L,), jnp.float32),
            pltpu.VMEM((L,), jnp.float32),
            pltpu.VMEM((L,), jnp.float32),
            pltpu.SemaphoreType.DMA,
            pltpu.SemaphoreType.DMA,
            pltpu.SemaphoreType.DMA,
            pltpu.SemaphoreType.DMA,
            pltpu.SemaphoreType.DMA,
            pltpu.SemaphoreType.DMA,
        ],
        compiler_params=pltpu.CompilerParams(needs_layout_passes=False),
    )
    o1, o2, o3 = run(x.reshape(-1), tab)
    shape = (B, C_OUT, L)
    return o1.reshape(shape), o2.reshape(shape), o3.reshape(shape)


def kernel(x, shift_idx_1, shift_idx_2, shift_idx_3):
    return _run(x, shift_idx_1, shift_idx_2, shift_idx_3)

# --- scband reference (transcript-rebuilt; emitter-appended) ---
"""Pipeline reference for scband-add-shift-mp-module-1d-37830071943707 (READ-ONLY COPY).

The authoritative reference and input builder live on the scoring server;
editing this copy changes nothing except your own understanding.
"""

import jax, jax.numpy as jnp
import numpy as np

BIG_KERNEL = 31
SMALL_KERNEL = 5
C_OUT = 16
GROUP_IN = 4
NK = -(-BIG_KERNEL // SMALL_KERNEL)  # ceil -> 7
C_IN = C_OUT * GROUP_IN * NK  # 448


def _real_pad_np():
    center = (NK - 1) / 2.0
    return np.array([int((center - i) * SMALL_KERNEL) for i in range(NK)], dtype=np.int32)


def _gen_shuffle(rng):
    idxs = []
    for _ in range(GROUP_IN):
        idxs.append(np.concatenate([rng.permutation(NK) + i * NK for i in range(C_OUT)]))
    return np.concatenate(idxs).astype(np.int32)


def _gen_identity(rng):
    idxs = []
    for _ in range(GROUP_IN):
        g = rng.randint(0, NK, size=C_OUT) + np.arange(C_OUT) * NK
        idxs.append(np.repeat(g, NK))
    return np.concatenate(idxs).astype(np.int32)


def setup_inputs(seed: int = 0) -> dict:
    key = jax.random.key(seed)
    x = jax.random.normal(key, (4, C_IN, 8192), dtype=jnp.float32)
    rng = np.random.RandomState(123)
    shift_idx_1 = jnp.asarray(_gen_shuffle(rng))
    shift_idx_2 = jnp.asarray(_gen_shuffle(rng))
    shift_idx_3 = jnp.asarray(_gen_identity(rng))
    return {"x": x, "shift_idx_1": shift_idx_1, "shift_idx_2": shift_idx_2, "shift_idx_3": shift_idx_3}


def _shift_accum(x, idx):
    B, C, L = x.shape
    real_pad = jnp.asarray(_real_pad_np())
    shifts = real_pad[idx % NK]  # [C]
    pos = jnp.arange(L)[None, :]  # [1, L]
    src = pos - shifts[:, None]  # [C, L] ; roll right by shift => out[l] = x[l - shift]
    valid = (src >= 0) & (src < L)  # zero the wrapped region (matches the explicit zeroing after torch.roll)
    src_c = jnp.clip(src, 0, L - 1)
    gathered = jnp.take_along_axis(x, jnp.broadcast_to(src_c[None, :, :], (B, C, L)), axis=2)
    shifted = gathered * valid[None, :, :].astype(x.dtype)
    # scatter-add channels into their c_out bucket: cout_idx = (ch % (c_out*nk)) // nk
    seg_ids = (jnp.arange(C) % (C_OUT * NK)) // NK
    out = jax.ops.segment_sum(jnp.transpose(shifted, (1, 0, 2)), seg_ids, num_segments=C_OUT)
    return jnp.transpose(out, (1, 0, 2))  # [B, c_out, L]


def reference(x, shift_idx_1, shift_idx_2, shift_idx_3):
    # channel_align is Identity since c_in == c_out*group_in*nk == 448
    x1 = _shift_accum(x, shift_idx_1)
    x2 = _shift_accum(x, shift_idx_2)
    x3 = _shift_accum(x, shift_idx_3)
    return (x1, x2, x3)

if __name__ == "__main__":
    import jax
    _d = setup_inputs()
    print(jax.jit(kernel)(*tuple(_d.values())))

</pallas_src>

<mosaic_0001>
#map = affine_map<(d0, d1) -> (0)>
module attributes {stable_mosaic.version = 14 : i64} {
  func.func @_sc_body(%arg0: i32, %arg1: i32, %arg2: memref<14680064xf32, #tpu.memory_space<hbm>>, %arg3: memref<21504xi32, #tpu.memory_space<hbm>>, %arg4: memref<524288xf32, #tpu.memory_space<hbm>>, %arg5: memref<524288xf32, #tpu.memory_space<hbm>>, %arg6: memref<524288xf32, #tpu.memory_space<hbm>>, %arg7: memref<8224xf32, #tpu.memory_space<vmem>>, %arg8: memref<8224xf32, #tpu.memory_space<vmem>>, %arg9: memref<8224xf32, #tpu.memory_space<vmem>>, %arg10: memref<8224xf32, #tpu.memory_space<vmem>>, %arg11: memref<1344xi32, #tpu.memory_space<vmem>>, %arg12: memref<8192xf32, #tpu.memory_space<vmem>>, %arg13: memref<8192xf32, #tpu.memory_space<vmem>>, %arg14: memref<8192xf32, #tpu.memory_space<vmem>>, %arg15: memref<!tpu.dma_semaphore, #tpu.memory_space<semaphore_mem>>, %arg16: memref<!tpu.dma_semaphore, #tpu.memory_space<semaphore_mem>>, %arg17: memref<!tpu.dma_semaphore, #tpu.memory_space<semaphore_mem>>, %arg18: memref<!tpu.dma_semaphore, #tpu.memory_space<semaphore_mem>>, %arg19: memref<!tpu.dma_semaphore, #tpu.memory_space<semaphore_mem>>, %arg20: memref<!tpu.dma_semaphore, #tpu.memory_space<semaphore_mem>>) attributes {dimension_semantics = [#tpu.dimension_semantics<core_parallel>, #tpu.dimension_semantics<subcore_parallel>], iteration_bounds = array<i64: 2, 16>, scalar_prefetch = 0 : i64, scratch_operands = 14 : i64, tpu.core_type = #tpu.core_type<sc_vector_subcore>, window_params = [{transform_indices = #map}, {transform_indices = #map}, {transform_indices = #map}, {transform_indices = #map}, {transform_indices = #map}]} {
    %mul3A = arith.constant 2 : i32
    %mul3A_0 = arith.muli %arg1, %mul3A : i32
    %add3A = arith.addi %mul3A_0, %arg0 : i32
    %broadcast_in_dim3A = arith.constant 0.000000e+00 : f32
    %broadcast_in_dim3A_1 = vector.broadcast %broadcast_in_dim3A : f32 to vector<16xf32>
    %swap3A = arith.constant 0 : index
    %swap3A_2 = tpu.vector_load %arg7[%swap3A] {strides = array<i32>} : memref<8224xf32, #tpu.memory_space<vmem>>, vector<16xf32>,
    tpu.vector_store %arg7[%swap3A], %broadcast_in_dim3A_1 {strides = array<i32>} : memref<8224xf32, #tpu.memory_space<vmem>>, vector<16xf32>,
    %swap3A_3 = arith.constant 8208 : index
    %swap3A_4 = tpu.vector_load %arg7[%swap3A_3] {strides = array<i32>} : memref<8224xf32, #tpu.memory_space<vmem>>, vector<16xf32>,
    tpu.vector_store %arg7[%swap3A_3], %broadcast_in_dim3A_1 {strides = array<i32>} : memref<8224xf32, #tpu.memory_space<vmem>>, vector<16xf32>,
    %swap3A_5 = arith.constant 0 : index
    %swap3A_6 = tpu.vector_load %arg8[%swap3A_5] {strides = array<i32>} : memref<8224xf32, #tpu.memory_space<vmem>>, vector<16xf32>,
    tpu.vector_store %arg8[%swap3A_5], %broadcast_in_dim3A_1 {strides = array<i32>} : memref<8224xf32, #tpu.memory_space<vmem>>, vector<16xf32>,
    %swap3A_7 = arith.constant 8208 : index
    %swap3A_8 = tpu.vector_load %arg8[%swap3A_7] {strides = array<i32>} : memref<8224xf32, #tpu.memory_space<vmem>>, vector<16xf32>,
    tpu.vector_store %arg8[%swap3A_7], %broadcast_in_dim3A_1 {strides = array<i32>} : memref<8224xf32, #tpu.memory_space<vmem>>, vector<16xf32>,
    %swap3A_9 = arith.constant 0 : index
    %swap3A_10 = tpu.vector_load %arg9[%swap3A_9] {strides = array<i32>} : memref<8224xf32, #tpu.memory_space<vmem>>, vector<16xf32>,
    tpu.vector_store %arg9[%swap3A_9], %broadcast_in_dim3A_1 {strides = array<i32>} : memref<8224xf32, #tpu.memory_space<vmem>>, vector<16xf32>,
    %swap3A_11 = arith.constant 8208 : index
    %swap3A_12 = tpu.vector_load %arg9[%swap3A_11] {strides = array<i32>} : memref<8224xf32, #tpu.memory_space<vmem>>, vector<16xf32>,
    tpu.vector_store %arg9[%swap3A_11], %broadcast_in_dim3A_1 {strides = array<i32>} : memref<8224xf32, #tpu.memory_space<vmem>>, vector<16xf32>,
    %swap3A_13 = arith.constant 0 : index
    %swap3A_14 = tpu.vector_load %arg10[%swap3A_13] {strides = array<i32>} : memref<8224xf32, #tpu.memory_space<vmem>>, vector<16xf32>,
    tpu.vector_store %arg10[%swap3A_13], %broadcast_in_dim3A_1 {strides = array<i32>} : memref<8224xf32, #tpu.memory_space<vmem>>, vector<16xf32>,
    %swap3A_15 = arith.constant 8208 : index
    %swap3A_16 = tpu.vector_load %arg10[%swap3A_15] {strides = array<i32>} : memref<8224xf32, #tpu.memory_space<vmem>>, vector<16xf32>,
    tpu.vector_store %arg10[%swap3A_15], %broadcast_in_dim3A_1 {strides = array<i32>} : memref<8224xf32, #tpu.memory_space<vmem>>, vector<16xf32>,
    %iota3A = tpu.iota {dimensions = array<i32: 0>} : vector<16xi32>
    %mul3A_17 = arith.constant 2 : i32
    %mul3A_18 = arith.muli %add3A, %mul3A_17 : i32
    %add3A_19 = arith.constant 0 : i32
    %add3A_20 = arith.addi %mul3A_18, %add3A_19 : i32
    %jit3A = arith.constant 16 : i32
    %div3A = arith.divsi %add3A_20, %jit3A : i32
    %sign3A = arith.constant 0 : i32
    %sign3A_21 = arith.cmpi sgt, %add3A_20, %sign3A : i32
    %sign3A_22 = arith.extui %sign3A_21 : i1 to i32
    %sign3A_23 = arith.constant 0 : i32
    %sign3A_24 = arith.cmpi slt, %add3A_20, %sign3A_23 : i32
    %sign3A_25 = arith.extui %sign3A_24 : i1 to i32
    %sign3A_26 = arith.subi %sign3A_22, %sign3A_25 : i32
    %sign3A_27 = arith.constant 0 : i32
    %sign3A_28 = arith.cmpi sgt, %jit3A, %sign3A_27 : i32
    %sign3A_29 = arith.extui %sign3A_28 : i1 to i32
    %sign3A_30 = arith.constant 0 : i32
    %sign3A_31 = arith.cmpi slt, %jit3A, %sign3A_30 : i32
    %sign3A_32 = arith.extui %sign3A_31 : i1 to i32
    %sign3A_33 = arith.subi %sign3A_29, %sign3A_32 : i32
    %ne3A = arith.cmpi ne, %sign3A_26, %sign3A_33 : i32
    %rem3A = arith.remsi %add3A_20, %jit3A : i32
    %ne3A_34 = arith.constant 0 : i32
    %ne3A_35 = arith.cmpi ne, %rem3A, %ne3A_34 : i32
    %and3A = arith.andi %ne3A, %ne3A_35 : i1
    %sub3A = arith.constant 1 : i32
    %sub3A_36 = arith.subi %div3A, %sub3A : i32
    %select_n3A = arith.select %and3A, %sub3A_36, %div3A : i32
    %rem3A_37 = arith.constant 16 : i32
    %rem3A_38 = arith.remsi %add3A_20, %rem3A_37 : i32
    %mul3A_39 = arith.constant 1344 : i32
    %mul3A_40 = arith.muli %rem3A_38, %mul3A_39 : i32
    %dma_start3A = tpu.memref_slice %arg3[%mul3A_40] : memref<21504xi32, #tpu.memory_space<hbm>> -> memref<1344xi32, #tpu.memory_space<hbm>>
    %dma_start3A_41 = tpu.memref_slice %arg3[%mul3A_40] : memref<21504xi32, #tpu.memory_space<hbm>> -> memref<1344xi32, #tpu.memory_space<hbm>>
    tpu.enqueue_dma source(%dma_start3A_41 : memref<1344xi32, #tpu.memory_space<hbm>>) target(%arg11 : memref<1344xi32, #tpu.memory_space<vmem>>) target_semaphore(%arg19 : memref<!tpu.dma_semaphore, #tpu.memory_space<semaphore_mem>>)
    %mul3A_42 = arith.constant 7 : i32
    %mul3A_43 = arith.muli %rem3A_38, %mul3A_42 : i32
    %add3A_44 = arith.constant 0 : i32
    %add3A_45 = arith.addi %add3A_44, %mul3A_43 : i32
    %rem3A_46 = arith.constant 0 : i32
    %rem3A_47 = arith.constant 7 : i32
    %rem3A_48 = arith.remsi %rem3A_46, %rem3A_47 : i32
    %add3A_49 = arith.addi %add3A_45, %rem3A_48 : i32
    %mul3A_50 = arith.constant 448 : i32
    %mul3A_51 = arith.muli %select_n3A, %mul3A_50 : i32
    %add3A_52 = arith.addi %mul3A_51, %add3A_49 : i32
    %mul3A_53 = arith.constant 8192 : i32
    %mul3A_54 = arith.muli %add3A_52, %mul3A_53 : i32
    %dma_start3A_55 = arith.constant 16 : i32
    %dma_start3A_56 = tpu.memref_slice %arg7[%dma_start3A_55] : memref<8224xf32, #tpu.memory_space<vmem>> -> memref<8192xf32, #tpu.memory_space<vmem>>
    %dma_start3A_57 = tpu.memref_slice %arg2[%mul3A_54] : memref<14680064xf32, #tpu.memory_space<hbm>> -> memref<8192xf32, #tpu.memory_space<hbm>>
    %dma_start3A_58 = arith.constant 16 : i32
    %dma_start3A_59 = tpu.memref_slice %arg7[%dma_start3A_58] : memref<8224xf32, #tpu.memory_space<vmem>> -> memref<8192xf32, #tpu.memory_space<vmem>>
    %dma_start3A_60 = tpu.memref_slice %arg2[%mul3A_54] : memref<14680064xf32, #tpu.memory_space<hbm>> -> memref<8192xf32, #tpu.memory_space<hbm>>
    tpu.enqueue_dma source(%dma_start3A_60 : memref<8192xf32, #tpu.memory_space<hbm>>) target(%dma_start3A_59 : memref<8192xf32, #tpu.memory_space<vmem>>) target_semaphore(%arg15 : memref<!tpu.dma_semaphore, #tpu.memory_space<semaphore_mem>>)
    %mul3A_61 = arith.constant 7 : i32
    %mul3A_62 = arith.muli %rem3A_38, %mul3A_61 : i32
    %add3A_63 = arith.constant 0 : i32
    %add3A_64 = arith.addi %add3A_63, %mul3A_62 : i32
    %rem3A_65 = arith.constant 1 : i32
    %rem3A_66 = arith.constant 7 : i32
    %rem3A_67 = arith.remsi %rem3A_65, %rem3A_66 : i32
    %add3A_68 = arith.addi %add3A_64, %rem3A_67 : i32
    %mul3A_69 = arith.constant 448 : i32
    %mul3A_70 = arith.muli %select_n3A, %mul3A_69 : i32
    %add3A_71 = arith.addi %mul3A_70, %add3A_68 : i32
    %mul3A_72 = arith.constant 8192 : i32
    %mul3A_73 = arith.muli %add3A_71, %mul3A_72 : i32
    %dma_start3A_74 = arith.constant 16 : i32
    %dma_start3A_75 = tpu.memref_slice %arg8[%dma_start3A_74] : memref<8224xf32, #tpu.memory_space<vmem>> -> memref<8192xf32, #tpu.memory_space<vmem>>
    %dma_start3A_76 = tpu.memref_slice %arg2[%mul3A_73] : memref<14680064xf32, #tpu.memory_space<hbm>> -> memref<8192xf32, #tpu.memory_space<hbm>>
    %dma_start3A_77 = arith.constant 16 : i32
    %dma_start3A_78 = tpu.memref_slice %arg8[%dma_start3A_77] : memref<8224xf32, #tpu.memory_space<vmem>> -> memref<8192xf32, #tpu.memory_space<vmem>>
    %dma_start3A_79 = tpu.memref_slice %arg2[%mul3A_73] : memref<14680064xf32, #tpu.memory_space<hbm>> -> memref<8192xf32, #tpu.memory_space<hbm>>
    tpu.enqueue_dma source(%dma_start3A_79 : memref<8192xf32, #tpu.memory_space<hbm>>) target(%dma_start3A_78 : memref<8192xf32, #tpu.memory_space<vmem>>) target_semaphore(%arg16 : memref<!tpu.dma_semaphore, #tpu.memory_space<semaphore_mem>>)
    %parallel_loop3A = arith.constant 0 : i32
    %parallel_loop3A_80 = arith.constant 8192 : i32
    %parallel_loop3A_81 = arith.constant 16 : i32
    scf.for %parallel_loop3A_207 = %parallel_loop3A to %parallel_loop3A_80 step %parallel_loop3A_81  : i32 {
      %parallel_loop3A_208 = tpu.assume_multiple %parallel_loop3A_207, 16 : i32
      %parallel_loop3A_209 = arith.index_cast %parallel_loop3A_208 : i32 to index
      %parallel_loop3A_210 = tpu.vector_load %arg12[%parallel_loop3A_209] {strides = array<i32>} : memref<8192xf32, #tpu.memory_space<vmem>>, vector<16xf32>,
      tpu.vector_store %arg12[%parallel_loop3A_209], %broadcast_in_dim3A_1 {strides = array<i32>} : memref<8192xf32, #tpu.memory_space<vmem>>, vector<16xf32>,
      %parallel_loop3A_211 = arith.index_cast %parallel_loop3A_208 : i32 to index
      %parallel_loop3A_212 = tpu.vector_load %arg13[%parallel_loop3A_211] {strides = array<i32>} : memref<8192xf32, #tpu.memory_space<vmem>>, vector<16xf32>,
      tpu.vector_store %arg13[%parallel_loop3A_211], %broadcast_in_dim3A_1 {strides = array<i32>} : memref<8192xf32, #tpu.memory_space<vmem>>, vector<16xf32>,
      %parallel_loop3A_213 = arith.index_cast %parallel_loop3A_208 : i32 to index
      %parallel_loop3A_214 = tpu.vector_load %arg14[%parallel_loop3A_213] {strides = array<i32>} : memref<8192xf32, #tpu.memory_space<vmem>>, vector<16xf32>,
      tpu.vector_store %arg14[%parallel_loop3A_213], %broadcast_in_dim3A_1 {strides = array<i32>} : memref<8192xf32, #tpu.memory_space<vmem>>, vector<16xf32>,
    } {sc.loop_unroll_factor = 8 : i64, sc.parallel_access}
    %dma_wait3A = tpu.memref_slice %arg3[%mul3A_40] : memref<21504xi32, #tpu.memory_space<hbm>> -> memref<1344xi32, #tpu.memory_space<hbm>>
    %dma_wait3A_82 = tpu.memref_slice %arg3[%mul3A_40] : memref<21504xi32, #tpu.memory_space<hbm>> -> memref<1344xi32, #tpu.memory_space<hbm>>
    tpu.wait_dma2 semaphore(%arg19 : memref<!tpu.dma_semaphore, #tpu.memory_space<semaphore_mem>>) src(%dma_wait3A_82 : memref<1344xi32, #tpu.memory_space<hbm>>) dst(%arg11 : memref<1344xi32, #tpu.memory_space<vmem>>)
    %scan3A = arith.constant 0 : i32
    %scan3A_83 = arith.constant 0 : i32
    %scan3A_84 = arith.constant 7 : i32
    %scan3A_85 = arith.addi %scan3A_83, %scan3A_84 : i32
    %scan3A_86 = arith.constant 1 : i32
    %scan3A_87 = scf.for %scan3A_207 = %scan3A_83 to %scan3A_85 step %scan3A_86 iter_args(%scan3A_208 = %scan3A) -> (i32)  : i32 {
      %mul3A_209 = arith.constant 2 : i32
      %mul3A_210 = arith.muli %scan3A_207, %mul3A_209 : i32
      %add3A_211 = arith.constant 0 : i32
      %add3A_212 = arith.addi %mul3A_210, %add3A_211 : i32
      %mul3A_213 = arith.constant 2 : i32
      %mul3A_214 = arith.muli %add3A_212, %mul3A_213 : i32
      %mul3A_215 = arith.constant 2 : i32
      %mul3A_216 = arith.muli %add3A_212, %mul3A_215 : i32
      %add3A_217 = arith.constant 1 : i32
      %add3A_218 = arith.addi %mul3A_216, %add3A_217 : i32
      %jit3A_219 = arith.constant 7 : i32
      %div3A_220 = arith.divsi %mul3A_214, %jit3A_219 : i32
      %sign3A_221 = arith.constant 0 : i32
      %sign3A_222 = arith.cmpi sgt, %mul3A_214, %sign3A_221 : i32
      %sign3A_223 = arith.extui %sign3A_222 : i1 to i32
      %sign3A_224 = arith.constant 0 : i32
      %sign3A_225 = arith.cmpi slt, %mul3A_214, %sign3A_224 : i32
      %sign3A_226 = arith.extui %sign3A_225 : i1 to i32
      %sign3A_227 = arith.subi %sign3A_223, %sign3A_226 : i32
      %sign3A_228 = arith.constant 0 : i32
      %sign3A_229 = arith.cmpi sgt, %jit3A_219, %sign3A_228 : i32
      %sign3A_230 = arith.extui %sign3A_229 : i1 to i32
      %sign3A_231 = arith.constant 0 : i32
      %sign3A_232 = arith.cmpi slt, %jit3A_219, %sign3A_231 : i32
      %sign3A_233 = arith.extui %sign3A_232 : i1 to i32
      %sign3A_234 = arith.subi %sign3A_230, %sign3A_233 : i32
      %ne3A_235 = arith.cmpi ne, %sign3A_227, %sign3A_234 : i32
      %rem3A_236 = arith.remsi %mul3A_214, %jit3A_219 : i32
      %ne3A_237 = arith.constant 0 : i32
      %ne3A_238 = arith.cmpi ne, %rem3A_236, %ne3A_237 : i32
      %and3A_239 = arith.andi %ne3A_235, %ne3A_238 : i1
      %sub3A_240 = arith.constant 1 : i32
      %sub3A_241 = arith.subi %div3A_220, %sub3A_240 : i32
      %select_n3A_242 = arith.select %and3A_239, %sub3A_241, %div3A_220 : i32
      %mul3A_243 = arith.constant 112 : i32
      %mul3A_244 = arith.muli %select_n3A_242, %mul3A_243 : i32
      %mul3A_245 = arith.constant 7 : i32
      %mul3A_246 = arith.muli %rem3A_38, %mul3A_245 : i32
      %add3A_247 = arith.addi %mul3A_244, %mul3A_246 : i32
      %rem3A_248 = arith.constant 7 : i32
      %rem3A_249 = arith.remsi %mul3A_214, %rem3A_248 : i32
      %add3A_250 = arith.addi %add3A_247, %rem3A_249 : i32
      %mul3A_251 = arith.constant 448 : i32
      %mul3A_252 = arith.muli %select_n3A, %mul3A_251 : i32
      %add3A_253 = arith.addi %mul3A_252, %add3A_250 : i32
      %mul3A_254 = arith.constant 8192 : i32
      %mul3A_255 = arith.muli %add3A_253, %mul3A_254 : i32
      %dma_wait3A_256 = arith.constant 16 : i32
      %dma_wait3A_257 = tpu.memref_slice %arg7[%dma_wait3A_256] : memref<8224xf32, #tpu.memory_space<vmem>> -> memref<8192xf32, #tpu.memory_space<vmem>>
      %dma_wait3A_258 = tpu.memref_slice %arg2[%mul3A_255] : memref<14680064xf32, #tpu.memory_space<hbm>> -> memref<8192xf32, #tpu.memory_space<hbm>>
      %dma_wait3A_259 = arith.constant 16 : i32
      %dma_wait3A_260 = tpu.memref_slice %arg7[%dma_wait3A_259] : memref<8224xf32, #tpu.memory_space<vmem>> -> memref<8192xf32, #tpu.memory_space<vmem>>
      %dma_wait3A_261 = tpu.memref_slice %arg2[%mul3A_255] : memref<14680064xf32, #tpu.memory_space<hbm>> -> memref<8192xf32, #tpu.memory_space<hbm>>
      tpu.wait_dma2 semaphore(%arg15 : memref<!tpu.dma_semaphore, #tpu.memory_space<semaphore_mem>>) src(%dma_wait3A_261 : memref<8192xf32, #tpu.memory_space<hbm>>) dst(%dma_wait3A_260 : memref<8192xf32, #tpu.memory_space<vmem>>)
      %jit3A_262 = arith.constant 7 : i32
      %div3A_263 = arith.divsi %add3A_218, %jit3A_262 : i32
      %sign3A_264 = arith.constant 0 : i32
      %sign3A_265 = arith.cmpi sgt, %add3A_218, %sign3A_264 : i32
      %sign3A_266 = arith.extui %sign3A_265 : i1 to i32
      %sign3A_267 = arith.constant 0 : i32
      %sign3A_268 = arith.cmpi slt, %add3A_218, %sign3A_267 : i32
      %sign3A_269 = arith.extui %sign3A_268 : i1 to i32
      %sign3A_270 = arith.subi %sign3A_266, %sign3A_269 : i32
      %sign3A_271 = arith.constant 0 : i32
      %sign3A_272 = arith.cmpi sgt, %jit3A_262, %sign3A_271 : i32
      %sign3A_273 = arith.extui %sign3A_272 : i1 to i32
      %sign3A_274 = arith.constant 0 : i32
      %sign3A_275 = arith.cmpi slt, %jit3A_262, %sign3A_274 : i32
      %sign3A_276 = arith.extui %sign3A_275 : i1 to i32
      %sign3A_277 = arith.subi %sign3A_273, %sign3A_276 : i32
      %ne3A_278 = arith.cmpi ne, %sign3A_270, %sign3A_277 : i32
      %rem3A_279 = arith.remsi %add3A_218, %jit3A_262 : i32
      %ne3A_280 = arith.constant 0 : i32
      %ne3A_281 = arith.cmpi ne, %rem3A_279, %ne3A_280 : i32
      %and3A_282 = arith.andi %ne3A_278, %ne3A_281 : i1
      %sub3A_283 = arith.constant 1 : i32
      %sub3A_284 = arith.subi %div3A_263, %sub3A_283 : i32
      %select_n3A_285 = arith.select %and3A_282, %sub3A_284, %div3A_263 : i32
      %mul3A_286 = arith.constant 112 : i32
      %mul3A_287 = arith.muli %select_n3A_285, %mul3A_286 : i32
      %mul3A_288 = arith.constant 7 : i32
      %mul3A_289 = arith.muli %rem3A_38, %mul3A_288 : i32
      %add3A_290 = arith.addi %mul3A_287, %mul3A_289 : i32
      %rem3A_291 = arith.constant 7 : i32
      %rem3A_292 = arith.remsi %add3A_218, %rem3A_291 : i32
      %add3A_293 = arith.addi %add3A_290, %rem3A_292 : i32
      %mul3A_294 = arith.constant 448 : i32
      %mul3A_295 = arith.muli %select_n3A, %mul3A_294 : i32
      %add3A_296 = arith.addi %mul3A_295, %add3A_293 : i32
      %mul3A_297 = arith.constant 8192 : i32
      %mul3A_298 = arith.muli %add3A_296, %mul3A_297 : i32
      %dma_wait3A_299 = arith.constant 16 : i32
      %dma_wait3A_300 = tpu.memref_slice %arg8[%dma_wait3A_299] : memref<8224xf32, #tpu.memory_space<vmem>> -> memref<8192xf32, #tpu.memory_space<vmem>>
      %dma_wait3A_301 = tpu.memref_slice %arg2[%mul3A_298] : memref<14680064xf32, #tpu.memory_space<hbm>> -> memref<8192xf32, #tpu.memory_space<hbm>>
      %dma_wait3A_302 = arith.constant 16 : i32
      %dma_wait3A_303 = tpu.memref_slice %arg8[%dma_wait3A_302] : memref<8224xf32, #tpu.memory_space<vmem>> -> memref<8192xf32, #tpu.memory_space<vmem>>
      %dma_wait3A_304 = tpu.memref_slice %arg2[%mul3A_298] : memref<14680064xf32, #tpu.memory_space<hbm>> -> memref<8192xf32, #tpu.memory_space<hbm>>
      tpu.wait_dma2 semaphore(%arg16 : memref<!tpu.dma_semaphore, #tpu.memory_space<semaphore_mem>>) src(%dma_wait3A_304 : memref<8192xf32, #tpu.memory_space<hbm>>) dst(%dma_wait3A_303 : memref<8192xf32, #tpu.memory_space<vmem>>)
      %add3A_305 = arith.constant 1 : i32
      %add3A_306 = arith.addi %add3A_212, %add3A_305 : i32
      %lt3A = arith.constant 14 : i32
      %lt3A_307 = arith.cmpi slt, %add3A_306, %lt3A : i32
      %convert_element_type3A = arith.extui %lt3A_307 : i1 to i32
      %cond3A = arith.constant 0 : i32
      %cond3A_308 = arith.cmpi ne, %convert_element_type3A, %cond3A : i32
      scf.if %cond3A_308 {
        %add3A_494 = arith.constant 2 : i32
        %add3A_495 = arith.addi %mul3A_214, %add3A_494 : i32
        %jit3A_496 = arith.constant 7 : i32
        %div3A_497 = arith.divsi %add3A_495, %jit3A_496 : i32
        %sign3A_498 = arith.constant 0 : i32
        %sign3A_499 = arith.cmpi sgt, %add3A_495, %sign3A_498 : i32
        %sign3A_500 = arith.extui %sign3A_499 : i1 to i32
        %sign3A_501 = arith.constant 0 : i32
        %sign3A_502 = arith.cmpi slt, %add3A_495, %sign3A_501 : i32
        %sign3A_503 = arith.extui %sign3A_502 : i1 to i32
        %sign3A_504 = arith.subi %sign3A_500, %sign3A_503 : i32
        %sign3A_505 = arith.constant 0 : i32
        %sign3A_506 = arith.cmpi sgt, %jit3A_496, %sign3A_505 : i32
        %sign3A_507 = arith.extui %sign3A_506 : i1 to i32
        %sign3A_508 = arith.constant 0 : i32
        %sign3A_509 = arith.cmpi slt, %jit3A_496, %sign3A_508 : i32
        %sign3A_510 = arith.extui %sign3A_509 : i1 to i32
        %sign3A_511 = arith.subi %sign3A_507, %sign3A_510 : i32
        %ne3A_512 = arith.cmpi ne, %sign3A_504, %sign3A_511 : i32
        %rem3A_513 = arith.remsi %add3A_495, %jit3A_496 : i32
        %ne3A_514 = arith.constant 0 : i32
        %ne3A_515 = arith.cmpi ne, %rem3A_513, %ne3A_514 : i32
        %and3A_516 = arith.andi %ne3A_512, %ne3A_515 : i1
        %sub3A_517 = arith.constant 1 : i32
        %sub3A_518 = arith.subi %div3A_497, %sub3A_517 : i32
        %select_n3A_519 = arith.select %and3A_516, %sub3A_518, %div3A_497 : i32
        %mul3A_520 = arith.constant 112 : i32
        %mul3A_521 = arith.muli %select_n3A_519, %mul3A_520 : i32
        %mul3A_522 = arith.constant 7 : i32
        %mul3A_523 = arith.muli %rem3A_38, %mul3A_522 : i32
        %add3A_524 = arith.addi %mul3A_521, %mul3A_523 : i32
        %rem3A_525 = arith.constant 7 : i32
        %rem3A_526 = arith.remsi %add3A_495, %rem3A_525 : i32
        %add3A_527 = arith.addi %add3A_524, %rem3A_526 : i32
        %mul3A_528 = arith.constant 448 : i32
        %mul3A_529 = arith.muli %select_n3A, %mul3A_528 : i32
        %add3A_530 = arith.addi %mul3A_529, %add3A_527 : i32
        %mul3A_531 = arith.constant 8192 : i32
        %mul3A_532 = arith.muli %add3A_530, %mul3A_531 : i32
        %dma_start3A_533 = arith.constant 16 : i32
        %dma_start3A_534 = tpu.memref_slice %arg9[%dma_start3A_533] : memref<8224xf32, #tpu.memory_space<vmem>> -> memref<8192xf32, #tpu.memory_space<vmem>>
        %dma_start3A_535 = tpu.memref_slice %arg2[%mul3A_532] : memref<14680064xf32, #tpu.memory_space<hbm>> -> memref<8192xf32, #tpu.memory_space<hbm>>
        %dma_start3A_536 = arith.constant 16 : i32
        %dma_start3A_537 = tpu.memref_slice %arg9[%dma_start3A_536] : memref<8224xf32, #tpu.memory_space<vmem>> -> memref<8192xf32, #tpu.memory_space<vmem>>
        %dma_start3A_538 = tpu.memref_slice %arg2[%mul3A_532] : memref<14680064xf32, #tpu.memory_space<hbm>> -> memref<8192xf32, #tpu.memory_space<hbm>>
        tpu.enqueue_dma source(%dma_start3A_538 : memref<8192xf32, #tpu.memory_space<hbm>>) target(%dma_start3A_537 : memref<8192xf32, #tpu.memory_space<vmem>>) target_semaphore(%arg17 : memref<!tpu.dma_semaphore, #tpu.memory_space<semaphore_mem>>)
        %add3A_539 = arith.constant 2 : i32
        %add3A_540 = arith.addi %add3A_218, %add3A_539 : i32
        %jit3A_541 = arith.constant 7 : i32
        %div3A_542 = arith.divsi %add3A_540, %jit3A_541 : i32
        %sign3A_543 = arith.constant 0 : i32
        %sign3A_544 = arith.cmpi sgt, %add3A_540, %sign3A_543 : i32
        %sign3A_545 = arith.extui %sign3A_544 : i1 to i32
        %sign3A_546 = arith.constant 0 : i32
        %sign3A_547 = arith.cmpi slt, %add3A_540, %sign3A_546 : i32
        %sign3A_548 = arith.extui %sign3A_547 : i1 to i32
        %sign3A_549 = arith.subi %sign3A_545, %sign3A_548 : i32
        %sign3A_550 = arith.constant 0 : i32
        %sign3A_551 = arith.cmpi sgt, %jit3A_541, %sign3A_550 : i32
        %sign3A_552 = arith.extui %sign3A_551 : i1 to i32
        %sign3A_553 = arith.constant 0 : i32
        %sign3A_554 = arith.cmpi slt, %jit3A_541, %sign3A_553 : i32
        %sign3A_555 = arith.extui %sign3A_554 : i1 to i32
        %sign3A_556 = arith.subi %sign3A_552, %sign3A_555 : i32
        %ne3A_557 = arith.cmpi ne, %sign3A_549, %sign3A_556 : i32
        %rem3A_558 = arith.remsi %add3A_540, %jit3A_541 : i32
        %ne3A_559 = arith.constant 0 : i32
        %ne3A_560 = arith.cmpi ne, %rem3A_558, %ne3A_559 : i32
        %and3A_561 = arith.andi %ne3A_557, %ne3A_560 : i1
        %sub3A_562 = arith.constant 1 : i32
        %sub3A_563 = arith.subi %div3A_542, %sub3A_562 : i32
        %select_n3A_564 = arith.select %and3A_561, %sub3A_563, %div3A_542 : i32
        %mul3A_565 = arith.constant 112 : i32
        %mul3A_566 = arith.muli %select_n3A_564, %mul3A_565 : i32
        %mul3A_567 = arith.constant 7 : i32
        %mul3A_568 = arith.muli %rem3A_38, %mul3A_567 : i32
        %add3A_569 = arith.addi %mul3A_566, %mul3A_568 : i32
        %rem3A_570 = arith.constant 7 : i32
        %rem3A_571 = arith.remsi %add3A_540, %rem3A_570 : i32
        %add3A_572 = arith.addi %add3A_569, %rem3A_571 : i32
        %mul3A_573 = arith.constant 448 : i32
        %mul3A_574 = arith.muli %select_n3A, %mul3A_573 : i32
        %add3A_575 = arith.addi %mul3A_574, %add3A_572 : i32
        %mul3A_576 = arith.constant 8192 : i32
        %mul3A_577 = arith.muli %add3A_575, %mul3A_576 : i32
        %dma_start3A_578 = arith.constant 16 : i32
        %dma_start3A_579 = tpu.memref_slice %arg10[%dma_start3A_578] : memref<8224xf32, #tpu.memory_space<vmem>> -> memref<8192xf32, #tpu.memory_space<vmem>>
        %dma_start3A_580 = tpu.memref_slice %arg2[%mul3A_577] : memref<14680064xf32, #tpu.memory_space<hbm>> -> memref<8192xf32, #tpu.memory_space<hbm>>
        %dma_start3A_581 = arith.constant 16 : i32
        %dma_start3A_582 = tpu.memref_slice %arg10[%dma_start3A_581] : memref<8224xf32, #tpu.memory_space<vmem>> -> memref<8192xf32, #tpu.memory_space<vmem>>
        %dma_start3A_583 = tpu.memref_slice %arg2[%mul3A_577] : memref<14680064xf32, #tpu.memory_space<hbm>> -> memref<8192xf32, #tpu.memory_space<hbm>>
        tpu.enqueue_dma source(%dma_start3A_583 : memref<8192xf32, #tpu.memory_space<hbm>>) target(%dma_start3A_582 : memref<8192xf32, #tpu.memory_space<vmem>>) target_semaphore(%arg18 : memref<!tpu.dma_semaphore, #tpu.memory_space<semaphore_mem>>)
      } else {
      }
      %mul3A_309 = arith.constant 16 : i32
      %mul3A_310 = arith.muli %mul3A_214, %mul3A_309 : i32
      %add3A_311 = vector.broadcast %mul3A_310 : i32 to vector<16xi32>
      %add3A_312 = arith.addi %iota3A, %add3A_311 : vector<16xi32>
      %gather3A = tpu.vector_load_idx %arg11[%add3A_312] : memref<1344xi32, #tpu.memory_space<vmem>>[vector<16xi32>], vector<16xi32>,
      %add3A_313 = arith.constant 28 : i32
      %add3A_314 = arith.addi %add3A_313, %mul3A_214 : i32
      %mul3A_315 = arith.constant 16 : i32
      %mul3A_316 = arith.muli %add3A_314, %mul3A_315 : i32
      %add3A_317 = vector.broadcast %mul3A_316 : i32 to vector<16xi32>
      %add3A_318 = arith.addi %iota3A, %add3A_317 : vector<16xi32>
      %gather3A_319 = tpu.vector_load_idx %arg11[%add3A_318] : memref<1344xi32, #tpu.memory_space<vmem>>[vector<16xi32>], vector<16xi32>,
      %add3A_320 = arith.constant 56 : i32
      %add3A_321 = arith.addi %add3A_320, %mul3A_214 : i32
      %mul3A_322 = arith.constant 16 : i32
      %mul3A_323 = arith.muli %add3A_321, %mul3A_322 : i32
      %add3A_324 = vector.broadcast %mul3A_323 : i32 to vector<16xi32>
      %add3A_325 = arith.addi %iota3A, %add3A_324 : vector<16xi32>
      %gather3A_326 = tpu.vector_load_idx %arg11[%add3A_325] : memref<1344xi32, #tpu.memory_space<vmem>>[vector<16xi32>], vector<16xi32>,
      %mul3A_327 = arith.constant 16 : i32
      %mul3A_328 = arith.muli %add3A_218, %mul3A_327 : i32
      %add3A_329 = vector.broadcast %mul3A_328 : i32 to vector<16xi32>
      %add3A_330 = arith.addi %iota3A, %add3A_329 : vector<16xi32>
      %gather3A_331 = tpu.vector_load_idx %arg11[%add3A_330] : memref<1344xi32, #tpu.memory_space<vmem>>[vector<16xi32>], vector<16xi32>,
      %add3A_332 = arith.constant 28 : i32
      %add3A_333 = arith.addi %add3A_332, %add3A_218 : i32
      %mul3A_334 = arith.constant 16 : i32
      %mul3A_335 = arith.muli %add3A_333, %mul3A_334 : i32
      %add3A_336 = vector.broadcast %mul3A_335 : i32 to vector<16xi32>
      %add3A_337 = arith.addi %iota3A, %add3A_336 : vector<16xi32>
      %gather3A_338 = tpu.vector_load_idx %arg11[%add3A_337] : memref<1344xi32, #tpu.memory_space<vmem>>[vector<16xi32>], vector<16xi32>,
      %add3A_339 = arith.constant 56 : i32
      %add3A_340 = arith.addi %add3A_339, %add3A_218 : i32
      %mul3A_341 = arith.constant 16 : i32
      %mul3A_342 = arith.muli %add3A_340, %mul3A_341 : i32
      %add3A_343 = vector.broadcast %mul3A_342 : i32 to vector<16xi32>
      %add3A_344 = arith.addi %iota3A, %add3A_343 : vector<16xi32>
      %gather3A_345 = tpu.vector_load_idx %arg11[%add3A_344] : memref<1344xi32, #tpu.memory_space<vmem>>[vector<16xi32>], vector<16xi32>,
      %parallel_loop3A_346 = arith.constant 0 : i32
      %parallel_loop3A_347 = arith.constant 8192 : i32
      %parallel_loop3A_348 = arith.constant 16 : i32
      scf.for %parallel_loop3A_494 = %parallel_loop3A_346 to %parallel_loop3A_347 step %parallel_loop3A_348  : i32 {
        %parallel_loop3A_495 = tpu.assume_multiple %parallel_loop3A_494, 16 : i32
        %parallel_loop3A_496 = vector.broadcast %parallel_loop3A_494 : i32 to vector<16xi32>
        %parallel_loop3A_497 = arith.addi %gather3A, %parallel_loop3A_496 : vector<16xi32>
        %parallel_loop3A_498 = tpu.vector_load_idx %arg7[%parallel_loop3A_497] : memref<8224xf32, #tpu.memory_space<vmem>>[vector<16xi32>], vector<16xf32>,
        %parallel_loop3A_499 = vector.broadcast %parallel_loop3A_494 : i32 to vector<16xi32>
        %parallel_loop3A_500 = arith.addi %gather3A_331, %parallel_loop3A_499 : vector<16xi32>
        %parallel_loop3A_501 = tpu.vector_load_idx %arg8[%parallel_loop3A_500] : memref<8224xf32, #tpu.memory_space<vmem>>[vector<16xi32>], vector<16xf32>,
        %parallel_loop3A_502 = arith.addf %parallel_loop3A_498, %parallel_loop3A_501 : vector<16xf32>
        %parallel_loop3A_503 = vector.broadcast %parallel_loop3A_494 : i32 to vector<16xi32>
        %parallel_loop3A_504 = arith.addi %gather3A_319, %parallel_loop3A_503 : vector<16xi32>
        %parallel_loop3A_505 = tpu.vector_load_idx %arg7[%parallel_loop3A_504] : memref<8224xf32, #tpu.memory_space<vmem>>[vector<16xi32>], vector<16xf32>,
        %parallel_loop3A_506 = vector.broadcast %parallel_loop3A_494 : i32 to vector<16xi32>
        %parallel_loop3A_507 = arith.addi %gather3A_338, %parallel_loop3A_506 : vector<16xi32>
        %parallel_loop3A_508 = tpu.vector_load_idx %arg8[%parallel_loop3A_507] : memref<8224xf32, #tpu.memory_space<vmem>>[vector<16xi32>], vector<16xf32>,
        %parallel_loop3A_509 = arith.addf %parallel_loop3A_505, %parallel_loop3A_508 : vector<16xf32>
        %parallel_loop3A_510 = vector.broadcast %parallel_loop3A_494 : i32 to vector<16xi32>
        %parallel_loop3A_511 = arith.addi %gather3A_326, %parallel_loop3A_510 : vector<16xi32>
        %parallel_loop3A_512 = tpu.vector_load_idx %arg7[%parallel_loop3A_511] : memref<8224xf32, #tpu.memory_space<vmem>>[vector<16xi32>], vector<16xf32>,
        %parallel_loop3A_513 = vector.broadcast %parallel_loop3A_494 : i32 to vector<16xi32>
        %parallel_loop3A_514 = arith.addi %gather3A_345, %parallel_loop3A_513 : vector<16xi32>
        %parallel_loop3A_515 = tpu.vector_load_idx %arg8[%parallel_loop3A_514] : memref<8224xf32, #tpu.memory_space<vmem>>[vector<16xi32>], vector<16xf32>,
        %parallel_loop3A_516 = arith.addf %parallel_loop3A_512, %parallel_loop3A_515 : vector<16xf32>
        %parallel_loop3A_517 = arith.index_cast %parallel_loop3A_495 : i32 to index
        %parallel_loop3A_518 = tpu.vector_load %arg12[%parallel_loop3A_517] {strides = array<i32>} : memref<8192xf32, #tpu.memory_space<vmem>>, vector<16xf32>,
        tpu.vector_store %arg12[%parallel_loop3A_517], %parallel_loop3A_502 {add = true, strides = array<i32>} : memref<8192xf32, #tpu.memory_space<vmem>>, vector<16xf32>,
        %parallel_loop3A_519 = arith.index_cast %parallel_loop3A_495 : i32 to index
        %parallel_loop3A_520 = tpu.vector_load %arg13[%parallel_loop3A_519] {strides = array<i32>} : memref<8192xf32, #tpu.memory_space<vmem>>, vector<16xf32>,
        tpu.vector_store %arg13[%parallel_loop3A_519], %parallel_loop3A_509 {add = true, strides = array<i32>} : memref<8192xf32, #tpu.memory_space<vmem>>, vector<16xf32>,
        %parallel_loop3A_521 = arith.index_cast %parallel_loop3A_495 : i32 to index
        %parallel_loop3A_522 = tpu.vector_load %arg14[%parallel_loop3A_521] {strides = array<i32>} : memref<8192xf32, #tpu.memory_space<vmem>>, vector<16xf32>,
        tpu.vector_store %arg14[%parallel_loop3A_521], %parallel_loop3A_516 {add = true, strides = array<i32>} : memref<8192xf32, #tpu.memory_space<vmem>>, vector<16xf32>,
      } {sc.loop_unroll_factor = 8 : i64, sc.parallel_access}
      %mul3A_349 = arith.constant 2 : i32
      %mul3A_350 = arith.muli %scan3A_207, %mul3A_349 : i32
      %add3A_351 = arith.constant 1 : i32
      %add3A_352 = arith.addi %mul3A_350, %add3A_351 : i32
      %mul3A_353 = arith.constant 2 : i32
      %mul3A_354 = arith.muli %add3A_352, %mul3A_353 : i32
      %mul3A_355 = arith.constant 2 : i32
      %mul3A_356 = arith.muli %add3A_352, %mul3A_355 : i32
      %add3A_357 = arith.constant 1 : i32
      %add3A_358 = arith.addi %mul3A_356, %add3A_357 : i32
      %jit3A_359 = arith.constant 7 : i32
      %div3A_360 = arith.divsi %mul3A_354, %jit3A_359 : i32
      %sign3A_361 = arith.constant 0 : i32
      %sign3A_362 = arith.cmpi sgt, %mul3A_354, %sign3A_361 : i32
      %sign3A_363 = arith.extui %sign3A_362 : i1 to i32
      %sign3A_364 = arith.constant 0 : i32
      %sign3A_365 = arith.cmpi slt, %mul3A_354, %sign3A_364 : i32
      %sign3A_366 = arith.extui %sign3A_365 : i1 to i32
      %sign3A_367 = arith.subi %sign3A_363, %sign3A_366 : i32
      %sign3A_368 = arith.constant 0 : i32
      %sign3A_369 = arith.cmpi sgt, %jit3A_359, %sign3A_368 : i32
      %sign3A_370 = arith.extui %sign3A_369 : i1 to i32
      %sign3A_371 = arith.constant 0 : i32
      %sign3A_372 = arith.cmpi slt, %jit3A_359, %sign3A_371 : i32
      %sign3A_373 = arith.extui %sign3A_372 : i1 to i32
      %sign3A_374 = arith.subi %sign3A_370, %sign3A_373 : i32
      %ne3A_375 = arith.cmpi ne, %sign3A_367, %sign3A_374 : i32
      %rem3A_376 = arith.remsi %mul3A_354, %jit3A_359 : i32
      %ne3A_377 = arith.constant 0 : i32
      %ne3A_378 = arith.cmpi ne, %rem3A_376, %ne3A_377 : i32
      %and3A_379 = arith.andi %ne3A_375, %ne3A_378 : i1
      %sub3A_380 = arith.constant 1 : i32
      %sub3A_381 = arith.subi %div3A_360, %sub3A_380 : i32
      %select_n3A_382 = arith.select %and3A_379, %sub3A_381, %div3A_360 : i32
      %mul3A_383 = arith.constant 112 : i32
      %mul3A_384 = arith.muli %select_n3A_382, %mul3A_383 : i32
      %mul3A_385 = arith.constant 7 : i32
      %mul3A_386 = arith.muli %rem3A_38, %mul3A_385 : i32
      %add3A_387 = arith.addi %mul3A_384, %mul3A_386 : i32
      %rem3A_388 = arith.constant 7 : i32
      %rem3A_389 = arith.remsi %mul3A_354, %rem3A_388 : i32
      %add3A_390 = arith.addi %add3A_387, %rem3A_389 : i32
      %mul3A_391 = arith.constant 448 : i32
      %mul3A_392 = arith.muli %select_n3A, %mul3A_391 : i32
      %add3A_393 = arith.addi %mul3A_392, %add3A_390 : i32
      %mul3A_394 = arith.constant 8192 : i32
      %mul3A_395 = arith.muli %add3A_393, %mul3A_394 : i32
      %dma_wait3A_396 = arith.constant 16 : i32
      %dma_wait3A_397 = tpu.memref_slice %arg9[%dma_wait3A_396] : memref<8224xf32, #tpu.memory_space<vmem>> -> memref<8192xf32, #tpu.memory_space<vmem>>
      %dma_wait3A_398 = tpu.memref_slice %arg2[%mul3A_395] : memref<14680064xf32, #tpu.memory_space<hbm>> -> memref<8192xf32, #tpu.memory_space<hbm>>
      %dma_wait3A_399 = arith.constant 16 : i32
      %dma_wait3A_400 = tpu.memref_slice %arg9[%dma_wait3A_399] : memref<8224xf32, #tpu.memory_space<vmem>> -> memref<8192xf32, #tpu.memory_space<vmem>>
      %dma_wait3A_401 = tpu.memref_slice %arg2[%mul3A_395] : memref<14680064xf32, #tpu.memory_space<hbm>> -> memref<8192xf32, #tpu.memory_space<hbm>>
      tpu.wait_dma2 semaphore(%arg17 : memref<!tpu.dma_semaphore, #tpu.memory_space<semaphore_mem>>) src(%dma_wait3A_401 : memref<8192xf32, #tpu.memory_space<hbm>>) dst(%dma_wait3A_400 : memref<8192xf32, #tpu.memory_space<vmem>>)
      %jit3A_402 = arith.constant 7 : i32
      %div3A_403 = arith.divsi %add3A_358, %jit3A_402 : i32
      %sign3A_404 = arith.constant 0 : i32
      %sign3A_405 = arith.cmpi sgt, %add3A_358, %sign3A_404 : i32
      %sign3A_406 = arith.extui %sign3A_405 : i1 to i32
      %sign3A_407 = arith.constant 0 : i32
      %sign3A_408 = arith.cmpi slt, %add3A_358, %sign3A_407 : i32
      %sign3A_409 = arith.extui %sign3A_408 : i1 to i32
      %sign3A_410 = arith.subi %sign3A_406, %sign3A_409 : i32
      %sign3A_411 = arith.constant 0 : i32
      %sign3A_412 = arith.cmpi sgt, %jit3A_402, %sign3A_411 : i32
      %sign3A_413 = arith.extui %sign3A_412 : i1 to i32
      %sign3A_414 = arith.constant 0 : i32
      %sign3A_415 = arith.cmpi slt, %jit3A_402, %sign3A_414 : i32
      %sign3A_416 = arith.extui %sign3A_415 : i1 to i32
      %sign3A_417 = arith.subi %sign3A_413, %sign3A_416 : i32
      %ne3A_418 = arith.cmpi ne, %sign3A_410, %sign3A_417 : i32
      %rem3A_419 = arith.remsi %add3A_358, %jit3A_402 : i32
      %ne3A_420 = arith.constant 0 : i32
      %ne3A_421 = arith.cmpi ne, %rem3A_419, %ne3A_420 : i32
      %and3A_422 = arith.andi %ne3A_418, %ne3A_421 : i1
      %sub3A_423 = arith.constant 1 : i32
      %sub3A_424 = arith.subi %div3A_403, %sub3A_423 : i32
      %select_n3A_425 = arith.select %and3A_422, %sub3A_424, %div3A_403 : i32
      %mul3A_426 = arith.constant 112 : i32
      %mul3A_427 = arith.muli %select_n3A_425, %mul3A_426 : i32
      %mul3A_428 = arith.constant 7 : i32
      %mul3A_429 = arith.muli %rem3A_38, %mul3A_428 : i32
      %add3A_430 = arith.addi %mul3A_427, %mul3A_429 : i32
      %rem3A_431 = arith.constant 7 : i32
      %rem3A_432 = arith.remsi %add3A_358, %rem3A_431 : i32
      %add3A_433 = arith.addi %add3A_430, %rem3A_432 : i32
      %mul3A_434 = arith.constant 448 : i32
      %mul3A_435 = arith.muli %select_n3A, %mul3A_434 : i32
      %add3A_436 = arith.addi %mul3A_435, %add3A_433 : i32
      %mul3A_437 = arith.constant 8192 : i32
      %mul3A_438 = arith.muli %add3A_436, %mul3A_437 : i32
      %dma_wait3A_439 = arith.constant 16 : i32
      %dma_wait3A_440 = tpu.memref_slice %arg10[%dma_wait3A_439] : memref<8224xf32, #tpu.memory_space<vmem>> -> memref<8192xf32, #tpu.memory_space<vmem>>
      %dma_wait3A_441 = tpu.memref_slice %arg2[%mul3A_438] : memref<14680064xf32, #tpu.memory_space<hbm>> -> memref<8192xf32, #tpu.memory_space<hbm>>
      %dma_wait3A_442 = arith.constant 16 : i32
      %dma_wait3A_443 = tpu.memref_slice %arg10[%dma_wait3A_442] : memref<8224xf32, #tpu.memory_space<vmem>> -> memref<8192xf32, #tpu.memory_space<vmem>>
      %dma_wait3A_444 = tpu.memref_slice %arg2[%mul3A_438] : memref<14680064xf32, #tpu.memory_space<hbm>> -> memref<8192xf32, #tpu.memory_space<hbm>>
      tpu.wait_dma2 semaphore(%arg18 : memref<!tpu.dma_semaphore, #tpu.memory_space<semaphore_mem>>) src(%dma_wait3A_444 : memref<8192xf32, #tpu.memory_space<hbm>>) dst(%dma_wait3A_443 : memref<8192xf32, #tpu.memory_space<vmem>>)
      %add3A_445 = arith.constant 1 : i32
      %add3A_446 = arith.addi %add3A_352, %add3A_445 : i32
      %lt3A_447 = arith.constant 14 : i32
      %lt3A_448 = arith.cmpi slt, %add3A_446, %lt3A_447 : i32
      %convert_element_type3A_449 = arith.extui %lt3A_448 : i1 to i32
      %cond3A_450 = arith.constant 0 : i32
      %cond3A_451 = arith.cmpi ne, %convert_element_type3A_449, %cond3A_450 : i32
      scf.if %cond3A_451 {
        %add3A_494 = arith.constant 2 : i32
        %add3A_495 = arith.addi %mul3A_354, %add3A_494 : i32
        %jit3A_496 = arith.constant 7 : i32
        %div3A_497 = arith.divsi %add3A_495, %jit3A_496 : i32
        %sign3A_498 = arith.constant 0 : i32
        %sign3A_499 = arith.cmpi sgt, %add3A_495, %sign3A_498 : i32
        %sign3A_500 = arith.extui %sign3A_499 : i1 to i32
        %sign3A_501 = arith.constant 0 : i32
        %sign3A_502 = arith.cmpi slt, %add3A_495, %sign3A_501 : i32
        %sign3A_503 = arith.extui %sign3A_502 : i1 to i32
        %sign3A_504 = arith.subi %sign3A_500, %sign3A_503 : i32
        %sign3A_505 = arith.constant 0 : i32
        %sign3A_506 = arith.cmpi sgt, %jit3A_496, %sign3A_505 : i32
        %sign3A_507 = arith.extui %sign3A_506 : i1 to i32
        %sign3A_508 = arith.constant 0 : i32
        %sign3A_509 = arith.cmpi slt, %jit3A_496, %sign3A_508 : i32
        %sign3A_510 = arith.extui %sign3A_509 : i1 to i32
        %sign3A_511 = arith.subi %sign3A_507, %sign3A_510 : i32
        %ne3A_512 = arith.cmpi ne, %sign3A_504, %sign3A_511 : i32
        %rem3A_513 = arith.remsi %add3A_495, %jit3A_496 : i32
        %ne3A_514 = arith.constant 0 : i32
        %ne3A_515 = arith.cmpi ne, %rem3A_513, %ne3A_514 : i32
        %and3A_516 = arith.andi %ne3A_512, %ne3A_515 : i1
        %sub3A_517 = arith.constant 1 : i32
        %sub3A_518 = arith.subi %div3A_497, %sub3A_517 : i32
        %select_n3A_519 = arith.select %and3A_516, %sub3A_518, %div3A_497 : i32
        %mul3A_520 = arith.constant 112 : i32
        %mul3A_521 = arith.muli %select_n3A_519, %mul3A_520 : i32
        %mul3A_522 = arith.constant 7 : i32
        %mul3A_523 = arith.muli %rem3A_38, %mul3A_522 : i32
        %add3A_524 = arith.addi %mul3A_521, %mul3A_523 : i32
        %rem3A_525 = arith.constant 7 : i32
        %rem3A_526 = arith.remsi %add3A_495, %rem3A_525 : i32
        %add3A_527 = arith.addi %add3A_524, %rem3A_526 : i32
        %mul3A_528 = arith.constant 448 : i32
        %mul3A_529 = arith.muli %select_n3A, %mul3A_528 : i32
        %add3A_530 = arith.addi %mul3A_529, %add3A_527 : i32
        %mul3A_531 = arith.constant 8192 : i32
        %mul3A_532 = arith.muli %add3A_530, %mul3A_531 : i32
        %dma_start3A_533 = arith.constant 16 : i32
        %dma_start3A_534 = tpu.memref_slice %arg7[%dma_start3A_533] : memref<8224xf32, #tpu.memory_space<vmem>> -> memref<8192xf32, #tpu.memory_space<vmem>>
        %dma_start3A_535 = tpu.memref_slice %arg2[%mul3A_532] : memref<14680064xf32, #tpu.memory_space<hbm>> -> memref<8192xf32, #tpu.memory_space<hbm>>
        %dma_start3A_536 = arith.constant 16 : i32
        %dma_start3A_537 = tpu.memref_slice %arg7[%dma_start3A_536] : memref<8224xf32, #tpu.memory_space<vmem>> -> memref<8192xf32, #tpu.memory_space<vmem>>
        %dma_start3A_538 = tpu.memref_slice %arg2[%mul3A_532] : memref<14680064xf32, #tpu.memory_space<hbm>> -> memref<8192xf32, #tpu.memory_space<hbm>>
        tpu.enqueue_dma source(%dma_start3A_538 : memref<8192xf32, #tpu.memory_space<hbm>>) target(%dma_start3A_537 : memref<8192xf32, #tpu.memory_space<vmem>>) target_semaphore(%arg15 : memref<!tpu.dma_semaphore, #tpu.memory_space<semaphore_mem>>)
        %add3A_539 = arith.constant 2 : i32
        %add3A_540 = arith.addi %add3A_358, %add3A_539 : i32
        %jit3A_541 = arith.constant 7 : i32
        %div3A_542 = arith.divsi %add3A_540, %jit3A_541 : i32
        %sign3A_543 = arith.constant 0 : i32
        %sign3A_544 = arith.cmpi sgt, %add3A_540, %sign3A_543 : i32
        %sign3A_545 = arith.extui %sign3A_544 : i1 to i32
        %sign3A_546 = arith.constant 0 : i32
        %sign3A_547 = arith.cmpi slt, %add3A_540, %sign3A_546 : i32
        %sign3A_548 = arith.extui %sign3A_547 : i1 to i32
        %sign3A_549 = arith.subi %sign3A_545, %sign3A_548 : i32
        %sign3A_550 = arith.constant 0 : i32
        %sign3A_551 = arith.cmpi sgt, %jit3A_541, %sign3A_550 : i32
        %sign3A_552 = arith.extui %sign3A_551 : i1 to i32
        %sign3A_553 = arith.constant 0 : i32
        %sign3A_554 = arith.cmpi slt, %jit3A_541, %sign3A_553 : i32
        %sign3A_555 = arith.extui %sign3A_554 : i1 to i32
        %sign3A_556 = arith.subi %sign3A_552, %sign3A_555 : i32
        %ne3A_557 = arith.cmpi ne, %sign3A_549, %sign3A_556 : i32
        %rem3A_558 = arith.remsi %add3A_540, %jit3A_541 : i32
        %ne3A_559 = arith.constant 0 : i32
        %ne3A_560 = arith.cmpi ne, %rem3A_558, %ne3A_559 : i32
        %and3A_561 = arith.andi %ne3A_557, %ne3A_560 : i1
        %sub3A_562 = arith.constant 1 : i32
        %sub3A_563 = arith.subi %div3A_542, %sub3A_562 : i32
        %select_n3A_564 = arith.select %and3A_561, %sub3A_563, %div3A_542 : i32
        %mul3A_565 = arith.constant 112 : i32
        %mul3A_566 = arith.muli %select_n3A_564, %mul3A_565 : i32
        %mul3A_567 = arith.constant 7 : i32
        %mul3A_568 = arith.muli %rem3A_38, %mul3A_567 : i32
        %add3A_569 = arith.addi %mul3A_566, %mul3A_568 : i32
        %rem3A_570 = arith.constant 7 : i32
        %rem3A_571 = arith.remsi %add3A_540, %rem3A_570 : i32
        %add3A_572 = arith.addi %add3A_569, %rem3A_571 : i32
        %mul3A_573 = arith.constant 448 : i32
        %mul3A_574 = arith.muli %select_n3A, %mul3A_573 : i32
        %add3A_575 = arith.addi %mul3A_574, %add3A_572 : i32
        %mul3A_576 = arith.constant 8192 : i32
        %mul3A_577 = arith.muli %add3A_575, %mul3A_576 : i32
        %dma_start3A_578 = arith.constant 16 : i32
        %dma_start3A_579 = tpu.memref_slice %arg8[%dma_start3A_578] : memref<8224xf32, #tpu.memory_space<vmem>> -> memref<8192xf32, #tpu.memory_space<vmem>>
        %dma_start3A_580 = tpu.memref_slice %arg2[%mul3A_577] : memref<14680064xf32, #tpu.memory_space<hbm>> -> memref<8192xf32, #tpu.memory_space<hbm>>
        %dma_start3A_581 = arith.constant 16 : i32
        %dma_start3A_582 = tpu.memref_slice %arg8[%dma_start3A_581] : memref<8224xf32, #tpu.memory_space<vmem>> -> memref<8192xf32, #tpu.memory_space<vmem>>
        %dma_start3A_583 = tpu.memref_slice %arg2[%mul3A_577] : memref<14680064xf32, #tpu.memory_space<hbm>> -> memref<8192xf32, #tpu.memory_space<hbm>>
        tpu.enqueue_dma source(%dma_start3A_583 : memref<8192xf32, #tpu.memory_space<hbm>>) target(%dma_start3A_582 : memref<8192xf32, #tpu.memory_space<vmem>>) target_semaphore(%arg16 : memref<!tpu.dma_semaphore, #tpu.memory_space<semaphore_mem>>)
      } else {
      }
      %mul3A_452 = arith.constant 16 : i32
      %mul3A_453 = arith.muli %mul3A_354, %mul3A_452 : i32
      %add3A_454 = vector.broadcast %mul3A_453 : i32 to vector<16xi32>
      %add3A_455 = arith.addi %iota3A, %add3A_454 : vector<16xi32>
      %gather3A_456 = tpu.vector_load_idx %arg11[%add3A_455] : memref<1344xi32, #tpu.memory_space<vmem>>[vector<16xi32>], vector<16xi32>,
      %add3A_457 = arith.constant 28 : i32
      %add3A_458 = arith.addi %add3A_457, %mul3A_354 : i32
      %mul3A_459 = arith.constant 16 : i32
      %mul3A_460 = arith.muli %add3A_458, %mul3A_459 : i32
      %add3A_461 = vector.broadcast %mul3A_460 : i32 to vector<16xi32>
      %add3A_462 = arith.addi %iota3A, %add3A_461 : vector<16xi32>
      %gather3A_463 = tpu.vector_load_idx %arg11[%add3A_462] : memref<1344xi32, #tpu.memory_space<vmem>>[vector<16xi32>], vector<16xi32>,
      %add3A_464 = arith.constant 56 : i32
      %add3A_465 = arith.addi %add3A_464, %mul3A_354 : i32
      %mul3A_466 = arith.constant 16 : i32
      %mul3A_467 = arith.muli %add3A_465, %mul3A_466 : i32
      %add3A_468 = vector.broadcast %mul3A_467 : i32 to vector<16xi32>
      %add3A_469 = arith.addi %iota3A, %add3A_468 : vector<16xi32>
      %gather3A_470 = tpu.vector_load_idx %arg11[%add3A_469] : memref<1344xi32, #tpu.memory_space<vmem>>[vector<16xi32>], vector<16xi32>,
      %mul3A_471 = arith.constant 16 : i32
      %mul3A_472 = arith.muli %add3A_358, %mul3A_471 : i32
      %add3A_473 = vector.broadcast %mul3A_472 : i32 to vector<16xi32>
      %add3A_474 = arith.addi %iota3A, %add3A_473 : vector<16xi32>
      %gather3A_475 = tpu.vector_load_idx %arg11[%add3A_474] : memref<1344xi32, #tpu.memory_space<vmem>>[vector<16xi32>], vector<16xi32>,
      %add3A_476 = arith.constant 28 : i32
      %add3A_477 = arith.addi %add3A_476, %add3A_358 : i32
      %mul3A_478 = arith.constant 16 : i32
      %mul3A_479 = arith.muli %add3A_477, %mul3A_478 : i32
      %add3A_480 = vector.broadcast %mul3A_479 : i32 to vector<16xi32>
      %add3A_481 = arith.addi %iota3A, %add3A_480 : vector<16xi32>
      %gather3A_482 = tpu.vector_load_idx %arg11[%add3A_481] : memref<1344xi32, #tpu.memory_space<vmem>>[vector<16xi32>], vector<16xi32>,
      %add3A_483 = arith.constant 56 : i32
      %add3A_484 = arith.addi %add3A_483, %add3A_358 : i32
      %mul3A_485 = arith.constant 16 : i32
      %mul3A_486 = arith.muli %add3A_484, %mul3A_485 : i32
      %add3A_487 = vector.broadcast %mul3A_486 : i32 to vector<16xi32>
      %add3A_488 = arith.addi %iota3A, %add3A_487 : vector<16xi32>
      %gather3A_489 = tpu.vector_load_idx %arg11[%add3A_488] : memref<1344xi32, #tpu.memory_space<vmem>>[vector<16xi32>], vector<16xi32>,
      %parallel_loop3A_490 = arith.constant 0 : i32
      %parallel_loop3A_491 = arith.constant 8192 : i32
      %parallel_loop3A_492 = arith.constant 16 : i32
      scf.for %parallel_loop3A_494 = %parallel_loop3A_490 to %parallel_loop3A_491 step %parallel_loop3A_492  : i32 {
        %parallel_loop3A_495 = tpu.assume_multiple %parallel_loop3A_494, 16 : i32
        %parallel_loop3A_496 = vector.broadcast %parallel_loop3A_494 : i32 to vector<16xi32>
        %parallel_loop3A_497 = arith.addi %gather3A_456, %parallel_loop3A_496 : vector<16xi32>
        %parallel_loop3A_498 = tpu.vector_load_idx %arg9[%parallel_loop3A_497] : memref<8224xf32, #tpu.memory_space<vmem>>[vector<16xi32>], vector<16xf32>,
        %parallel_loop3A_499 = vector.broadcast %parallel_loop3A_494 : i32 to vector<16xi32>
        %parallel_loop3A_500 = arith.addi %gather3A_475, %parallel_loop3A_499 : vector<16xi32>
        %parallel_loop3A_501 = tpu.vector_load_idx %arg10[%parallel_loop3A_500] : memref<8224xf32, #tpu.memory_space<vmem>>[vector<16xi32>], vector<16xf32>,
        %parallel_loop3A_502 = arith.addf %parallel_loop3A_498, %parallel_loop3A_501 : vector<16xf32>
        %parallel_loop3A_503 = vector.broadcast %parallel_loop3A_494 : i32 to vector<16xi32>
        %parallel_loop3A_504 = arith.addi %gather3A_463, %parallel_loop3A_503 : vector<16xi32>
        %parallel_loop3A_505 = tpu.vector_load_idx %arg9[%parallel_loop3A_504] : memref<8224xf32, #tpu.memory_space<vmem>>[vector<16xi32>], vector<16xf32>,
        %parallel_loop3A_506 = vector.broadcast %parallel_loop3A_494 : i32 to vector<16xi32>
        %parallel_loop3A_507 = arith.addi %gather3A_482, %parallel_loop3A_506 : vector<16xi32>
        %parallel_loop3A_508 = tpu.vector_load_idx %arg10[%parallel_loop3A_507] : memref<8224xf32, #tpu.memory_space<vmem>>[vector<16xi32>], vector<16xf32>,
        %parallel_loop3A_509 = arith.addf %parallel_loop3A_505, %parallel_loop3A_508 : vector<16xf32>
        %parallel_loop3A_510 = vector.broadcast %parallel_loop3A_494 : i32 to vector<16xi32>
        %parallel_loop3A_511 = arith.addi %gather3A_470, %parallel_loop3A_510 : vector<16xi32>
        %parallel_loop3A_512 = tpu.vector_load_idx %arg9[%parallel_loop3A_511] : memref<8224xf32, #tpu.memory_space<vmem>>[vector<16xi32>], vector<16xf32>,
        %parallel_loop3A_513 = vector.broadcast %parallel_loop3A_494 : i32 to vector<16xi32>
        %parallel_loop3A_514 = arith.addi %gather3A_489, %parallel_loop3A_513 : vector<16xi32>
        %parallel_loop3A_515 = tpu.vector_load_idx %arg10[%parallel_loop3A_514] : memref<8224xf32, #tpu.memory_space<vmem>>[vector<16xi32>], vector<16xf32>,
        %parallel_loop3A_516 = arith.addf %parallel_loop3A_512, %parallel_loop3A_515 : vector<16xf32>
        %parallel_loop3A_517 = arith.index_cast %parallel_loop3A_495 : i32 to index
        %parallel_loop3A_518 = tpu.vector_load %arg12[%parallel_loop3A_517] {strides = array<i32>} : memref<8192xf32, #tpu.memory_space<vmem>>, vector<16xf32>,
        tpu.vector_store %arg12[%parallel_loop3A_517], %parallel_loop3A_502 {add = true, strides = array<i32>} : memref<8192xf32, #tpu.memory_space<vmem>>, vector<16xf32>,
        %parallel_loop3A_519 = arith.index_cast %parallel_loop3A_495 : i32 to index
        %parallel_loop3A_520 = tpu.vector_load %arg13[%parallel_loop3A_519] {strides = array<i32>} : memref<8192xf32, #tpu.memory_space<vmem>>, vector<16xf32>,
        tpu.vector_store %arg13[%parallel_loop3A_519], %parallel_loop3A_509 {add = true, strides = array<i32>} : memref<8192xf32, #tpu.memory_space<vmem>>, vector<16xf32>,
        %parallel_loop3A_521 = arith.index_cast %parallel_loop3A_495 : i32 to index
        %parallel_loop3A_522 = tpu.vector_load %arg14[%parallel_loop3A_521] {strides = array<i32>} : memref<8192xf32, #tpu.memory_space<vmem>>, vector<16xf32>,
        tpu.vector_store %arg14[%parallel_loop3A_521], %parallel_loop3A_516 {add = true, strides = array<i32>} : memref<8192xf32, #tpu.memory_space<vmem>>, vector<16xf32>,
      } {sc.loop_unroll_factor = 8 : i64, sc.parallel_access}
      %scan3A_493 = arith.constant 0 : i32
      scf.yield %scan3A_493 : i32
    }
    %scan3A_88 = arith.constant 7 : i32
    %mul3A_89 = arith.constant 16 : i32
    %mul3A_90 = arith.muli %select_n3A, %mul3A_89 : i32
    %add3A_91 = arith.addi %mul3A_90, %rem3A_38 : i32
    %mul3A_92 = arith.constant 8192 : i32
    %mul3A_93 = arith.muli %add3A_91, %mul3A_92 : i32
    %dma_start3A_94 = tpu.memref_slice %arg4[%mul3A_93] : memref<524288xf32, #tpu.memory_space<hbm>> -> memref<8192xf32, #tpu.memory_space<hbm>>
    %dma_start3A_95 = tpu.memref_slice %arg4[%mul3A_93] : memref<524288xf32, #tpu.memory_space<hbm>> -> memref<8192xf32, #tpu.memory_space<hbm>>
    tpu.enqueue_dma source(%arg12 : memref<8192xf32, #tpu.memory_space<vmem>>) target(%dma_start3A_95 : memref<8192xf32, #tpu.memory_space<hbm>>) target_semaphore(%arg20 : memref<!tpu.dma_semaphore, #tpu.memory_space<semaphore_mem>>)
    %dma_start3A_96 = tpu.memref_slice %arg5[%mul3A_93] : memref<524288xf32, #tpu.memory_space<hbm>> -> memref<8192xf32, #tpu.memory_space<hbm>>
    %dma_start3A_97 = tpu.memref_slice %arg5[%mul3A_93] : memref<524288xf32, #tpu.memory_space<hbm>> -> memref<8192xf32, #tpu.memory_space<hbm>>
    tpu.enqueue_dma source(%arg13 : memref<8192xf32, #tpu.memory_space<vmem>>) target(%dma_start3A_97 : memref<8192xf32, #tpu.memory_space<hbm>>) target_semaphore(%arg20 : memref<!tpu.dma_semaphore, #tpu.memory_space<semaphore_mem>>)
    %dma_start3A_98 = tpu.memref_slice %arg6[%mul3A_93] : memref<524288xf32, #tpu.memory_space<hbm>> -> memref<8192xf32, #tpu.memory_space<hbm>>
    %dma_start3A_99 = tpu.memref_slice %arg6[%mul3A_93] : memref<524288xf32, #tpu.memory_space<hbm>> -> memref<8192xf32, #tpu.memory_space<hbm>>
    tpu.enqueue_dma source(%arg14 : memref<8192xf32, #tpu.memory_space<vmem>>) target(%dma_start3A_99 : memref<8192xf32, #tpu.memory_space<hbm>>) target_semaphore(%arg20 : memref<!tpu.dma_semaphore, #tpu.memory_space<semaphore_mem>>)
    %mul3A_100 = arith.constant 2 : i32
    %mul3A_101 = arith.muli %add3A, %mul3A_100 : i32
    %add3A_102 = arith.constant 1 : i32
    %add3A_103 = arith.addi %mul3A_101, %add3A_102 : i32
    %jit3A_104 = arith.constant 16 : i32
    %div3A_105 = arith.divsi %add3A_103, %jit3A_104 : i32
    %sign3A_106 = arith.constant 0 : i32
    %sign3A_107 = arith.cmpi sgt, %add3A_103, %sign3A_106 : i32
    %sign3A_108 = arith.extui %sign3A_107 : i1 to i32
    %sign3A_109 = arith.constant 0 : i32
    %sign3A_110 = arith.cmpi slt, %add3A_103, %sign3A_109 : i32
    %sign3A_111 = arith.extui %sign3A_110 : i1 to i32
    %sign3A_112 = arith.subi %sign3A_108, %sign3A_111 : i32
    %sign3A_113 = arith.constant 0 : i32
    %sign3A_114 = arith.cmpi sgt, %jit3A_104, %sign3A_113 : i32
    %sign3A_115 = arith.extui %sign3A_114 : i1 to i32
    %sign3A_116 = arith.constant 0 : i32
    %sign3A_117 = arith.cmpi slt, %jit3A_104, %sign3A_116 : i32
    %sign3A_118 = arith.extui %sign3A_117 : i1 to i32
    %sign3A_119 = arith.subi %sign3A_115, %sign3A_118 : i32
    %ne3A_120 = arith.cmpi ne, %sign3A_112, %sign3A_119 : i32
    %rem3A_121 = arith.remsi %add3A_103, %jit3A_104 : i32
    %ne3A_122 = arith.constant 0 : i32
    %ne3A_123 = arith.cmpi ne, %rem3A_121, %ne3A_122 : i32
    %and3A_124 = arith.andi %ne3A_120, %ne3A_123 : i1
    %sub3A_125 = arith.constant 1 : i32
    %sub3A_126 = arith.subi %div3A_105, %sub3A_125 : i32
    %select_n3A_127 = arith.select %and3A_124, %sub3A_126, %div3A_105 : i32
    %rem3A_128 = arith.constant 16 : i32
    %rem3A_129 = arith.remsi %add3A_103, %rem3A_128 : i32
    %mul3A_130 = arith.constant 1344 : i32
    %mul3A_131 = arith.muli %rem3A_129, %mul3A_130 : i32
    %dma_start3A_132 = tpu.memref_slice %arg3[%mul3A_131] : memref<21504xi32, #tpu.memory_space<hbm>> -> memref<1344xi32, #tpu.memory_space<hbm>>
    %dma_start3A_133 = tpu.memref_slice %arg3[%mul3A_131] : memref<21504xi32, #tpu.memory_space<hbm>> -> memref<1344xi32, #tpu.memory_space<hbm>>
    tpu.enqueue_dma source(%dma_start3A_133 : memref<1344xi32, #tpu.memory_space<hbm>>) target(%arg11 : memref<1344xi32, #tpu.memory_space<vmem>>) target_semaphore(%arg19 : memref<!tpu.dma_semaphore, #tpu.memory_space<semaphore_mem>>)
    %mul3A_134 = arith.constant 7 : i32
    %mul3A_135 = arith.muli %rem3A_129, %mul3A_134 : i32
    %add3A_136 = arith.constant 0 : i32
    %add3A_137 = arith.addi %add3A_136, %mul3A_135 : i32
    %rem3A_138 = arith.constant 0 : i32
    %rem3A_139 = arith.constant 7 : i32
    %rem3A_140 = arith.remsi %rem3A_138, %rem3A_139 : i32
    %add3A_141 = arith.addi %add3A_137, %rem3A_140 : i32
    %mul3A_142 = arith.constant 448 : i32
    %mul3A_143 = arith.muli %select_n3A_127, %mul3A_142 : i32
    %add3A_144 = arith.addi %mul3A_143, %add3A_141 : i32
    %mul3A_145 = arith.constant 8192 : i32
    %mul3A_146 = arith.muli %add3A_144, %mul3A_145 : i32
    %dma_start3A_147 = arith.constant 16 : i32
    %dma_start3A_148 = tpu.memref_slice %arg7[%dma_start3A_147] : memref<8224xf32, #tpu.memory_space<vmem>> -> memref<8192xf32, #tpu.memory_space<vmem>>
    %dma_start3A_149 = tpu.memref_slice %arg2[%mul3A_146] : memref<14680064xf32, #tpu.memory_space<hbm>> -> memref<8192xf32, #tpu.memory_space<hbm>>
    %dma_start3A_150 = arith.constant 16 : i32
    %dma_start3A_151 = tpu.memref_slice %arg7[%dma_start3A_150] : memref<8224xf32, #tpu.memory_space<vmem>> -> memref<8192xf32, #tpu.memory_space<vmem>>
    %dma_start3A_152 = tpu.memref_slice %arg2[%mul3A_146] : memref<14680064xf32, #tpu.memory_space<hbm>> -> memref<8192xf32, #tpu.memory_space<hbm>>
    tpu.enqueue_dma source(%dma_start3A_152 : memref<8192xf32, #tpu.memory_space<hbm>>) target(%dma_start3A_151 : memref<8192xf32, #tpu.memory_space<vmem>>) target_semaphore(%arg15 : memref<!tpu.dma_semaphore, #tpu.memory_space<semaphore_mem>>)
    %mul3A_153 = arith.constant 7 : i32
    %mul3A_154 = arith.muli %rem3A_129, %mul3A_153 : i32
    %add3A_155 = arith.constant 0 : i32
    %add3A_156 = arith.addi %add3A_155, %mul3A_154 : i32
    %rem3A_157 = arith.constant 1 : i32
    %rem3A_158 = arith.constant 7 : i32
    %rem3A_159 = arith.remsi %rem3A_157, %rem3A_158 : i32
    %add3A_160 = arith.addi %add3A_156, %rem3A_159 : i32
    %mul3A_161 = arith.constant 448 : i32
    %mul3A_162 = arith.muli %select_n3A_127, %mul3A_161 : i32
    %add3A_163 = arith.addi %mul3A_162, %add3A_160 : i32
    %mul3A_164 = arith.constant 8192 : i32
    %mul3A_165 = arith.muli %add3A_163, %mul3A_164 : i32
    %dma_start3A_166 = arith.constant 16 : i32
    %dma_start3A_167 = tpu.memref_slice %arg8[%dma_start3A_166] : memref<8224xf32, #tpu.memory_space<vmem>> -> memref<8192xf32, #tpu.memory_space<vmem>>
    %dma_start3A_168 = tpu.memref_slice %arg2[%mul3A_165] : memref<14680064xf32, #tpu.memory_space<hbm>> -> memref<8192xf32, #tpu.memory_space<hbm>>
    %dma_start3A_169 = arith.constant 16 : i32
    %dma_start3A_170 = tpu.memref_slice %arg8[%dma_start3A_169] : memref<8224xf32, #tpu.memory_space<vmem>> -> memref<8192xf32, #tpu.memory_space<vmem>>
    %dma_start3A_171 = tpu.memref_slice %arg2[%mul3A_165] : memref<14680064xf32, #tpu.memory_space<hbm>> -> memref<8192xf32, #tpu.memory_space<hbm>>
    tpu.enqueue_dma source(%dma_start3A_171 : memref<8192xf32, #tpu.memory_space<hbm>>) target(%dma_start3A_170 : memref<8192xf32, #tpu.memory_space<vmem>>) target_semaphore(%arg16 : memref<!tpu.dma_semaphore, #tpu.memory_space<semaphore_mem>>)
    %dma_wait3A_172 = tpu.memref_slice %arg4[%mul3A_93] : memref<524288xf32, #tpu.memory_space<hbm>> -> memref<8192xf32, #tpu.memory_space<hbm>>
    %dma_wait3A_173 = tpu.memref_slice %arg4[%mul3A_93] : memref<524288xf32, #tpu.memory_space<hbm>> -> memref<8192xf32, #tpu.memory_space<hbm>>
    tpu.wait_dma2 semaphore(%arg20 : memref<!tpu.dma_semaphore, #tpu.memory_space<semaphore_mem>>) src(%arg12 : memref<8192xf32, #tpu.memory_space<vmem>>) dst(%dma_wait3A_173 : memref<8192xf32, #tpu.memory_space<hbm>>)
    %dma_wait3A_174 = tpu.memref_slice %arg5[%mul3A_93] : memref<524288xf32, #tpu.memory_space<hbm>> -> memref<8192xf32, #tpu.memory_space<hbm>>
    %dma_wait3A_175 = tpu.memref_slice %arg5[%mul3A_93] : memref<524288xf32, #tpu.memory_space<hbm>> -> memref<8192xf32, #tpu.memory_space<hbm>>
    tpu.wait_dma2 semaphore(%arg20 : memref<!tpu.dma_semaphore, #tpu.memory_space<semaphore_mem>>) src(%arg13 : memref<8192xf32, #tpu.memory_space<vmem>>) dst(%dma_wait3A_175 : memref<8192xf32, #tpu.memory_space<hbm>>)
    %dma_wait3A_176 = tpu.memref_slice %arg6[%mul3A_93] : memref<524288xf32, #tpu.memory_space<hbm>> -> memref<8192xf32, #tpu.memory_space<hbm>>
    %dma_wait3A_177 = tpu.memref_slice %arg6[%mul3A_93] : memref<524288xf32, #tpu.memory_space<hbm>> -> memref<8192xf32, #tpu.memory_space<hbm>>
    tpu.wait_dma2 semaphore(%arg20 : memref<!tpu.dma_semaphore, #tpu.memory_space<semaphore_mem>>) src(%arg14 : memref<8192xf32, #tpu.memory_space<vmem>>) dst(%dma_wait3A_177 : memref<8192xf32, #tpu.memory_space<hbm>>)
    %parallel_loop3A_178 = arith.constant 0 : i32
    %parallel_loop3A_179 = arith.constant 8192 : i32
    %parallel_loop3A_180 = arith.constant 16 : i32
    scf.for %parallel_loop3A_207 = %parallel_loop3A_178 to %parallel_loop3A_179 step %parallel_loop3A_180  : i32 {
      %parallel_loop3A_208 = tpu.assume_multiple %parallel_loop3A_207, 16 : i32
      %parallel_loop3A_209 = arith.index_cast %parallel_loop3A_208 : i32 to index
      %parallel_loop3A_210 = tpu.vector_load %arg12[%parallel_loop3A_209] {strides = array<i32>} : memref<8192xf32, #tpu.memory_space<vmem>>, vector<16xf32>,
      tpu.vector_store %arg12[%parallel_loop3A_209], %broadcast_in_dim3A_1 {strides = array<i32>} : memref<8192xf32, #tpu.memory_space<vmem>>, vector<16xf32>,
      %parallel_loop3A_211 = arith.index_cast %parallel_loop3A_208 : i32 to index
      %parallel_loop3A_212 = tpu.vector_load %arg13[%parallel_loop3A_211] {strides = array<i32>} : memref<8192xf32, #tpu.memory_space<vmem>>, vector<16xf32>,
      tpu.vector_store %arg13[%parallel_loop3A_211], %broadcast_in_dim3A_1 {strides = array<i32>} : memref<8192xf32, #tpu.memory_space<vmem>>, vector<16xf32>,
      %parallel_loop3A_213 = arith.index_cast %parallel_loop3A_208 : i32 to index
      %parallel_loop3A_214 = tpu.vector_load %arg14[%parallel_loop3A_213] {strides = array<i32>} : memref<8192xf32, #tpu.memory_space<vmem>>, vector<16xf32>,
      tpu.vector_store %arg14[%parallel_loop3A_213], %broadcast_in_dim3A_1 {strides = array<i32>} : memref<8192xf32, #tpu.memory_space<vmem>>, vector<16xf32>,
    } {sc.loop_unroll_factor = 8 : i64, sc.parallel_access}
    %dma_wait3A_181 = tpu.memref_slice %arg3[%mul3A_131] : memref<21504xi32, #tpu.memory_space<hbm>> -> memref<1344xi32, #tpu.memory_space<hbm>>
    %dma_wait3A_182 = tpu.memref_slice %arg3[%mul3A_131] : memref<21504xi32, #tpu.memory_space<hbm>> -> memref<1344xi32, #tpu.memory_space<hbm>>
    tpu.wait_dma2 semaphore(%arg19 : memref<!tpu.dma_semaphore, #tpu.memory_space<semaphore_mem>>) src(%dma_wait3A_182 : memref<1344xi32, #tpu.memory_space<hbm>>) dst(%arg11 : memref<1344xi32, #tpu.memory_space<vmem>>)
    %scan3A_183 = arith.constant 0 : i32
    %scan3A_184 = arith.constant 0 : i32
    %scan3A_185 = arith.constant 7 : i32
    %scan3A_186 = arith.addi %scan3A_184, %scan3A_185 : i32
    %scan3A_187 = arith.constant 1 : i32
    %scan3A_188 = scf.for %scan3A_207 = %scan3A_184 to %scan3A_186 step %scan3A_187 iter_args(%scan3A_208 = %scan3A_183) -> (i32)  : i32 {
      %mul3A_209 = arith.constant 2 : i32
      %mul3A_210 = arith.muli %scan3A_207, %mul3A_209 : i32
      %add3A_211 = arith.constant 0 : i32
      %add3A_212 = arith.addi %mul3A_210, %add3A_211 : i32
      %mul3A_213 = arith.constant 2 : i32
      %mul3A_214 = arith.muli %add3A_212, %mul3A_213 : i32
      %mul3A_215 = arith.constant 2 : i32
      %mul3A_216 = arith.muli %add3A_212, %mul3A_215 : i32
      %add3A_217 = arith.constant 1 : i32
      %add3A_218 = arith.addi %mul3A_216, %add3A_217 : i32
      %jit3A_219 = arith.constant 7 : i32
      %div3A_220 = arith.divsi %mul3A_214, %jit3A_219 : i32
      %sign3A_221 = arith.constant 0 : i32
      %sign3A_222 = arith.cmpi sgt, %mul3A_214, %sign3A_221 : i32
      %sign3A_223 = arith.extui %sign3A_222 : i1 to i32
      %sign3A_224 = arith.constant 0 : i32
      %sign3A_225 = arith.cmpi slt, %mul3A_214, %sign3A_224 : i32
      %sign3A_226 = arith.extui %sign3A_225 : i1 to i32
      %sign3A_227 = arith.subi %sign3A_223, %sign3A_226 : i32
      %sign3A_228 = arith.constant 0 : i32
      %sign3A_229 = arith.cmpi sgt, %jit3A_219, %sign3A_228 : i32
      %sign3A_230 = arith.extui %sign3A_229 : i1 to i32
      %sign3A_231 = arith.constant 0 : i32
      %sign3A_232 = arith.cmpi slt, %jit3A_219, %sign3A_231 : i32
      %sign3A_233 = arith.extui %sign3A_232 : i1 to i32
      %sign3A_234 = arith.subi %sign3A_230, %sign3A_233 : i32
      %ne3A_235 = arith.cmpi ne, %sign3A_227, %sign3A_234 : i32
      %rem3A_236 = arith.remsi %mul3A_214, %jit3A_219 : i32
      %ne3A_237 = arith.constant 0 : i32
      %ne3A_238 = arith.cmpi ne, %rem3A_236, %ne3A_237 : i32
      %and3A_239 = arith.andi %ne3A_235, %ne3A_238 : i1
      %sub3A_240 = arith.constant 1 : i32
      %sub3A_241 = arith.subi %div3A_220, %sub3A_240 : i32
      %select_n3A_242 = arith.select %and3A_239, %sub3A_241, %div3A_220 : i32
      %mul3A_243 = arith.constant 112 : i32
      %mul3A_244 = arith.muli %select_n3A_242, %mul3A_243 : i32
      %mul3A_245 = arith.constant 7 : i32
      %mul3A_246 = arith.muli %rem3A_129, %mul3A_245 : i32
      %add3A_247 = arith.addi %mul3A_244, %mul3A_246 : i32
      %rem3A_248 = arith.constant 7 : i32
      %rem3A_249 = arith.remsi %mul3A_214, %rem3A_248 : i32
      %add3A_250 = arith.addi %add3A_247, %rem3A_249 : i32
      %mul3A_251 = arith.constant 448 : i32
      %mul3A_252 = arith.muli %select_n3A_127, %mul3A_251 : i32
      %add3A_253 = arith.addi %mul3A_252, %add3A_250 : i32
      %mul3A_254 = arith.constant 8192 : i32
      %mul3A_255 = arith.muli %add3A_253, %mul3A_254 : i32
      %dma_wait3A_256 = arith.constant 16 : i32
      %dma_wait3A_257 = tpu.memref_slice %arg7[%dma_wait3A_256] : memref<8224xf32, #tpu.memory_space<vmem>> -> memref<8192xf32, #tpu.memory_space<vmem>>
      %dma_wait3A_258 = tpu.memref_slice %arg2[%mul3A_255] : memref<14680064xf32, #tpu.memory_space<hbm>> -> memref<8192xf32, #tpu.memory_space<hbm>>
      %dma_wait3A_259 = arith.constant 16 : i32
      %dma_wait3A_260 = tpu.memref_slice %arg7[%dma_wait3A_259] : memref<8224xf32, #tpu.memory_space<vmem>> -> memref<8192xf32, #tpu.memory_space<vmem>>
      %dma_wait3A_261 = tpu.memref_slice %arg2[%mul3A_255] : memref<14680064xf32, #tpu.memory_space<hbm>> -> memref<8192xf32, #tpu.memory_space<hbm>>
      tpu.wait_dma2 semaphore(%arg15 : memref<!tpu.dma_semaphore, #tpu.memory_space<semaphore_mem>>) src(%dma_wait3A_261 : memref<8192xf32, #tpu.memory_space<hbm>>) dst(%dma_wait3A_260 : memref<8192xf32, #tpu.memory_space<vmem>>)
      %jit3A_262 = arith.constant 7 : i32
      %div3A_263 = arith.divsi %add3A_218, %jit3A_262 : i32
      %sign3A_264 = arith.constant 0 : i32
      %sign3A_265 = arith.cmpi sgt, %add3A_218, %sign3A_264 : i32
      %sign3A_266 = arith.extui %sign3A_265 : i1 to i32
      %sign3A_267 = arith.constant 0 : i32
      %sign3A_268 = arith.cmpi slt, %add3A_218, %sign3A_267 : i32
      %sign3A_269 = arith.extui %sign3A_268 : i1 to i32
      %sign3A_270 = arith.subi %sign3A_266, %sign3A_269 : i32
      %sign3A_271 = arith.constant 0 : i32
      %sign3A_272 = arith.cmpi sgt, %jit3A_262, %sign3A_271 : i32
      %sign3A_273 = arith.extui %sign3A_272 : i1 to i32
      %sign3A_274 = arith.constant 0 : i32
      %sign3A_275 = arith.cmpi slt, %jit3A_262, %sign3A_274 : i32
      %sign3A_276 = arith.extui %sign3A_275 : i1 to i32
      %sign3A_277 = arith.subi %sign3A_273, %sign3A_276 : i32
      %ne3A_278 = arith.cmpi ne, %sign3A_270, %sign3A_277 : i32
      %rem3A_279 = arith.remsi %add3A_218, %jit3A_262 : i32
      %ne3A_280 = arith.constant 0 : i32
      %ne3A_281 = arith.cmpi ne, %rem3A_279, %ne3A_280 : i32
      %and3A_282 = arith.andi %ne3A_278, %ne3A_281 : i1
      %sub3A_283 = arith.constant 1 : i32
      %sub3A_284 = arith.subi %div3A_263, %sub3A_283 : i32
      %select_n3A_285 = arith.select %and3A_282, %sub3A_284, %div3A_263 : i32
      %mul3A_286 = arith.constant 112 : i32
      %mul3A_287 = arith.muli %select_n3A_285, %mul3A_286 : i32
      %mul3A_288 = arith.constant 7 : i32
      %mul3A_289 = arith.muli %rem3A_129, %mul3A_288 : i32
      %add3A_290 = arith.addi %mul3A_287, %mul3A_289 : i32
      %rem3A_291 = arith.constant 7 : i32
      %rem3A_292 = arith.remsi %add3A_218, %rem3A_291 : i32
      %add3A_293 = arith.addi %add3A_290, %rem3A_292 : i32
      %mul3A_294 = arith.constant 448 : i32
      %mul3A_295 = arith.muli %select_n3A_127, %mul3A_294 : i32
      %add3A_296 = arith.addi %mul3A_295, %add3A_293 : i32
      %mul3A_297 = arith.constant 8192 : i32
      %mul3A_298 = arith.muli %add3A_296, %mul3A_297 : i32
      %dma_wait3A_299 = arith.constant 16 : i32
      %dma_wait3A_300 = tpu.memref_slice %arg8[%dma_wait3A_299] : memref<8224xf32, #tpu.memory_space<vmem>> -> memref<8192xf32, #tpu.memory_space<vmem>>
      %dma_wait3A_301 = tpu.memref_slice %arg2[%mul3A_298] : memref<14680064xf32, #tpu.memory_space<hbm>> -> memref<8192xf32, #tpu.memory_space<hbm>>
      %dma_wait3A_302 = arith.constant 16 : i32
      %dma_wait3A_303 = tpu.memref_slice %arg8[%dma_wait3A_302] : memref<8224xf32, #tpu.memory_space<vmem>> -> memref<8192xf32, #tpu.memory_space<vmem>>
      %dma_wait3A_304 = tpu.memref_slice %arg2[%mul3A_298] : memref<14680064xf32, #tpu.memory_space<hbm>> -> memref<8192xf32, #tpu.memory_space<hbm>>
      tpu.wait_dma2 semaphore(%arg16 : memref<!tpu.dma_semaphore, #tpu.memory_space<semaphore_mem>>) src(%dma_wait3A_304 : memref<8192xf32, #tpu.memory_space<hbm>>) dst(%dma_wait3A_303 : memref<8192xf32, #tpu.memory_space<vmem>>)
      %add3A_305 = arith.constant 1 : i32
      %add3A_306 = arith.addi %add3A_212, %add3A_305 : i32
      %lt3A = arith.constant 14 : i32
      %lt3A_307 = arith.cmpi slt, %add3A_306, %lt3A : i32
      %convert_element_type3A = arith.extui %lt3A_307 : i1 to i32
      %cond3A = arith.constant 0 : i32
      %cond3A_308 = arith.cmpi ne, %convert_element_type3A, %cond3A : i32
      scf.if %cond3A_308 {
        %add3A_494 = arith.constant 2 : i32
        %add3A_495 = arith.addi %mul3A_214, %add3A_494 : i32
        %jit3A_496 = arith.constant 7 : i32
        %div3A_497 = arith.divsi %add3A_495, %jit3A_496 : i32
        %sign3A_498 = arith.constant 0 : i32
        %sign3A_499 = arith.cmpi sgt, %add3A_495, %sign3A_498 : i32
        %sign3A_500 = arith.extui %sign3A_499 : i1 to i32
        %sign3A_501 = arith.constant 0 : i32
        %sign3A_502 = arith.cmpi slt, %add3A_495, %sign3A_501 : i32
        %sign3A_503 = arith.extui %sign3A_502 : i1 to i32
        %sign3A_504 = arith.subi %sign3A_500, %sign3A_503 : i32
        %sign3A_505 = arith.constant 0 : i32
        %sign3A_506 = arith.cmpi sgt, %jit3A_496, %sign3A_505 : i32
        %sign3A_507 = arith.extui %sign3A_506 : i1 to i32
        %sign3A_508 = arith.constant 0 : i32
        %sign3A_509 = arith.cmpi slt, %jit3A_496, %sign3A_508 : i32
        %sign3A_510 = arith.extui %sign3A_509 : i1 to i32
        %sign3A_511 = arith.subi %sign3A_507, %sign3A_510 : i32
        %ne3A_512 = arith.cmpi ne, %sign3A_504, %sign3A_511 : i32
        %rem3A_513 = arith.remsi %add3A_495, %jit3A_496 : i32
        %ne3A_514 = arith.constant 0 : i32
        %ne3A_515 = arith.cmpi ne, %rem3A_513, %ne3A_514 : i32
        %and3A_516 = arith.andi %ne3A_512, %ne3A_515 : i1
        %sub3A_517 = arith.constant 1 : i32
        %sub3A_518 = arith.subi %div3A_497, %sub3A_517 : i32
        %select_n3A_519 = arith.select %and3A_516, %sub3A_518, %div3A_497 : i32
        %mul3A_520 = arith.constant 112 : i32
        %mul3A_521 = arith.muli %select_n3A_519, %mul3A_520 : i32
        %mul3A_522 = arith.constant 7 : i32
        %mul3A_523 = arith.muli %rem3A_129, %mul3A_522 : i32
        %add3A_524 = arith.addi %mul3A_521, %mul3A_523 : i32
        %rem3A_525 = arith.constant 7 : i32
        %rem3A_526 = arith.remsi %add3A_495, %rem3A_525 : i32
        %add3A_527 = arith.addi %add3A_524, %rem3A_526 : i32
        %mul3A_528 = arith.constant 448 : i32
        %mul3A_529 = arith.muli %select_n3A_127, %mul3A_528 : i32
        %add3A_530 = arith.addi %mul3A_529, %add3A_527 : i32
        %mul3A_531 = arith.constant 8192 : i32
        %mul3A_532 = arith.muli %add3A_530, %mul3A_531 : i32
        %dma_start3A_533 = arith.constant 16 : i32
        %dma_start3A_534 = tpu.memref_slice %arg9[%dma_start3A_533] : memref<8224xf32, #tpu.memory_space<vmem>> -> memref<8192xf32, #tpu.memory_space<vmem>>
        %dma_start3A_535 = tpu.memref_slice %arg2[%mul3A_532] : memref<14680064xf32, #tpu.memory_space<hbm>> -> memref<8192xf32, #tpu.memory_space<hbm>>
        %dma_start3A_536 = arith.constant 16 : i32
        %dma_start3A_537 = tpu.memref_slice %arg9[%dma_start3A_536] : memref<8224xf32, #tpu.memory_space<vmem>> -> memref<8192xf32, #tpu.memory_space<vmem>>
        %dma_start3A_538 = tpu.memref_slice %arg2[%mul3A_532] : memref<14680064xf32, #tpu.memory_space<hbm>> -> memref<8192xf32, #tpu.memory_space<hbm>>
        tpu.enqueue_dma source(%dma_start3A_538 : memref<8192xf32, #tpu.memory_space<hbm>>) target(%dma_start3A_537 : memref<8192xf32, #tpu.memory_space<vmem>>) target_semaphore(%arg17 : memref<!tpu.dma_semaphore, #tpu.memory_space<semaphore_mem>>)
        %add3A_539 = arith.constant 2 : i32
        %add3A_540 = arith.addi %add3A_218, %add3A_539 : i32
        %jit3A_541 = arith.constant 7 : i32
        %div3A_542 = arith.divsi %add3A_540, %jit3A_541 : i32
        %sign3A_543 = arith.constant 0 : i32
        %sign3A_544 = arith.cmpi sgt, %add3A_540, %sign3A_543 : i32
        %sign3A_545 = arith.extui %sign3A_544 : i1 to i32
        %sign3A_546 = arith.constant 0 : i32
        %sign3A_547 = arith.cmpi slt, %add3A_540, %sign3A_546 : i32
        %sign3A_548 = arith.extui %sign3A_547 : i1 to i32
        %sign3A_549 = arith.subi %sign3A_545, %sign3A_548 : i32
        %sign3A_550 = arith.constant 0 : i32
        %sign3A_551 = arith.cmpi sgt, %jit3A_541, %sign3A_550 : i32
        %sign3A_552 = arith.extui %sign3A_551 : i1 to i32
        %sign3A_553 = arith.constant 0 : i32
        %sign3A_554 = arith.cmpi slt, %jit3A_541, %sign3A_553 : i32
        %sign3A_555 = arith.extui %sign3A_554 : i1 to i32
        %sign3A_556 = arith.subi %sign3A_552, %sign3A_555 : i32
        %ne3A_557 = arith.cmpi ne, %sign3A_549, %sign3A_556 : i32
        %rem3A_558 = arith.remsi %add3A_540, %jit3A_541 : i32
        %ne3A_559 = arith.constant 0 : i32
        %ne3A_560 = arith.cmpi ne, %rem3A_558, %ne3A_559 : i32
        %and3A_561 = arith.andi %ne3A_557, %ne3A_560 : i1
        %sub3A_562 = arith.constant 1 : i32
        %sub3A_563 = arith.subi %div3A_542, %sub3A_562 : i32
        %select_n3A_564 = arith.select %and3A_561, %sub3A_563, %div3A_542 : i32
        %mul3A_565 = arith.constant 112 : i32
        %mul3A_566 = arith.muli %select_n3A_564, %mul3A_565 : i32
        %mul3A_567 = arith.constant 7 : i32
        %mul3A_568 = arith.muli %rem3A_129, %mul3A_567 : i32
        %add3A_569 = arith.addi %mul3A_566, %mul3A_568 : i32
        %rem3A_570 = arith.constant 7 : i32
        %rem3A_571 = arith.remsi %add3A_540, %rem3A_570 : i32
        %add3A_572 = arith.addi %add3A_569, %rem3A_571 : i32
        %mul3A_573 = arith.constant 448 : i32
        %mul3A_574 = arith.muli %select_n3A_127, %mul3A_573 : i32
        %add3A_575 = arith.addi %mul3A_574, %add3A_572 : i32
        %mul3A_576 = arith.constant 8192 : i32
        %mul3A_577 = arith.muli %add3A_575, %mul3A_576 : i32
        %dma_start3A_578 = arith.constant 16 : i32
        %dma_start3A_579 = tpu.memref_slice %arg10[%dma_start3A_578] : memref<8224xf32, #tpu.memory_space<vmem>> -> memref<8192xf32, #tpu.memory_space<vmem>>
        %dma_start3A_580 = tpu.memref_slice %arg2[%mul3A_577] : memref<14680064xf32, #tpu.memory_space<hbm>> -> memref<8192xf32, #tpu.memory_space<hbm>>
        %dma_start3A_581 = arith.constant 16 : i32
        %dma_start3A_582 = tpu.memref_slice %arg10[%dma_start3A_581] : memref<8224xf32, #tpu.memory_space<vmem>> -> memref<8192xf32, #tpu.memory_space<vmem>>
        %dma_start3A_583 = tpu.memref_slice %arg2[%mul3A_577] : memref<14680064xf32, #tpu.memory_space<hbm>> -> memref<8192xf32, #tpu.memory_space<hbm>>
        tpu.enqueue_dma source(%dma_start3A_583 : memref<8192xf32, #tpu.memory_space<hbm>>) target(%dma_start3A_582 : memref<8192xf32, #tpu.memory_space<vmem>>) target_semaphore(%arg18 : memref<!tpu.dma_semaphore, #tpu.memory_space<semaphore_mem>>)
      } else {
      }
      %mul3A_309 = arith.constant 16 : i32
      %mul3A_310 = arith.muli %mul3A_214, %mul3A_309 : i32
      %add3A_311 = vector.broadcast %mul3A_310 : i32 to vector<16xi32>
      %add3A_312 = arith.addi %iota3A, %add3A_311 : vector<16xi32>
      %gather3A = tpu.vector_load_idx %arg11[%add3A_312] : memref<1344xi32, #tpu.memory_space<vmem>>[vector<16xi32>], vector<16xi32>,
      %add3A_313 = arith.constant 28 : i32
      %add3A_314 = arith.addi %add3A_313, %mul3A_214 : i32
      %mul3A_315 = arith.constant 16 : i32
      %mul3A_316 = arith.muli %add3A_314, %mul3A_315 : i32
      %add3A_317 = vector.broadcast %mul3A_316 : i32 to vector<16xi32>
      %add3A_318 = arith.addi %iota3A, %add3A_317 : vector<16xi32>
      %gather3A_319 = tpu.vector_load_idx %arg11[%add3A_318] : memref<1344xi32, #tpu.memory_space<vmem>>[vector<16xi32>], vector<16xi32>,
      %add3A_320 = arith.constant 56 : i32
      %add3A_321 = arith.addi %add3A_320, %mul3A_214 : i32
      %mul3A_322 = arith.constant 16 : i32
      %mul3A_323 = arith.muli %add3A_321, %mul3A_322 : i32
      %add3A_324 = vector.broadcast %mul3A_323 : i32 to vector<16xi32>
      %add3A_325 = arith.addi %iota3A, %add3A_324 : vector<16xi32>
      %gather3A_326 = tpu.vector_load_idx %arg11[%add3A_325] : memref<1344xi32, #tpu.memory_space<vmem>>[vector<16xi32>], vector<16xi32>,
      %mul3A_327 = arith.constant 16 : i32
      %mul3A_328 = arith.muli %add3A_218, %mul3A_327 : i32
      %add3A_329 = vector.broadcast %mul3A_328 : i32 to vector<16xi32>
      %add3A_330 = arith.addi %iota3A, %add3A_329 : vector<16xi32>
      %gather3A_331 = tpu.vector_load_idx %arg11[%add3A_330] : memref<1344xi32, #tpu.memory_space<vmem>>[vector<16xi32>], vector<16xi32>,
      %add3A_332 = arith.constant 28 : i32
      %add3A_333 = arith.addi %add3A_332, %add3A_218 : i32
      %mul3A_334 = arith.constant 16 : i32
      %mul3A_335 = arith.muli %add3A_333, %mul3A_334 : i32
      %add3A_336 = vector.broadcast %mul3A_335 : i32 to vector<16xi32>
      %add3A_337 = arith.addi %iota3A, %add3A_336 : vector<16xi32>
      %gather3A_338 = tpu.vector_load_idx %arg11[%add3A_337] : memref<1344xi32, #tpu.memory_space<vmem>>[vector<16xi32>], vector<16xi32>,
      %add3A_339 = arith.constant 56 : i32
      %add3A_340 = arith.addi %add3A_339, %add3A_218 : i32
      %mul3A_341 = arith.constant 16 : i32
      %mul3A_342 = arith.muli %add3A_340, %mul3A_341 : i32
      %add3A_343 = vector.broadcast %mul3A_342 : i32 to vector<16xi32>
      %add3A_344 = arith.addi %iota3A, %add3A_343 : vector<16xi32>
      %gather3A_345 = tpu.vector_load_idx %arg11[%add3A_344] : memref<1344xi32, #tpu.memory_space<vmem>>[vector<16xi32>], vector<16xi32>,
      %parallel_loop3A_346 = arith.constant 0 : i32
      %parallel_loop3A_347 = arith.constant 8192 : i32
      %parallel_loop3A_348 = arith.constant 16 : i32
      scf.for %parallel_loop3A_494 = %parallel_loop3A_346 to %parallel_loop3A_347 step %parallel_loop3A_348  : i32 {
        %parallel_loop3A_495 = tpu.assume_multiple %parallel_loop3A_494, 16 : i32
        %parallel_loop3A_496 = vector.broadcast %parallel_loop3A_494 : i32 to vector<16xi32>
        %parallel_loop3A_497 = arith.addi %gather3A, %parallel_loop3A_496 : vector<16xi32>
        %parallel_loop3A_498 = tpu.vector_load_idx %arg7[%parallel_loop3A_497] : memref<8224xf32, #tpu.memory_space<vmem>>[vector<16xi32>], vector<16xf32>,
        %parallel_loop3A_499 = vector.broadcast %parallel_loop3A_494 : i32 to vector<16xi32>
        %parallel_loop3A_500 = arith.addi %gather3A_331, %parallel_loop3A_499 : vector<16xi32>
        %parallel_loop3A_501 = tpu.vector_load_idx %arg8[%parallel_loop3A_500] : memref<8224xf32, #tpu.memory_space<vmem>>[vector<16xi32>], vector<16xf32>,
        %parallel_loop3A_502 = arith.addf %parallel_loop3A_498, %parallel_loop3A_501 : vector<16xf32>
        %parallel_loop3A_503 = vector.broadcast %parallel_loop3A_494 : i32 to vector<16xi32>
        %parallel_loop3A_504 = arith.addi %gather3A_319, %parallel_loop3A_503 : vector<16xi32>
        %parallel_loop3A_505 = tpu.vector_load_idx %arg7[%parallel_loop3A_504] : memref<8224xf32, #tpu.memory_space<vmem>>[vector<16xi32>], vector<16xf32>,
        %parallel_loop3A_506 = vector.broadcast %parallel_loop3A_494 : i32 to vector<16xi32>
        %parallel_loop3A_507 = arith.addi %gather3A_338, %parallel_loop3A_506 : vector<16xi32>
        %parallel_loop3A_508 = tpu.vector_load_idx %arg8[%parallel_loop3A_507] : memref<8224xf32, #tpu.memory_space<vmem>>[vector<16xi32>], vector<16xf32>,
        %parallel_loop3A_509 = arith.addf %parallel_loop3A_505, %parallel_loop3A_508 : vector<16xf32>
        %parallel_loop3A_510 = vector.broadcast %parallel_loop3A_494 : i32 to vector<16xi32>
        %parallel_loop3A_511 = arith.addi %gather3A_326, %parallel_loop3A_510 : vector<16xi32>
        %parallel_loop3A_512 = tpu.vector_load_idx %arg7[%parallel_loop3A_511] : memref<8224xf32, #tpu.memory_space<vmem>>[vector<16xi32>], vector<16xf32>,
        %parallel_loop3A_513 = vector.broadcast %parallel_loop3A_494 : i32 to vector<16xi32>
        %parallel_loop3A_514 = arith.addi %gather3A_345, %parallel_loop3A_513 : vector<16xi32>
        %parallel_loop3A_515 = tpu.vector_load_idx %arg8[%parallel_loop3A_514] : memref<8224xf32, #tpu.memory_space<vmem>>[vector<16xi32>], vector<16xf32>,
        %parallel_loop3A_516 = arith.addf %parallel_loop3A_512, %parallel_loop3A_515 : vector<16xf32>
        %parallel_loop3A_517 = arith.index_cast %parallel_loop3A_495 : i32 to index
        %parallel_loop3A_518 = tpu.vector_load %arg12[%parallel_loop3A_517] {strides = array<i32>} : memref<8192xf32, #tpu.memory_space<vmem>>, vector<16xf32>,
        tpu.vector_store %arg12[%parallel_loop3A_517], %parallel_loop3A_502 {add = true, strides = array<i32>} : memref<8192xf32, #tpu.memory_space<vmem>>, vector<16xf32>,
        %parallel_loop3A_519 = arith.index_cast %parallel_loop3A_495 : i32 to index
        %parallel_loop3A_520 = tpu.vector_load %arg13[%parallel_loop3A_519] {strides = array<i32>} : memref<8192xf32, #tpu.memory_space<vmem>>, vector<16xf32>,
        tpu.vector_store %arg13[%parallel_loop3A_519], %parallel_loop3A_509 {add = true, strides = array<i32>} : memref<8192xf32, #tpu.memory_space<vmem>>, vector<16xf32>,
        %parallel_loop3A_521 = arith.index_cast %parallel_loop3A_495 : i32 to index
        %parallel_loop3A_522 = tpu.vector_load %arg14[%parallel_loop3A_521] {strides = array<i32>} : memref<8192xf32, #tpu.memory_space<vmem>>, vector<16xf32>,
        tpu.vector_store %arg14[%parallel_loop3A_521], %parallel_loop3A_516 {add = true, strides = array<i32>} : memref<8192xf32, #tpu.memory_space<vmem>>, vector<16xf32>,
      } {sc.loop_unroll_factor = 8 : i64, sc.parallel_access}
      %mul3A_349 = arith.constant 2 : i32
      %mul3A_350 = arith.muli %scan3A_207, %mul3A_349 : i32
      %add3A_351 = arith.constant 1 : i32
      %add3A_352 = arith.addi %mul3A_350, %add3A_351 : i32
      %mul3A_353 = arith.constant 2 : i32
      %mul3A_354 = arith.muli %add3A_352, %mul3A_353 : i32
      %mul3A_355 = arith.constant 2 : i32
      %mul3A_356 = arith.muli %add3A_352, %mul3A_355 : i32
      %add3A_357 = arith.constant 1 : i32
      %add3A_358 = arith.addi %mul3A_356, %add3A_357 : i32
      %jit3A_359 = arith.constant 7 : i32
      %div3A_360 = arith.divsi %mul3A_354, %jit3A_359 : i32
      %sign3A_361 = arith.constant 0 : i32
      %sign3A_362 = arith.cmpi sgt, %mul3A_354, %sign3A_361 : i32
      %sign3A_363 = arith.extui %sign3A_362 : i1 to i32
      %sign3A_364 = arith.constant 0 : i32
      %sign3A_365 = arith.cmpi slt, %mul3A_354, %sign3A_364 : i32
      %sign3A_366 = arith.extui %sign3A_365 : i1 to i32
      %sign3A_367 = arith.subi %sign3A_363, %sign3A_366 : i32
      %sign3A_368 = arith.constant 0 : i32
      %sign3A_369 = arith.cmpi sgt, %jit3A_359, %sign3A_368 : i32
      %sign3A_370 = arith.extui %sign3A_369 : i1 to i32
      %sign3A_371 = arith.constant 0 : i32
      %sign3A_372 = arith.cmpi slt, %jit3A_359, %sign3A_371 : i32
      %sign3A_373 = arith.extui %sign3A_372 : i1 to i32
      %sign3A_374 = arith.subi %sign3A_370, %sign3A_373 : i32
      %ne3A_375 = arith.cmpi ne, %sign3A_367, %sign3A_374 : i32
      %rem3A_376 = arith.remsi %mul3A_354, %jit3A_359 : i32
      %ne3A_377 = arith.constant 0 : i32
      %ne3A_378 = arith.cmpi ne, %rem3A_376, %ne3A_377 : i32
      %and3A_379 = arith.andi %ne3A_375, %ne3A_378 : i1
      %sub3A_380 = arith.constant 1 : i32
      %sub3A_381 = arith.subi %div3A_360, %sub3A_380 : i32
      %select_n3A_382 = arith.select %and3A_379, %sub3A_381, %div3A_360 : i32
      %mul3A_383 = arith.constant 112 : i32
      %mul3A_384 = arith.muli %select_n3A_382, %mul3A_383 : i32
      %mul3A_385 = arith.constant 7 : i32
      %mul3A_386 = arith.muli %rem3A_129, %mul3A_385 : i32
      %add3A_387 = arith.addi %mul3A_384, %mul3A_386 : i32
      %rem3A_388 = arith.constant 7 : i32
      %rem3A_389 = arith.remsi %mul3A_354, %rem3A_388 : i32
      %add3A_390 = arith.addi %add3A_387, %rem3A_389 : i32
      %mul3A_391 = arith.constant 448 : i32
      %mul3A_392 = arith.muli %select_n3A_127, %mul3A_391 : i32
      %add3A_393 = arith.addi %mul3A_392, %add3A_390 : i32
      %mul3A_394 = arith.constant 8192 : i32
      %mul3A_395 = arith.muli %add3A_393, %mul3A_394 : i32
      %dma_wait3A_396 = arith.constant 16 : i32
      %dma_wait3A_397 = tpu.memref_slice %arg9[%dma_wait3A_396] : memref<8224xf32, #tpu.memory_space<vmem>> -> memref<8192xf32, #tpu.memory_space<vmem>>
      %dma_wait3A_398 = tpu.memref_slice %arg2[%mul3A_395] : memref<14680064xf32, #tpu.memory_space<hbm>> -> memref<8192xf32, #tpu.memory_space<hbm>>
      %dma_wait3A_399 = arith.constant 16 : i32
      %dma_wait3A_400 = tpu.memref_slice %arg9[%dma_wait3A_399] : memref<8224xf32, #tpu.memory_space<vmem>> -> memref<8192xf32, #tpu.memory_space<vmem>>
      %dma_wait3A_401 = tpu.memref_slice %arg2[%mul3A_395] : memref<14680064xf32, #tpu.memory_space<hbm>> -> memref<8192xf32, #tpu.memory_space<hbm>>
      tpu.wait_dma2 semaphore(%arg17 : memref<!tpu.dma_semaphore, #tpu.memory_space<semaphore_mem>>) src(%dma_wait3A_401 : memref<8192xf32, #tpu.memory_space<hbm>>) dst(%dma_wait3A_400 : memref<8192xf32, #tpu.memory_space<vmem>>)
      %jit3A_402 = arith.constant 7 : i32
      %div3A_403 = arith.divsi %add3A_358, %jit3A_402 : i32
      %sign3A_404 = arith.constant 0 : i32
      %sign3A_405 = arith.cmpi sgt, %add3A_358, %sign3A_404 : i32
      %sign3A_406 = arith.extui %sign3A_405 : i1 to i32
      %sign3A_407 = arith.constant 0 : i32
      %sign3A_408 = arith.cmpi slt, %add3A_358, %sign3A_407 : i32
      %sign3A_409 = arith.extui %sign3A_408 : i1 to i32
      %sign3A_410 = arith.subi %sign3A_406, %sign3A_409 : i32
      %sign3A_411 = arith.constant 0 : i32
      %sign3A_412 = arith.cmpi sgt, %jit3A_402, %sign3A_411 : i32
      %sign3A_413 = arith.extui %sign3A_412 : i1 to i32
      %sign3A_414 = arith.constant 0 : i32
      %sign3A_415 = arith.cmpi slt, %jit3A_402, %sign3A_414 : i32
      %sign3A_416 = arith.extui %sign3A_415 : i1 to i32
      %sign3A_417 = arith.subi %sign3A_413, %sign3A_416 : i32
      %ne3A_418 = arith.cmpi ne, %sign3A_410, %sign3A_417 : i32
      %rem3A_419 = arith.remsi %add3A_358, %jit3A_402 : i32
      %ne3A_420 = arith.constant 0 : i32
      %ne3A_421 = arith.cmpi ne, %rem3A_419, %ne3A_420 : i32
      %and3A_422 = arith.andi %ne3A_418, %ne3A_421 : i1
      %sub3A_423 = arith.constant 1 : i32
      %sub3A_424 = arith.subi %div3A_403, %sub3A_423 : i32
      %select_n3A_425 = arith.select %and3A_422, %sub3A_424, %div3A_403 : i32
      %mul3A_426 = arith.constant 112 : i32
      %mul3A_427 = arith.muli %select_n3A_425, %mul3A_426 : i32
      %mul3A_428 = arith.constant 7 : i32
      %mul3A_429 = arith.muli %rem3A_129, %mul3A_428 : i32
      %add3A_430 = arith.addi %mul3A_427, %mul3A_429 : i32
      %rem3A_431 = arith.constant 7 : i32
      %rem3A_432 = arith.remsi %add3A_358, %rem3A_431 : i32
      %add3A_433 = arith.addi %add3A_430, %rem3A_432 : i32
      %mul3A_434 = arith.constant 448 : i32
      %mul3A_435 = arith.muli %select_n3A_127, %mul3A_434 : i32
      %add3A_436 = arith.addi %mul3A_435, %add3A_433 : i32
      %mul3A_437 = arith.constant 8192 : i32
      %mul3A_438 = arith.muli %add3A_436, %mul3A_437 : i32
      %dma_wait3A_439 = arith.constant 16 : i32
      %dma_wait3A_440 = tpu.memref_slice %arg10[%dma_wait3A_439] : memref<8224xf32, #tpu.memory_space<vmem>> -> memref<8192xf32, #tpu.memory_space<vmem>>
      %dma_wait3A_441 = tpu.memref_slice %arg2[%mul3A_438] : memref<14680064xf32, #tpu.memory_space<hbm>> -> memref<8192xf32, #tpu.memory_space<hbm>>
      %dma_wait3A_442 = arith.constant 16 : i32
      %dma_wait3A_443 = tpu.memref_slice %arg10[%dma_wait3A_442] : memref<8224xf32, #tpu.memory_space<vmem>> -> memref<8192xf32, #tpu.memory_space<vmem>>
      %dma_wait3A_444 = tpu.memref_slice %arg2[%mul3A_438] : memref<14680064xf32, #tpu.memory_space<hbm>> -> memref<8192xf32, #tpu.memory_space<hbm>>
      tpu.wait_dma2 semaphore(%arg18 : memref<!tpu.dma_semaphore, #tpu.memory_space<semaphore_mem>>) src(%dma_wait3A_444 : memref<8192xf32, #tpu.memory_space<hbm>>) dst(%dma_wait3A_443 : memref<8192xf32, #tpu.memory_space<vmem>>)
      %add3A_445 = arith.constant 1 : i32
      %add3A_446 = arith.addi %add3A_352, %add3A_445 : i32
      %lt3A_447 = arith.constant 14 : i32
      %lt3A_448 = arith.cmpi slt, %add3A_446, %lt3A_447 : i32
      %convert_element_type3A_449 = arith.extui %lt3A_448 : i1 to i32
      %cond3A_450 = arith.constant 0 : i32
      %cond3A_451 = arith.cmpi ne, %convert_element_type3A_449, %cond3A_450 : i32
      scf.if %cond3A_451 {
        %add3A_494 = arith.constant 2 : i32
        %add3A_495 = arith.addi %mul3A_354, %add3A_494 : i32
        %jit3A_496 = arith.constant 7 : i32
        %div3A_497 = arith.divsi %add3A_495, %jit3A_496 : i32
        %sign3A_498 = arith.constant 0 : i32
        %sign3A_499 = arith.cmpi sgt, %add3A_495, %sign3A_498 : i32
        %sign3A_500 = arith.extui %sign3A_499 : i1 to i32
        %sign3A_501 = arith.constant 0 : i32
        %sign3A_502 = arith.cmpi slt, %add3A_495, %sign3A_501 : i32
        %sign3A_503 = arith.extui %sign3A_502 : i1 to i32
        %sign3A_504 = arith.subi %sign3A_500, %sign3A_503 : i32
        %sign3A_505 = arith.constant 0 : i32
        %sign3A_506 = arith.cmpi sgt, %jit3A_496, %sign3A_505 : i32
        %sign3A_507 = arith.extui %sign3A_506 : i1 to i32
        %sign3A_508 = arith.constant 0 : i32
        %sign3A_509 = arith.cmpi slt, %jit3A_496, %sign3A_508 : i32
        %sign3A_510 = arith.extui %sign3A_509 : i1 to i32
        %sign3A_511 = arith.subi %sign3A_507, %sign3A_510 : i32
        %ne3A_512 = arith.cmpi ne, %sign3A_504, %sign3A_511 : i32
        %rem3A_513 = arith.remsi %add3A_495, %jit3A_496 : i32
        %ne3A_514 = arith.constant 0 : i32
        %ne3A_515 = arith.cmpi ne, %rem3A_513, %ne3A_514 : i32
        %and3A_516 = arith.andi %ne3A_512, %ne3A_515 : i1
        %sub3A_517 = arith.constant 1 : i32
        %sub3A_518 = arith.subi %div3A_497, %sub3A_517 : i32
        %select_n3A_519 = arith.select %and3A_516, %sub3A_518, %div3A_497 : i32
        %mul3A_520 = arith.constant 112 : i32
        %mul3A_521 = arith.muli %select_n3A_519, %mul3A_520 : i32
        %mul3A_522 = arith.constant 7 : i32
        %mul3A_523 = arith.muli %rem3A_129, %mul3A_522 : i32
        %add3A_524 = arith.addi %mul3A_521, %mul3A_523 : i32
        %rem3A_525 = arith.constant 7 : i32
        %rem3A_526 = arith.remsi %add3A_495, %rem3A_525 : i32
        %add3A_527 = arith.addi %add3A_524, %rem3A_526 : i32
        %mul3A_528 = arith.constant 448 : i32
        %mul3A_529 = arith.muli %select_n3A_127, %mul3A_528 : i32
        %add3A_530 = arith.addi %mul3A_529, %add3A_527 : i32
        %mul3A_531 = arith.constant 8192 : i32
        %mul3A_532 = arith.muli %add3A_530, %mul3A_531 : i32
        %dma_start3A_533 = arith.constant 16 : i32
        %dma_start3A_534 = tpu.memref_slice %arg7[%dma_start3A_533] : memref<8224xf32, #tpu.memory_space<vmem>> -> memref<8192xf32, #tpu.memory_space<vmem>>
        %dma_start3A_535 = tpu.memref_slice %arg2[%mul3A_532] : memref<14680064xf32, #tpu.memory_space<hbm>> -> memref<8192xf32, #tpu.memory_space<hbm>>
        %dma_start3A_536 = arith.constant 16 : i32
        %dma_start3A_537 = tpu.memref_slice %arg7[%dma_start3A_536] : memref<8224xf32, #tpu.memory_space<vmem>> -> memref<8192xf32, #tpu.memory_space<vmem>>
        %dma_start3A_538 = tpu.memref_slice %arg2[%mul3A_532] : memref<14680064xf32, #tpu.memory_space<hbm>> -> memref<8192xf32, #tpu.memory_space<hbm>>
        tpu.enqueue_dma source(%dma_start3A_538 : memref<8192xf32, #tpu.memory_space<hbm>>) target(%dma_start3A_537 : memref<8192xf32, #tpu.memory_space<vmem>>) target_semaphore(%arg15 : memref<!tpu.dma_semaphore, #tpu.memory_space<semaphore_mem>>)
        %add3A_539 = arith.constant 2 : i32
        %add3A_540 = arith.addi %add3A_358, %add3A_539 : i32
        %jit3A_541 = arith.constant 7 : i32
        %div3A_542 = arith.divsi %add3A_540, %jit3A_541 : i32
        %sign3A_543 = arith.constant 0 : i32
        %sign3A_544 = arith.cmpi sgt, %add3A_540, %sign3A_543 : i32
        %sign3A_545 = arith.extui %sign3A_544 : i1 to i32
        %sign3A_546 = arith.constant 0 : i32
        %sign3A_547 = arith.cmpi slt, %add3A_540, %sign3A_546 : i32
        %sign3A_548 = arith.extui %sign3A_547 : i1 to i32
        %sign3A_549 = arith.subi %sign3A_545, %sign3A_548 : i32
        %sign3A_550 = arith.constant 0 : i32
        %sign3A_551 = arith.cmpi sgt, %jit3A_541, %sign3A_550 : i32
        %sign3A_552 = arith.extui %sign3A_551 : i1 to i32
        %sign3A_553 = arith.constant 0 : i32
        %sign3A_554 = arith.cmpi slt, %jit3A_541, %sign3A_553 : i32
        %sign3A_555 = arith.extui %sign3A_554 : i1 to i32
        %sign3A_556 = arith.subi %sign3A_552, %sign3A_555 : i32
        %ne3A_557 = arith.cmpi ne, %sign3A_549, %sign3A_556 : i32
        %rem3A_558 = arith.remsi %add3A_540, %jit3A_541 : i32
        %ne3A_559 = arith.constant 0 : i32
        %ne3A_560 = arith.cmpi ne, %rem3A_558, %ne3A_559 : i32
        %and3A_561 = arith.andi %ne3A_557, %ne3A_560 : i1
        %sub3A_562 = arith.constant 1 : i32
        %sub3A_563 = arith.subi %div3A_542, %sub3A_562 : i32
        %select_n3A_564 = arith.select %and3A_561, %sub3A_563, %div3A_542 : i32
        %mul3A_565 = arith.constant 112 : i32
        %mul3A_566 = arith.muli %select_n3A_564, %mul3A_565 : i32
        %mul3A_567 = arith.constant 7 : i32
        %mul3A_568 = arith.muli %rem3A_129, %mul3A_567 : i32
        %add3A_569 = arith.addi %mul3A_566, %mul3A_568 : i32
        %rem3A_570 = arith.constant 7 : i32
        %rem3A_571 = arith.remsi %add3A_540, %rem3A_570 : i32
        %add3A_572 = arith.addi %add3A_569, %rem3A_571 : i32
        %mul3A_573 = arith.constant 448 : i32
        %mul3A_574 = arith.muli %select_n3A_127, %mul3A_573 : i32
        %add3A_575 = arith.addi %mul3A_574, %add3A_572 : i32
        %mul3A_576 = arith.constant 8192 : i32
        %mul3A_577 = arith.muli %add3A_575, %mul3A_576 : i32
        %dma_start3A_578 = arith.constant 16 : i32
        %dma_start3A_579 = tpu.memref_slice %arg8[%dma_start3A_578] : memref<8224xf32, #tpu.memory_space<vmem>> -> memref<8192xf32, #tpu.memory_space<vmem>>
        %dma_start3A_580 = tpu.memref_slice %arg2[%mul3A_577] : memref<14680064xf32, #tpu.memory_space<hbm>> -> memref<8192xf32, #tpu.memory_space<hbm>>
        %dma_start3A_581 = arith.constant 16 : i32
        %dma_start3A_582 = tpu.memref_slice %arg8[%dma_start3A_581] : memref<8224xf32, #tpu.memory_space<vmem>> -> memref<8192xf32, #tpu.memory_space<vmem>>
        %dma_start3A_583 = tpu.memref_slice %arg2[%mul3A_577] : memref<14680064xf32, #tpu.memory_space<hbm>> -> memref<8192xf32, #tpu.memory_space<hbm>>
        tpu.enqueue_dma source(%dma_start3A_583 : memref<8192xf32, #tpu.memory_space<hbm>>) target(%dma_start3A_582 : memref<8192xf32, #tpu.memory_space<vmem>>) target_semaphore(%arg16 : memref<!tpu.dma_semaphore, #tpu.memory_space<semaphore_mem>>)
      } else {
      }
      %mul3A_452 = arith.constant 16 : i32
      %mul3A_453 = arith.muli %mul3A_354, %mul3A_452 : i32
      %add3A_454 = vector.broadcast %mul3A_453 : i32 to vector<16xi32>
      %add3A_455 = arith.addi %iota3A, %add3A_454 : vector<16xi32>
      %gather3A_456 = tpu.vector_load_idx %arg11[%add3A_455] : memref<1344xi32, #tpu.memory_space<vmem>>[vector<16xi32>], vector<16xi32>,
      %add3A_457 = arith.constant 28 : i32
      %add3A_458 = arith.addi %add3A_457, %mul3A_354 : i32
      %mul3A_459 = arith.constant 16 : i32
      %mul3A_460 = arith.muli %add3A_458, %mul3A_459 : i32
      %add3A_461 = vector.broadcast %mul3A_460 : i32 to vector<16xi32>
      %add3A_462 = arith.addi %iota3A, %add3A_461 : vector<16xi32>
      %gather3A_463 = tpu.vector_load_idx %arg11[%add3A_462] : memref<1344xi32, #tpu.memory_space<vmem>>[vector<16xi32>], vector<16xi32>,
      %add3A_464 = arith.constant 56 : i32
      %add3A_465 = arith.addi %add3A_464, %mul3A_354 : i32
      %mul3A_466 = arith.constant 16 : i32
      %mul3A_467 = arith.muli %add3A_465, %mul3A_466 : i32
      %add3A_468 = vector.broadcast %mul3A_467 : i32 to vector<16xi32>
      %add3A_469 = arith.addi %iota3A, %add3A_468 : vector<16xi32>
      %gather3A_470 = tpu.vector_load_idx %arg11[%add3A_469] : memref<1344xi32, #tpu.memory_space<vmem>>[vector<16xi32>], vector<16xi32>,
      %mul3A_471 = arith.constant 16 : i32
      %mul3A_472 = arith.muli %add3A_358, %mul3A_471 : i32
      %add3A_473 = vector.broadcast %mul3A_472 : i32 to vector<16xi32>
      %add3A_474 = arith.addi %iota3A, %add3A_473 : vector<16xi32>
      %gather3A_475 = tpu.vector_load_idx %arg11[%add3A_474] : memref<1344xi32, #tpu.memory_space<vmem>>[vector<16xi32>], vector<16xi32>,
      %add3A_476 = arith.constant 28 : i32
      %add3A_477 = arith.addi %add3A_476, %add3A_358 : i32
      %mul3A_478 = arith.constant 16 : i32
      %mul3A_479 = arith.muli %add3A_477, %mul3A_478 : i32
      %add3A_480 = vector.broadcast %mul3A_479 : i32 to vector<16xi32>
      %add3A_481 = arith.addi %iota3A, %add3A_480 : vector<16xi32>
      %gather3A_482 = tpu.vector_load_idx %arg11[%add3A_481] : memref<1344xi32, #tpu.memory_space<vmem>>[vector<16xi32>], vector<16xi32>,
      %add3A_483 = arith.constant 56 : i32
      %add3A_484 = arith.addi %add3A_483, %add3A_358 : i32
      %mul3A_485 = arith.constant 16 : i32
      %mul3A_486 = arith.muli %add3A_484, %mul3A_485 : i32
      %add3A_487 = vector.broadcast %mul3A_486 : i32 to vector<16xi32>
      %add3A_488 = arith.addi %iota3A, %add3A_487 : vector<16xi32>
      %gather3A_489 = tpu.vector_load_idx %arg11[%add3A_488] : memref<1344xi32, #tpu.memory_space<vmem>>[vector<16xi32>], vector<16xi32>,
      %parallel_loop3A_490 = arith.constant 0 : i32
      %parallel_loop3A_491 = arith.constant 8192 : i32
      %parallel_loop3A_492 = arith.constant 16 : i32
      scf.for %parallel_loop3A_494 = %parallel_loop3A_490 to %parallel_loop3A_491 step %parallel_loop3A_492  : i32 {
        %parallel_loop3A_495 = tpu.assume_multiple %parallel_loop3A_494, 16 : i32
        %parallel_loop3A_496 = vector.broadcast %parallel_loop3A_494 : i32 to vector<16xi32>
        %parallel_loop3A_497 = arith.addi %gather3A_456, %parallel_loop3A_496 : vector<16xi32>
        %parallel_loop3A_498 = tpu.vector_load_idx %arg9[%parallel_loop3A_497] : memref<8224xf32, #tpu.memory_space<vmem>>[vector<16xi32>], vector<16xf32>,
        %parallel_loop3A_499 = vector.broadcast %parallel_loop3A_494 : i32 to vector<16xi32>
        %parallel_loop3A_500 = arith.addi %gather3A_475, %parallel_loop3A_499 : vector<16xi32>
        %parallel_loop3A_501 = tpu.vector_load_idx %arg10[%parallel_loop3A_500] : memref<8224xf32, #tpu.memory_space<vmem>>[vector<16xi32>], vector<16xf32>,
        %parallel_loop3A_502 = arith.addf %parallel_loop3A_498, %parallel_loop3A_501 : vector<16xf32>
        %parallel_loop3A_503 = vector.broadcast %parallel_loop3A_494 : i32 to vector<16xi32>
        %parallel_loop3A_504 = arith.addi %gather3A_463, %parallel_loop3A_503 : vector<16xi32>
        %parallel_loop3A_505 = tpu.vector_load_idx %arg9[%parallel_loop3A_504] : memref<8224xf32, #tpu.memory_space<vmem>>[vector<16xi32>], vector<16xf32>,
        %parallel_loop3A_506 = vector.broadcast %parallel_loop3A_494 : i32 to vector<16xi32>
        %parallel_loop3A_507 = arith.addi %gather3A_482, %parallel_loop3A_506 : vector<16xi32>
        %parallel_loop3A_508 = tpu.vector_load_idx %arg10[%parallel_loop3A_507] : memref<8224xf32, #tpu.memory_space<vmem>>[vector<16xi32>], vector<16xf32>,
        %parallel_loop3A_509 = arith.addf %parallel_loop3A_505, %parallel_loop3A_508 : vector<16xf32>
        %parallel_loop3A_510 = vector.broadcast %parallel_loop3A_494 : i32 to vector<16xi32>
        %parallel_loop3A_511 = arith.addi %gather3A_470, %parallel_loop3A_510 : vector<16xi32>
        %parallel_loop3A_512 = tpu.vector_load_idx %arg9[%parallel_loop3A_511] : memref<8224xf32, #tpu.memory_space<vmem>>[vector<16xi32>], vector<16xf32>,
        %parallel_loop3A_513 = vector.broadcast %parallel_loop3A_494 : i32 to vector<16xi32>
        %parallel_loop3A_514 = arith.addi %gather3A_489, %parallel_loop3A_513 : vector<16xi32>
        %parallel_loop3A_515 = tpu.vector_load_idx %arg10[%parallel_loop3A_514] : memref<8224xf32, #tpu.memory_space<vmem>>[vector<16xi32>], vector<16xf32>,
        %parallel_loop3A_516 = arith.addf %parallel_loop3A_512, %parallel_loop3A_515 : vector<16xf32>
        %parallel_loop3A_517 = arith.index_cast %parallel_loop3A_495 : i32 to index
        %parallel_loop3A_518 = tpu.vector_load %arg12[%parallel_loop3A_517] {strides = array<i32>} : memref<8192xf32, #tpu.memory_space<vmem>>, vector<16xf32>,
        tpu.vector_store %arg12[%parallel_loop3A_517], %parallel_loop3A_502 {add = true, strides = array<i32>} : memref<8192xf32, #tpu.memory_space<vmem>>, vector<16xf32>,
        %parallel_loop3A_519 = arith.index_cast %parallel_loop3A_495 : i32 to index
        %parallel_loop3A_520 = tpu.vector_load %arg13[%parallel_loop3A_519] {strides = array<i32>} : memref<8192xf32, #tpu.memory_space<vmem>>, vector<16xf32>,
        tpu.vector_store %arg13[%parallel_loop3A_519], %parallel_loop3A_509 {add = true, strides = array<i32>} : memref<8192xf32, #tpu.memory_space<vmem>>, vector<16xf32>,
        %parallel_loop3A_521 = arith.index_cast %parallel_loop3A_495 : i32 to index
        %parallel_loop3A_522 = tpu.vector_load %arg14[%parallel_loop3A_521] {strides = array<i32>} : memref<8192xf32, #tpu.memory_space<vmem>>, vector<16xf32>,
        tpu.vector_store %arg14[%parallel_loop3A_521], %parallel_loop3A_516 {add = true, strides = array<i32>} : memref<8192xf32, #tpu.memory_space<vmem>>, vector<16xf32>,
      } {sc.loop_unroll_factor = 8 : i64, sc.parallel_access}
      %scan3A_493 = arith.constant 0 : i32
      scf.yield %scan3A_493 : i32
    }
    %scan3A_189 = arith.constant 7 : i32
    %mul3A_190 = arith.constant 16 : i32
    %mul3A_191 = arith.muli %select_n3A_127, %mul3A_190 : i32
    %add3A_192 = arith.addi %mul3A_191, %rem3A_129 : i32
    %mul3A_193 = arith.constant 8192 : i32
    %mul3A_194 = arith.muli %add3A_192, %mul3A_193 : i32
    %dma_start3A_195 = tpu.memref_slice %arg4[%mul3A_194] : memref<524288xf32, #tpu.memory_space<hbm>> -> memref<8192xf32, #tpu.memory_space<hbm>>
    %dma_start3A_196 = tpu.memref_slice %arg4[%mul3A_194] : memref<524288xf32, #tpu.memory_space<hbm>> -> memref<8192xf32, #tpu.memory_space<hbm>>
    tpu.enqueue_dma source(%arg12 : memref<8192xf32, #tpu.memory_space<vmem>>) target(%dma_start3A_196 : memref<8192xf32, #tpu.memory_space<hbm>>) target_semaphore(%arg20 : memref<!tpu.dma_semaphore, #tpu.memory_space<semaphore_mem>>)
    %dma_start3A_197 = tpu.memref_slice %arg5[%mul3A_194] : memref<524288xf32, #tpu.memory_space<hbm>> -> memref<8192xf32, #tpu.memory_space<hbm>>
    %dma_start3A_198 = tpu.memref_slice %arg5[%mul3A_194] : memref<524288xf32, #tpu.memory_space<hbm>> -> memref<8192xf32, #tpu.memory_space<hbm>>
    tpu.enqueue_dma source(%arg13 : memref<8192xf32, #tpu.memory_space<vmem>>) target(%dma_start3A_198 : memref<8192xf32, #tpu.memory_space<hbm>>) target_semaphore(%arg20 : memref<!tpu.dma_semaphore, #tpu.memory_space<semaphore_mem>>)
    %dma_start3A_199 = tpu.memref_slice %arg6[%mul3A_194] : memref<524288xf32, #tpu.memory_space<hbm>> -> memref<8192xf32, #tpu.memory_space<hbm>>
    %dma_start3A_200 = tpu.memref_slice %arg6[%mul3A_194] : memref<524288xf32, #tpu.memory_space<hbm>> -> memref<8192xf32, #tpu.memory_space<hbm>>
    tpu.enqueue_dma source(%arg14 : memref<8192xf32, #tpu.memory_space<vmem>>) target(%dma_start3A_200 : memref<8192xf32, #tpu.memory_space<hbm>>) target_semaphore(%arg20 : memref<!tpu.dma_semaphore, #tpu.memory_space<semaphore_mem>>)
    %dma_wait3A_201 = tpu.memref_slice %arg4[%mul3A_194] : memref<524288xf32, #tpu.memory_space<hbm>> -> memref<8192xf32, #tpu.memory_space<hbm>>
    %dma_wait3A_202 = tpu.memref_slice %arg4[%mul3A_194] : memref<524288xf32, #tpu.memory_space<hbm>> -> memref<8192xf32, #tpu.memory_space<hbm>>
    tpu.wait_dma2 semaphore(%arg20 : memref<!tpu.dma_semaphore, #tpu.memory_space<semaphore_mem>>) src(%arg12 : memref<8192xf32, #tpu.memory_space<vmem>>) dst(%dma_wait3A_202 : memref<8192xf32, #tpu.memory_space<hbm>>)
    %dma_wait3A_203 = tpu.memref_slice %arg5[%mul3A_194] : memref<524288xf32, #tpu.memory_space<hbm>> -> memref<8192xf32, #tpu.memory_space<hbm>>
    %dma_wait3A_204 = tpu.memref_slice %arg5[%mul3A_194] : memref<524288xf32, #tpu.memory_space<hbm>> -> memref<8192xf32, #tpu.memory_space<hbm>>
    tpu.wait_dma2 semaphore(%arg20 : memref<!tpu.dma_semaphore, #tpu.memory_space<semaphore_mem>>) src(%arg13 : memref<8192xf32, #tpu.memory_space<vmem>>) dst(%dma_wait3A_204 : memref<8192xf32, #tpu.memory_space<hbm>>)
    %dma_wait3A_205 = tpu.memref_slice %arg6[%mul3A_194] : memref<524288xf32, #tpu.memory_space<hbm>> -> memref<8192xf32, #tpu.memory_space<hbm>>
    %dma_wait3A_206 = tpu.memref_slice %arg6[%mul3A_194] : memref<524288xf32, #tpu.memory_space<hbm>> -> memref<8192xf32, #tpu.memory_space<hbm>>
    tpu.wait_dma2 semaphore(%arg20 : memref<!tpu.dma_semaphore, #tpu.memory_space<semaphore_mem>>) src(%arg14 : memref<8192xf32, #tpu.memory_space<vmem>>) dst(%dma_wait3A_206 : memref<8192xf32, #tpu.memory_space<hbm>>)
    return
  }
}

</mosaic_0001>

<sc_bundles>
// kernel: _run.3.cloned.1.call-start
scs
__scs_entry_jumppad:
0x0: {  	(pc) =	sbr.rel $0x88, $3  }
0x1: {  	(tag) =	ssettag $0x0;
	lr =	simm.s32 $0x1  }
0x2: {  	[smem:$0x3F9D] =	sst lr;
	_ =	strace $0xD0000000  }
0x3: {  	_ = 	snop  }
0x4: {  	_ = 	snop  }
0x5: {  	_ = 	snop  }
0x6: {  	_ = 	snop  }
0x7: {  	_ = 	snop  }
__scs_overlays_trampoline_lowered:
0x8: {  	[smem:$0x3FAC] =	sst s0  }
0x9: {  	[smem:$0x3FAD] =	sst s1  }
0xa: {  	[smem:$0x3FAE] =	sst s2  }
0xb: {  	[smem:$0x3FAF] =	sst s3  }
0xc: {  	[smem:$0x3FB0] =	sst s4  }
0xd: {  	[smem:$0x3FB1] =	sst s5  }
0xe: {  	[smem:$0x3FB2] =	sst s6  }
0xf: {  	[smem:$0x3FB3] =	sst s7  }
0x10: {  	[smem:$0x3FB4] =	sst s8  }
0x11: {  	[smem:$0x3FB5] =	sst s9;
	s0 =	simm.s32 @!p0 $0x0  }
0x12: {  	s1 =	sld [smem:$0x3F9B];
	s0 =	simm.s32 @p0 $0x1  }
0x13: {  	[smem:$0x3FB6] =	sst s0;
	s0 =	simm.s32 @!p1 $0x0  }
0x14: {  	s2 =	sld [smem:$0x3F9A];
	s0 =	simm.s32 @p1 $0x1  }
0x15: {  	[smem:$0x3FB7] =	sst s0;
	s0 =	simm.s32 @!p2 $0x0  }
0x16: {  	s3 =	sld [smem:$0x3FDB];
	s0 =	simm.s32 @p2 $0x1  }
0x17: {  	s4 =	simm.s32 $0x1BF5;
	[smem:$0x3FB9] =	sst s0  }
0x18: {  	s0 =	sld [smem:$0x3F9C];
	_ =	swait.ge [sflag:s4], $0x0  }
0x19: {  	s7 =	sld [smem:$0x3F9D]  }
0x1a: {  	s8 =	sadd.s32 $0xFFFFE003, lr  }
0x1b: {  	s9 =	sadd.s32 $0xFFFFFEF7, lr;
	s5 =	simm.s32 $0xFFFFFFFF;
	p2 =	slt.u32 s8, $0xFFFFF086  }
0x1c: {  	p1 =	slt.u32 s9, $0xF7A;
	s5 =	simm.s32 @!p2 $0x0  }
0x1d: {  	s5 =	simm.s32 @p1 $0x1;
	p0 =	seq.s32 s7, s2  }
0x1e: {  	s7 =	smul.u32 @!p0 $0xF7A, s2;
	p2 =	seq.s32 @!p0 s5, $0x0  }
0x1f: {  	s9 =	smul.u32 $0xF7A, s1;
	s8 =	simm.s32 @!p0 $0x1BF5;
	p2 =	por !p2, p0  }
0x20: {  	[sflag:s8] =	ssyncset.s32 @!p0 $0xFFFFF086;
	s6 =	sadd.s32 @!p0 s3, s7;
	s7 =	simm.s32 @!p0 $0x108  }
0x21: {  	s3 =	sadd.s32 s3, s9;
	s6 =	sadd.s32 @!p0 $0x88, s6;
	s7 =	simm.s32 @p2 $0x1082  }
0x22: {  	[simem:s7], [sflag:s8] =	dma.local @!p0 [hbm:s6], $0xF7A  }
0x23: {  	s9 =	sor.u32 $0xD0000000, s2;
	s6 =	simm.s32 $0x108;
	_ =	swait.ge @!p0 [sflag:s8], $0x0  }
0x24: {  	s3 =	sadd.s32 $0x88, s3;
	s6 =	simm.s32 @!p1 $0x1082;
	[sflag:s4] =	ssyncset.s32 $0xFFFFF086  }
0x25: {  	[simem:s6], [sflag:s4] =	dma.local [hbm:s3], $0xF7A  }
0x26: {  	[smem:$0x3F9D] =	sst s1;
	(tag) =	ssettag s2;
	_ =	strace s9  }
0x27: {  	s1 =	sld [smem:$0x3FAD]  }
0x28: {  	s2 =	sld [smem:$0x3FAE]  }
0x29: {  	s4 =	sld [smem:$0x3FB0]  }
0x2a: {  	p0 =	seq.s32 s5, $0x0;
	s5 =	sld [smem:$0x3FB1]  }
0x2b: {  	s6 =	sld [smem:$0x3FB2]  }
0x2c: {  	s7 =	sld [smem:$0x3FB3]  }
0x2d: {  	s3 =	simm.s32 $0x108;
	s8 =	sld [smem:$0x3FB4]  }
0x2e: {  	s3 =	simm.s32 @!p0 $0x1082;
	s9 =	sld [smem:$0x3FB5]  }
0x2f: {  	lr =	sadd.s32 s0, s3;
	s0 =	sld [smem:$0x3FAC]  }
0x30: {  	s3 =	sld [smem:$0x3FAF]  }
0x31: {  	[smem:$0x3FB8] =	sst s10  }
0x32: {  	s10 =	sld [smem:$0x3FB6];
	_ =	sdelay $0x3  }
0x33: {  	p0 =	seq.s32 s10, $0x1;
	s10 =	sld [smem:$0x3FB8];
	_ =	sdelay $0x3  }
0x34: {  	[smem:$0x3FB8] =	sst s10  }
0x35: {  	s10 =	sld [smem:$0x3FB7];
	_ =	sdelay $0x3  }
0x36: {  	p1 =	seq.s32 s10, $0x1;
	s10 =	sld [smem:$0x3FB8];
	_ =	sdelay $0x3  }
0x37: {  	[smem:$0x3FB8] =	sst s10  }
0x38: {  	s10 =	sld [smem:$0x3FB9]  }
0x39: {  	_ = 	snop;
	(pc) =	sbr.ind lr, $3  }
0x3a: {  	_ = 	snop  }
0x3b: {  	_ = 	snop  }
0x3c: {  	p2 =	seq.s32 s10, $0x1;
	s10 =	sld [smem:$0x3FB8]  }
0x3d: {  	_ =	shalt  }
0x3e: {  	_ =	shalt  }
0x3f: {  	_ =	shalt  }
0x40: {  	_ =	shalt  }
0x41: {  	_ =	shalt  }
0x42: {  	_ =	shalt  }
0x43: {  	_ =	shalt  }
0x44: {  	_ =	shalt  }
0x45: {  	_ =	shalt  }
0x46: {  	_ =	shalt  }
0x47: {  	_ =	shalt  }
0x48: {  	_ =	shalt  }
0x49: {  	_ =	shalt  }
0x4a: {  	_ =	shalt  }
0x4b: {  	_ =	shalt  }
0x4c: {  	_ =	shalt  }
0x4d: {  	_ =	shalt  }
0x4e: {  	_ =	shalt  }
0x4f: {  	_ =	shalt  }
0x50: {  	_ =	shalt  }
0x51: {  	_ =	shalt  }
0x52: {  	_ =	shalt  }
0x53: {  	_ =	shalt  }
0x54: {  	_ =	shalt  }
0x55: {  	_ =	shalt  }
0x56: {  	_ =	shalt  }
0x57: {  	_ =	shalt  }
0x58: {  	_ =	shalt  }
0x59: {  	_ =	shalt  }
0x5a: {  	_ =	shalt  }
0x5b: {  	_ =	shalt  }
0x5c: {  	_ =	shalt  }
0x5d: {  	_ =	shalt  }
0x5e: {  	_ =	shalt  }
0x5f: {  	_ =	shalt  }
0x60: {  	_ =	shalt  }
0x61: {  	_ =	shalt  }
0x62: {  	_ =	shalt  }
0x63: {  	_ =	shalt  }
0x64: {  	_ =	shalt  }
0x65: {  	_ =	shalt  }
0x66: {  	_ =	shalt  }
0x67: {  	_ =	shalt  }
0x68: {  	_ =	shalt  }
0x69: {  	_ =	shalt  }
0x6a: {  	_ =	shalt  }
0x6b: {  	_ =	shalt  }
0x6c: {  	_ =	shalt  }
0x6d: {  	_ =	shalt  }
0x6e: {  	_ =	shalt  }
0x6f: {  	_ =	shalt  }
0x70: {  	_ =	shalt  }
0x71: {  	_ =	shalt  }
0x72: {  	_ =	shalt  }
0x73: {  	_ =	shalt  }
0x74: {  	_ =	shalt  }
0x75: {  	_ =	shalt  }
0x76: {  	_ =	shalt  }
0x77: {  	_ =	shalt  }
0x78: {  	_ =	shalt  }
0x79: {  	_ =	shalt  }
0x7a: {  	_ =	shalt  }
0x7b: {  	_ =	shalt  }
0x7c: {  	_ =	shalt  }
0x7d: {  	_ =	shalt  }
0x7e: {  	_ =	shalt  }
0x7f: {  	_ =	shalt  }
0x80: {  	_ =	shalt  }
0x81: {  	_ =	shalt  }
0x82: {  	_ =	shalt  }
0x83: {  	_ =	shalt  }
0x84: {  	_ =	shalt  }
0x85: {  	_ =	shalt  }
0x86: {  	_ =	shalt  }
0x87: {  	_ =	shalt  }
.Lfunc_end0:
.L_simem_size_0:
called_computation.1_lowered:
.L_overlay_start_0:
0x88: {  	s2 =	sld [smem:$0x3FD9]  }
0x89: {  	s3 =	sld [smem:$0x3FFE];
	_ =	sdelay $0x1  }
0x8a: {  	s1 =	srdreg.scid  }
0x8b: {  	s0 =	sand.u32 $0x1, s1  }
0x8c: {  	s14 =	sshll.u32 s0, $0xA;
	s2 =	sadd.s32 s3, s2  }
0x8d: {  	s2 =	sadd.s32 s2, s14  }
0x8e: {  	[smem:$0x3FC4] =	sst s2  }
0x8f: {  	_ = 	snop  }
0x90: {  	s2 =	sld [smem:$0x3FD0];
	_ =	sdelay $0x2  }
0x91: {  	s15 =	simm.s32 $0xA;
	s4 =	simm.s32 $0x10  }
0x92: {  	[smem:s4], [sflag:s15] =	dma.local [hbm:s2], $0x1  }
0x93: {  	_ =	swait.eq [sflag:s15], $0x1  }
0x94: {  	s16 =	sld [smem:$0x10];
	[sflag:s15] =	ssyncset.done $0x0  }
0x95: {  	s17 =	sld [smem:$0x11];
	[sflag:s15] =	ssyncadd.s32 $0xFFFFFFFF  }
0x96: {  	s18 =	sld [smem:$0x12];
	(tm) =	ssettm $0x1  }
0x97: {  	s5 =	sld [smem:$0x3FFB];
	_ =	sdelay $0x3  }
0x98: {  	_ =	strace s5  }
0x99: {  	s5 =	sld [smem:$0x3FFC];
	_ =	sdelay $0x3  }
0x9a: {  	_ =	strace s5  }
0x9b: {  	s5 =	sld [smem:$0x3FFD];
	_ =	sdelay $0x3  }
0x9c: {  	_ =	strace s5  }
0x9d: {  	_ =	strace $0x8FFFFFFF  }
0x9e: {  	s19 =	sld [smem:$0x3FDB];
	_ =	sdelay $0x1  }
0x9f: {  	s6 =	simm.s32 $_scs_section_size  }
0xa0: {  	s7 =	simm.s32 $_size__tile_overlayer_lowered;
	s8 =	simm.s32 $_tile_overlayer_lowered  }
0xa1: {  	s22 =	simm.s32 $0x1BFF;
	s21 =	sshll.u32 s8, $0x1;
	s5 =	sadd.s32 s6, s19  }
0xa2: {  	s9 =	simm.s32 $0x0;
	s20 =	sshll.u32 s7, $0x1;
	s7 =	sadd.s32 s21, s5  }
0xa3: {  	[timem:s9], [sflag:s22] =	dma.local [hbm:s7], s20  }
0xa4: {  	_ =	swait.ge [sflag:s22], s20  }
0xa5: {  	s6 =	ssub.s32 $0x0, s20;
	[sflag:s22] =	ssyncset.done $0x0  }
0xa6: {  	[sflag:s22] =	ssyncadd.s32 s6;
	_ =	sdelay $0x1  }
0xa7: {  	s23 =	simm.s32 $0x1B8B  }
0xa8: {  	_ =	swait.ge [sflag:s23], $0x1  }
0xa9: {  	[sflag:s23] =	ssyncset.done $0x0  }
0xaa: {  	s25 =	simm.s32 $0x1B8E;
	s24 =	sld [smem:$0x3FFE];
	[sflag:s23] =	ssyncadd.s32 $0xFFFFFFFF  }
0xab: {  	s26 =	simm.s32 $execute0_lowered;
	[smem:$0x3FD2] =	sst s25  }
0xac: {  	s7 =	sshll.u32 s26, $0x1;
	_ =	strace $0x80000049;
	[dreg:$0x1] =	wrdreg $0xFFFFFFFF  }
0xad: {  	s28 =	simm.s32 $_size_execute0_lowered;
	s5 =	sadd.s32 s5, s7;
	[dreg:$0x0] =	wrdreg $0x0  }
0xae: {  	s7 =	sshll.u32 s28, $0x1;
	[dreg:$0x2] =	wrdreg s5  }
0xaf: {  	[dreg:$0x3] =	wrdreg s7  }
0xb0: {  	[dreg:$0x4] =	wrdreg $0xC0  }
0xb1: {  	_ =	task [dreg:s9], $0x5FFFF  }
0xb2: {  	[dreg:$0x1] =	wrdreg $0xFFFFFFFF  }
0xb3: {  	[dreg:$0x0] =	wrdreg $0x60  }
0xb4: {  	[dreg:$0x2] =	wrdreg s24  }
0xb5: {  	[dreg:$0x3] =	wrdreg s16  }
0xb6: {  	[dreg:$0x4] =	wrdreg s18  }
0xb7: {  	[dreg:$0x5] =	wrdreg s17  }
0xb8: {  	[dreg:$0x6] =	wrdreg $0x9  }
0xb9: {  	_ =	task.clear_ibuf [dreg:s9], $0x7FFFF;
	_ =	strace $0x90000049  }
0xba: {  	s29 =	simm.s32 $0x9;
	_ =	strace $0x8000004B  }
0xbb: {  	_ =	swait.ge [sflag:s29], $0x1  }
0xbc: {  	[sflag:s29] =	ssyncadd.s32 $0xFFFFFFFF  }
0xbd: {  	_ =	strace $0x9000004B  }
0xbe: {  	_ =	sfence  }
0xbf: {  	s30 =	sld [smem:$0x0];
	_ =	sdelay $0x2  }
0xc0: {  	s31 =	sshll.u32 s1, $0xD;
	s1 =	sshrl.u32 s1, $0x2  }
0xc1: {  	s3 =	sand.u32 $0x4000, s31;
	s1 =	sadd.s32 s1, s30  }
0xc2: {  	s0 =	sor.u32 s3, s0;
	s1 =	sshll.u32 s1, $0x11  }
0xc3: {  	s0 =	sor.u32 s1, s0  }
0xc4: {  	s0 =	sadd.s32 $0x8F2B, s0  }
0xc5: {  	[sflag:s0] =	ssyncadd.remote.s32 $0x1  }
0xc6: {  	_ =	sfence.sel $0xFFFF  }
0xc7: {  	[dreg:$0x0] =	wrdreg $0xFFFFFFFF;
	(pc) =	sbr.abs _section_cstart, $3  }
0xc8: {  	[dreg:$0x1] =	wrdreg $0xFFFFFFFF  }
0xc9: {  	_ =	task.clear_ibuf [dreg:s9], $0x2FFFF;
	_ =	strace $0x9FFFFFFF  }
0xca: {  	(tm) =	ssettm $0x7FFFFFFF  }
0xcb: {  	_ =	shalt  }
tec
execute0_lowered:
.L_overlay_start_1:
0x0: {  	(tag) =	ssettag $0x1  }
0x1: {  	s0 =	rddreg [dreg:$0x0]  }
0x2: {  	s1 =	rddreg [dreg:$0x1]  }
0x3: {  	s6 =	rddreg [dreg:$0x2]  }
0x4: {  	s7 =	rddreg [dreg:$0x3];
	s3 =	srdreg.scid  }
0x5: {  	s8 =	stileid.u32;
	s2 =	simm.s32 $0x0;
	s28 =	simm.s32 $0x2080  }
0x6: {  	s29 =	simm.s32 $0x3;
	s30 =	simm.s32 $0x4;
	s31 =	simm.s32 $0x4100  }
0x7: {  	s3 =	sand.u32 $0x1, s3;
	s4 =	sshll.u32 s8, $0x2;
	[smem:$0x7FF] =	sst s2  }
0x8: {  	s8 =	sshrl.u32 s8, $0x2;
	s5 =	sshll.u32 s3, $0x1;
	s4 =	sand.u32 $0xC, s4  }
0x9: {  	_ =	strace $0x8000004A;
	s11 =	smul.u32 $0x1C0, s8;
	s5 =	sor.u32 s5, s4  }
0xa: {  	s16 =	ssub.s32 $0x2, s3;
	s3 =	sadd.s32 $0x1800, s0;
	s9 =	smul.u32 $0x7, s5  }
0xb: {  	s0 =	sadd.s32 $0x1C1800, s0;
	s17 =	smul.u32 $0xA8, s5;
	s13 =	sor.u32 $0x1, s5  }
0xc: {  	s8 =	sshll.u32 s8, $0x11;
	s10 =	sshrl.u32 s16, $0x1;
	s20 =	smul.u32 $0x7, s13  }
0xd: {  	s18 =	ssub.s32 s16, s10;
	s19 =	sshll.u32 s5, $0xD;
	s14 =	smul.u32 $0xA8, s13  }
0xe: {  	s25 =	sshll.u32 s13, $0xD;
	s18 =	smax.u32 s18, $0x1;
	s4 =	sadd.s32 s11, s9  }
0xf: {  	s9 =	sor.u32 s8, s19;
	s10 =	sadd.s32 s1, s17;
	s8 =	sor.u32 s8, s25  }
0x10: {  	s19 =	simm.s32 $0x8200;
	s25 =	simm.s32 $0x4110;
	s12 =	sshll.u32 s4, $0xA  }
0x11: {  	s9 =	sshrl.u32 s9, $0x3;
	[dreg:$0x5] =	wrdreg s10;
	s10 =	sadd.s32 s11, s20  }
0x12: {  	s1 =	sadd.s32 s1, s14;
	s8 =	sshrl.u32 s8, $0x3;
	s20 =	simm.s32 $0x0  }
0x13: {  	s5 =	sadd.s32 s3, s12;
	s22 =	sadd.s32 s6, s9;
	s23 =	sadd.s32 s7, s9  }
0x14: {  	s9 =	sadd.s32 s0, s9;
	s24 =	sshll.u32 s10, $0xA;
	[dreg:$0xa] =	wrdreg s1  }
0x15: {  	s15 =	sadd.s32 s6, s8;
	s16 =	sadd.s32 s7, s8;
	[dreg:$0x7] =	wrdreg s22  }
0x16: {  	s17 =	sadd.s32 s0, s8;
	s0 =	simm.s32 $0x6180;
	[dreg:$0x8] =	wrdreg s23  }
0x17: {  	s21 =	sadd.s32 $0x400, s5;
	[dreg:$0x9] =	wrdreg s9;
	s26 =	sadd.s32 $0x400, s24  }
0x18: {  	s9 =	sand.u32 $0x1FFFFC00, s24;
	s22 =	simm.s32 $0x5;
	s23 =	simm.s32 $0x1  }
0x19: {  	[dreg:$0x6] =	wrdreg s21;
	s1 =	sand.u32 $0x1FFFF800, s26;
	s9 =	sadd.s32 s3, s9  }
0x1a: {  	s24 =	simm.s32 $0x2;
	[dreg:$0xb] =	wrdreg s9;
	s1 =	sadd.s32 s3, s1  }
0x1b: {  	v0 =	vimm.f32 $0.0e+00;
	v1 =	vlaneseq.u32;
	s26 =	simm.s32 $0x6190;
	[dreg:$0xc] =	wrdreg s1;
	s1 =	simm.s32 $0x6  }
.LBB2_1:
0x1c: {  	[tilespmem:$0x0] =	vst v0  }
0x1d: {  	[tilespmem:$0x2010] =	vst v0  }
0x1e: {  	[tilespmem:$0x2080] =	vst v0  }
0x1f: {  	[tilespmem:$0x4090] =	vst v0  }
0x20: {  	[tilespmem:$0x4100] =	vst v0  }
0x21: {  	[tilespmem:$0x6110] =	vst v0  }
0x22: {  	[tilespmem:$0x6180] =	vst v0  }
0x23: {  	[tilespmem:$0x8190] =	vst v0;
	s6 =	rddreg [dreg:$0x5]  }
0x24: {  	[tilespmem:s19], [sflag:$0x5] =	stream.linear.gather [hbm4b:s6+s2], $0x540, $0x38;
	[tilespmem:$0xE780] =	vst v63  }
0x25: {  	s14 =	simm.s32 $0x10  }
0x26: {  	[tilespmem:s14], [sflag:$0x1] =	stream.linear.gather [hbm4b:s5+s2], $0x2000, $0x38;
	[tilespmem:$0xE780] =	vst v63  }
0x27: {  	s21 =	rddreg [dreg:$0x6];
	s7 =	simm.s32 $0x2090;
	s6 =	simm.s32 $0x87C0  }
0x28: {  	[tilespmem:s7], [sflag:$0x2] =	stream.linear.gather [hbm4b:s21+s2], $0x2000, $0x38;
	[tilespmem:$0xE780] =	vst v63  }
0x29: {  	[tilespmem:s6+$0xFFFFFFD0] =	vst v0  }
0x2a: {  	[tilespmem:s6+$0x0] =	vst v0  }
0x2b: {  	[tilespmem:s6+$0xFFFFFFC0] =	vst v0  }
0x2c: {  	[tilespmem:s6+$0x30] =	vst v0  }
0x2d: {  	[tilespmem:s6+$0xFFFFFFF0] =	vst v0  }
0x2e: {  	[tilespmem:s6+$0xFFFFFFE0] =	vst v0  }
0x2f: {  	[tilespmem:s6+$0x10] =	vst v0  }
0x30: {  	s8 =	simm.s32 $0xA7C0;
	[tilespmem:s6+$0x20] =	vst v0  }
0x31: {  	[tilespmem:s8+$0xFFFFFFC0] =	vst v0  }
0x32: {  	[tilespmem:s8+$0x30] =	vst v0  }
0x33: {  	[tilespmem:s8+$0x0] =	vst v0  }
0x34: {  	[tilespmem:s8+$0x20] =	vst v0  }
0x35: {  	[tilespmem:s8+$0x10] =	vst v0  }
0x36: {  	[tilespmem:s8+$0xFFFFFFD0] =	vst v0  }
0x37: {  	[tilespmem:s8+$0xFFFFFFE0] =	vst v0  }
0x38: {  	s7 =	simm.s32 $0xC7C0;
	[tilespmem:s8+$0xFFFFFFF0] =	vst v0  }
0x39: {  	[tilespmem:s7+$0xFFFFFFC0] =	vst v0  }
0x3a: {  	[tilespmem:s7+$0x30] =	vst v0  }
0x3b: {  	[tilespmem:s7+$0x20] =	vst v0  }
0x3c: {  	[tilespmem:s7+$0x10] =	vst v0  }
0x3d: {  	s9 =	simm.s32 $0x0;
	s21 =	simm.s32 $0xC840;
	[tilespmem:s7+$0xFFFFFFD0] =	vst v0  }
.LBB2_2:
0x3e: {  	s9 =	sadd.s32 $0x80, s9;
	[tilespmem:s7+$0xFFFFFFE0] =	vst v0;
	s6 =	sadd.s32 $0x80, s6;
	s8 =	sadd.s32 $0x80, s8  }
0x3f: {  	p0 =	slt.u32 s9, $0x1F80;
	[tilespmem:s7+$0x0] =	vst v0  }
0x40: {  	[tilespmem:s7+$0xFFFFFFF0] =	vst v0;
	s7 =	smov.u32 s21  }
0x41: {  	[tilespmem:s6+$0xFFFFFFD0] =	vst v0  }
0x42: {  	[tilespmem:s6+$0x0] =	vst v0  }
0x43: {  	[tilespmem:s6+$0xFFFFFFC0] =	vst v0  }
0x44: {  	[tilespmem:s8+$0xFFFFFFC0] =	vst v0  }
0x45: {  	[tilespmem:s21+$0xFFFFFFC0] =	vst v0  }
0x46: {  	[tilespmem:s6+$0x30] =	vst v0  }
0x47: {  	[tilespmem:s8+$0x30] =	vst v0  }
0x48: {  	[tilespmem:s21+$0x30] =	vst v0  }
0x49: {  	[tilespmem:s8+$0x0] =	vst v0  }
0x4a: {  	[tilespmem:s6+$0xFFFFFFF0] =	vst v0  }
0x4b: {  	[tilespmem:s6+$0xFFFFFFE0] =	vst v0  }
0x4c: {  	[tilespmem:s6+$0x10] =	vst v0  }
0x4d: {  	[tilespmem:s6+$0x20] =	vst v0  }
0x4e: {  	[tilespmem:s8+$0x20] =	vst v0  }
0x4f: {  	[tilespmem:s21+$0x20] =	vst v0  }
0x50: {  	[tilespmem:s8+$0x10] =	vst v0  }
.Ltmp0:
0x51: {  	[tilespmem:s21+$0x10] =	vst v0;
	(pc) =	sbr.rel @p0 .LBB2_2-.Ltmp0, $4  }
0x52: {  	[tilespmem:s8+$0xFFFFFFD0] =	vst v0  }
0x53: {  	[tilespmem:s8+$0xFFFFFFE0] =	vst v0  }
0x54: {  	[tilespmem:s21+$0xFFFFFFD0] =	vst v0  }
0x55: {  	s21 =	sadd.s32 $0x80, s21;
	[tilespmem:s8+$0xFFFFFFF0] =	vst v0  }
0x56: {  	[tilespmem:s7+$0xFFFFFFE0] =	vst v0  }
0x57: {  	[tilespmem:s7+$0x0] =	vst v0  }
0x58: {  	[tilespmem:s7+$0xFFFFFFF0] =	vst v0  }
0x59: {  	_ =	swait.ge [sflag:s22], $0x540  }
0x5a: {  	[sflag:s22] =	ssyncset.done $0x0  }
0x5b: {  	s21 =	simm.s32 $0x0;
	s6 =	simm.s32 $0x0;
	[sflag:s22] =	ssyncadd.s32 $0xFFFFFAC0  }
.LBB2_4:
0x5c: {  	s7 =	sshll.u32 s6, $0x2  }
0x5d: {  	s7 =	sor.u32 $0x2, s7  }
0x5e: {  	s8 =	sand.u32 $0xFE, s7  }
0x5f: {  	s8 =	smul.u32 $0x25, s8;
	_ =	sdelay $0x1  }
0x60: {  	s8 =	sshrl.u32 s8, $0x8  }
0x61: {  	s9 =	ssub.s32 s7, s8  }
0x62: {  	s9 =	sand.u32 $0xFE, s9  }
0x63: {  	s11 =	sshllo.u32 s6, $0x2;
	s9 =	sshrl.u32 s9, $0x1  }
0x64: {  	s13 =	sand.u32 $0xFF, s11;
	s8 =	sadd.s32 s8, s9  }
0x65: {  	s9 =	smul.u32 $0x25, s13;
	s8 =	sshrl.u32 s8, $0x2  }
0x66: {  	s12 =	smul.u32 $0x7, s8  }
0x67: {  	_ =	swait.ge [sflag:s23], $0x2000;
	s9 =	sshrl.u32 s9, $0x8  }
0x68: {  	[sflag:s23] =	ssyncset.done $0x0;
	s14 =	ssub.s32 s11, s9;
	s7 =	ssub.s32 s7, s12  }
0x69: {  	s8 =	smul.u32 $0x70, s8;
	s12 =	sand.u32 $0xFE, s14;
	s7 =	sand.u32 $0xFF, s7  }
0x6a: {  	[sflag:s23] =	ssyncadd.s32 $0xFFFFE000;
	s12 =	sshrl.u32 s12, $0x1;
	s7 =	sadd.s32 s7, s4  }
0x6b: {  	_ =	swait.ge [sflag:s24], $0x2000;
	s13 =	sadd.s32 s9, s12;
	s7 =	sadd.s32 s8, s7  }
0x6c: {  	[sflag:s24] =	ssyncset.done $0x0;
	s8 =	sshrl.u32 s13, $0x2;
	s7 =	sshll.u32 s7, $0xA  }
0x6d: {  	[sflag:s24] =	ssyncadd.s32 $0xFFFFE000;
	s14 =	smul.u32 $0x7, s8;
	s7 =	sadd.s32 s3, s7  }
0x6e: {  	[tilespmem:s25], [sflag:$0x3] =	stream.linear.gather [hbm4b:s7+s21], $0x2000, $0x38;
	[tilespmem:$0xE780] =	vst v63  }
0x6f: {  	s11 =	ssub.s32 s11, s14  }
0x70: {  	s12 =	sshll.u32 s6, $0x6;
	s8 =	smul.u32 $0x70, s8;
	s7 =	sand.u32 $0xFF, s11  }
0x71: {  	v2 =	vor.u32 s12, v1;
	s13 =	sor.u32 $0x10, s12;
	s7 =	sadd.s32 s7, s4  }
0x72: {  	v3 =	vor.u32 s13, v1;
	s14 =	sadd.s32 $0x1C0, s12;
	s7 =	sadd.s32 s8, s7  }
0x73: {  	s9 =	sadd.s32 $0x1D0, s12;
	v6 =	vor.u32 s14, v1;
	s7 =	sshll.u32 s7, $0xA  }
0x74: {  	v7 =	vor.u32 s9, v1;
	s11 =	sadd.s32 $0x380, s12;
	s7 =	sadd.s32 s3, s7  }
0x75: {  	v8 =	vor.u32 s11, v1;
	[tilespmem:s26], [sflag:$0x4] =	stream.linear.gather [hbm4b:s7+s21], $0x2000, $0x38;
	[tilespmem:$0xE780] =	vst v63  }
0x76: {  	s7 =	sadd.s32 $0x390, s12;
	v4 =	vld.idx.msk [tilespmem:v2+s19+$0x0], $0xffff  }
0x77: {  	v9 =	vor.u32 s7, v1;
	v5 =	vld.idx.msk [tilespmem:v3+s19+$0x0], $0xffff  }
0x78: {  	v3 =	vld.idx.msk [tilespmem:v6+s19+$0x0], $0xffff  }
0x79: {  	v2 =	vld.idx.msk [tilespmem:v7+s19+$0x0], $0xffff  }
0x7a: {  	v7 =	vld.idx.msk [tilespmem:v8+s19+$0x0], $0xffff  }
0x7b: {  	v8 =	vadd.s32 s21, v4  }
0x7c: {  	v6 =	vld.idx.msk [tilespmem:v9+s19+$0x0], $0xffff;
	v9 =	vadd.s32 s21, v5  }
0x7d: {  	v11 =	vadd.s32 s21, v3  }
0x7e: {  	v12 =	vadd.s32 s21, v2  }
0x7f: {  	s12 =	simm.s32 $0x10;
	v13 =	vadd.s32 s21, v7  }
0x80: {  	v15 =	vadd.s32 s12, v4;
	v8 =	vld.idx.msk [tilespmem:v8+s2+$0x0], $0xffff  }
0x81: {  	v16 =	vadd.s32 s12, v5;
	v10 =	vld.idx.msk [tilespmem:v9+s28+$0x0], $0xffff  }
0x82: {  	v17 =	vadd.s32 s12, v3;
	v9 =	vld.idx.msk [tilespmem:v11+s2+$0x0], $0xffff  }
0x83: {  	s13 =	simm.s32 $0x20;
	v18 =	vadd.s32 s12, v2;
	v12 =	vld.idx.msk [tilespmem:v12+s28+$0x0], $0xffff  }
0x84: {  	v20 =	vadd.s32 s13, v4;
	v11 =	vld.idx.msk [tilespmem:v13+s2+$0x0], $0xffff  }
0x85: {  	v21 =	vadd.s32 s13, v5;
	v15 =	vld.idx.msk [tilespmem:v15+s2+$0x0], $0xffff  }
0x86: {  	v22 =	vadd.s32 s13, v3;
	v16 =	vld.idx.msk [tilespmem:v16+s28+$0x0], $0xffff  }
0x87: {  	v23 =	vadd.s32 s13, v2;
	v17 =	vld.idx.msk [tilespmem:v17+s2+$0x0], $0xffff  }
0x88: {  	s14 =	simm.s32 $0x30;
	v24 =	vadd.s32 s13, v7;
	v18 =	vld.idx.msk [tilespmem:v18+s28+$0x0], $0xffff  }
0x89: {  	v26 =	vadd.s32 s14, v4;
	v20 =	vld.idx.msk [tilespmem:v20+s2+$0x0], $0xffff  }
0x8a: {  	v27 =	vadd.s32 s14, v5;
	v21 =	vld.idx.msk [tilespmem:v21+s28+$0x0], $0xffff  }
0x8b: {  	v28 =	vadd.s32 s14, v3;
	v22 =	vld.idx.msk [tilespmem:v22+s2+$0x0], $0xffff  }
0x8c: {  	v29 =	vadd.s32 s14, v2;
	v23 =	vld.idx.msk [tilespmem:v23+s28+$0x0], $0xffff  }
0x8d: {  	s8 =	simm.s32 $0x40;
	v30 =	vadd.s32 s14, v7;
	v24 =	vld.idx.msk [tilespmem:v24+s2+$0x0], $0xffff  }
0x8e: {  	v32 =	vadd.s32 s8, v4;
	v26 =	vld.idx.msk [tilespmem:v26+s2+$0x0], $0xffff  }
0x8f: {  	v33 =	vadd.s32 s8, v5;
	v27 =	vld.idx.msk [tilespmem:v27+s28+$0x0], $0xffff  }
0x90: {  	v34 =	vadd.s32 s8, v3;
	v28 =	vld.idx.msk [tilespmem:v28+s2+$0x0], $0xffff  }
0x91: {  	v35 =	vadd.s32 s8, v2;
	v29 =	vld.idx.msk [tilespmem:v29+s28+$0x0], $0xffff  }
0x92: {  	s9 =	simm.s32 $0x50;
	v36 =	vadd.s32 s8, v7;
	v30 =	vld.idx.msk [tilespmem:v30+s2+$0x0], $0xffff  }
0x93: {  	v38 =	vadd.s32 s9, v4;
	v32 =	vld.idx.msk [tilespmem:v32+s2+$0x0], $0xffff  }
0x94: {  	v39 =	vadd.s32 s9, v5;
	v33 =	vld.idx.msk [tilespmem:v33+s28+$0x0], $0xffff  }
0x95: {  	v40 =	vadd.s32 s9, v3;
	v34 =	vld.idx.msk [tilespmem:v34+s2+$0x0], $0xffff  }
0x96: {  	v41 =	vadd.s32 s9, v2;
	v35 =	vld.idx.msk [tilespmem:v35+s28+$0x0], $0xffff  }
0x97: {  	s11 =	simm.s32 $0x60;
	v42 =	vadd.s32 s9, v7;
	v36 =	vld.idx.msk [tilespmem:v36+s2+$0x0], $0xffff  }
0x98: {  	v44 =	vadd.s32 s11, v4;
	v38 =	vld.idx.msk [tilespmem:v38+s2+$0x0], $0xffff  }
0x99: {  	v45 =	vadd.s32 s11, v5;
	v39 =	vld.idx.msk [tilespmem:v39+s28+$0x0], $0xffff  }
0x9a: {  	v46 =	vadd.s32 s11, v3;
	v40 =	vld.idx.msk [tilespmem:v40+s2+$0x0], $0xffff  }
0x9b: {  	v49 =	vadd.s32 s11, v2;
	v41 =	vld.idx.msk [tilespmem:v41+s28+$0x0], $0xffff  }
0x9c: {  	v50 =	vadd.s32 s11, v7;
	v42 =	vld.idx.msk [tilespmem:v42+s2+$0x0], $0xffff  }
0x9d: {  	v14 =	vadd.s32 s21, v6;
	v44 =	vld.idx.msk [tilespmem:v44+s2+$0x0], $0xffff  }
0x9e: {  	v19 =	vadd.s32 s12, v6;
	v45 =	vld.idx.msk [tilespmem:v45+s28+$0x0], $0xffff  }
0x9f: {  	v25 =	vadd.s32 s13, v6;
	v46 =	vld.idx.msk [tilespmem:v46+s2+$0x0], $0xffff  }
0xa0: {  	v31 =	vadd.s32 s14, v6;
	v49 =	vld.idx.msk [tilespmem:v49+s28+$0x0], $0xffff  }
0xa1: {  	v37 =	vadd.s32 s8, v6;
	v50 =	vld.idx.msk [tilespmem:v50+s2+$0x0], $0xffff  }
0xa2: {  	v43 =	vadd.s32 s9, v6;
	v13 =	vld.idx.msk [tilespmem:v14+s28+$0x0], $0xffff  }
0xa3: {  	v51 =	vadd.s32 s11, v6;
	v19 =	vld.idx.msk [tilespmem:v19+s28+$0x0], $0xffff  }
0xa4: {  	v25 =	vld.idx.msk [tilespmem:v25+s28+$0x0], $0xffff  }
0xa5: {  	v31 =	vld.idx.msk [tilespmem:v31+s28+$0x0], $0xffff  }
0xa6: {  	v14 =	vadd.s32 s12, v7;
	v37 =	vld.idx.msk [tilespmem:v37+s28+$0x0], $0xffff  }
0xa7: {  	v43 =	vld.idx.msk [tilespmem:v43+s28+$0x0], $0xffff;
	v8 =	vadd.f32 v10, v8  }
0xa8: {  	s13 =	simm.s32 $0x0;
	s14 =	simm.s32 $0x80;
	v51 =	vld.idx.msk [tilespmem:v51+s28+$0x0], $0xffff;
	v9 =	vadd.f32 v12, v9  }
0xa9: {  	v10 =	vadd.s32 s14, v5;
	[tilespmem:s13+$0x8780] =	vst.add.f32.msk $0xffff, v8  }
0xaa: {  	s12 =	simm.s32 $0x70;
	v15 =	vadd.f32 v16, v15;
	v12 =	vadd.s32 s14, v3;
	[tilespmem:s13+$0xA780] =	vst.add.f32.msk $0xffff, v9  }
0xab: {  	v17 =	vadd.f32 v18, v17;
	v47 =	vadd.s32 s12, v7;
	v14 =	vld.idx.msk [tilespmem:v14+s2+$0x0], $0xffff  }
0xac: {  	v48 =	vadd.s32 s12, v6;
	[tilespmem:s13+$0x8790] =	vst.add.f32.msk $0xffff, v15  }
0xad: {  	v52 =	vadd.s32 s12, v4;
	[tilespmem:s13+$0xA790] =	vst.add.f32.msk $0xffff, v17  }
0xae: {  	v53 =	vadd.s32 s12, v5;
	v10 =	vld.idx.msk [tilespmem:v10+s28+$0x0], $0xffff  }
0xaf: {  	v54 =	vadd.s32 s12, v3;
	v9 =	vld.idx.msk [tilespmem:v12+s2+$0x0], $0xffff  }
0xb0: {  	v55 =	vadd.s32 s12, v2;
	v47 =	vld.idx.msk [tilespmem:v47+s2+$0x0], $0xffff  }
0xb1: {  	v48 =	vld.idx.msk [tilespmem:v48+s28+$0x0], $0xffff  }
0xb2: {  	v52 =	vld.idx.msk [tilespmem:v52+s2+$0x0], $0xffff  }
0xb3: {  	v53 =	vld.idx.msk [tilespmem:v53+s28+$0x0], $0xffff  }
0xb4: {  	v15 =	vadd.f32 v21, v20;
	v54 =	vld.idx.msk [tilespmem:v54+s2+$0x0], $0xffff  }
0xb5: {  	v17 =	vadd.f32 v25, v24;
	v16 =	vld.idx.msk [tilespmem:v55+s28+$0x0], $0xffff  }
0xb6: {  	v11 =	vadd.f32 v13, v11;
	v13 =	vadd.s32 s14, v2;
	[tilespmem:s13+$0x87A0] =	vst.add.f32.msk $0xffff, v15  }
0xb7: {  	[tilespmem:s13+$0xC7A0] =	vst.add.f32.msk $0xffff, v17;
	v15 =	vadd.f32 v29, v28  }
0xb8: {  	v17 =	vadd.f32 v31, v30;
	[tilespmem:s13+$0xC780] =	vst.add.f32.msk $0xffff, v11  }
0xb9: {  	[tilespmem:s13+$0xA7B0] =	vst.add.f32.msk $0xffff, v15  }
0xba: {  	[tilespmem:s13+$0xC7B0] =	vst.add.f32.msk $0xffff, v17;
	v15 =	vadd.f32 v35, v34  }
0xbb: {  	v17 =	vadd.f32 v37, v36;
	v12 =	vld.idx.msk [tilespmem:v13+s28+$0x0], $0xffff  }
0xbc: {  	v14 =	vadd.f32 v19, v14;
	[tilespmem:s13+$0xA7C0] =	vst.add.f32.msk $0xffff, v15  }
0xbd: {  	v47 =	vadd.f32 v48, v47;
	[tilespmem:s13+$0xC7C0] =	vst.add.f32.msk $0xffff, v17  }
0xbe: {  	v15 =	vadd.f32 v41, v40;
	[tilespmem:s13+$0xC790] =	vst.add.f32.msk $0xffff, v14  }
0xbf: {  	v17 =	vadd.f32 v43, v42;
	[tilespmem:s13+$0xC7F0] =	vst.add.f32.msk $0xffff, v47  }
0xc0: {  	v14 =	vadd.f32 v23, v22;
	[tilespmem:s13+$0xA7D0] =	vst.add.f32.msk $0xffff, v15  }
0xc1: {  	[tilespmem:s13+$0xC7D0] =	vst.add.f32.msk $0xffff, v17;
	v15 =	vadd.f32 v49, v46  }
0xc2: {  	[tilespmem:s13+$0xA7A0] =	vst.add.f32.msk $0xffff, v14;
	v14 =	vadd.f32 v27, v26  }
0xc3: {  	[tilespmem:s13+$0xA7E0] =	vst.add.f32.msk $0xffff, v15;
	v15 =	vadd.f32 v16, v54  }
0xc4: {  	v16 =	vadd.s32 s14, v4;
	[tilespmem:s13+$0x87B0] =	vst.add.f32.msk $0xffff, v14;
	v14 =	vadd.f32 v33, v32  }
0xc5: {  	v17 =	vadd.f32 v51, v50;
	[tilespmem:s13+$0xA7F0] =	vst.add.f32.msk $0xffff, v15  }
0xc6: {  	s9 =	simm.s32 $0x90;
	v15 =	vadd.s32 s14, v6;
	[tilespmem:s13+$0x87C0] =	vst.add.f32.msk $0xffff, v14;
	v14 =	vadd.f32 v39, v38  }
0xc7: {  	[tilespmem:s13+$0xC7E0] =	vst.add.f32.msk $0xffff, v17;
	v17 =	vadd.s32 s9, v5  }
0xc8: {  	s11 =	simm.s32 $0xA0;
	v19 =	vadd.s32 s9, v2;
	[tilespmem:s13+$0x87D0] =	vst.add.f32.msk $0xffff, v14;
	v14 =	vadd.f32 v45, v44  }
0xc9: {  	v22 =	vadd.s32 s11, v4;
	v8 =	vld.idx.msk [tilespmem:v16+s2+$0x0], $0xffff  }
0xca: {  	v24 =	vadd.s32 s11, v3;
	[tilespmem:s13+$0x87E0] =	vst.add.f32.msk $0xffff, v14  }
0xcb: {  	v26 =	vadd.s32 s11, v7;
	v13 =	vld.idx.msk [tilespmem:v15+s28+$0x0], $0xffff  }
0xcc: {  	v15 =	vld.idx.msk [tilespmem:v17+s28+$0x0], $0xffff  }
0xcd: {  	s12 =	simm.s32 $0xB0;
	v27 =	vadd.s32 s11, v6;
	v17 =	vld.idx.msk [tilespmem:v19+s28+$0x0], $0xffff  }
0xce: {  	v30 =	vadd.s32 s12, v3;
	v19 =	vld.idx.msk [tilespmem:v22+s2+$0x0], $0xffff  }
0xcf: {  	v51 =	vadd.s32 s12, v7;
	v14 =	vadd.f32 v53, v52;
	v22 =	vld.idx.msk [tilespmem:v24+s2+$0x0], $0xffff  }
0xd0: {  	v24 =	vld.idx.msk [tilespmem:v26+s2+$0x0], $0xffff;
	v52 =	vadd.s32 s12, v6  }
0xd1: {  	[tilespmem:s13+$0x87F0] =	vst.add.f32.msk $0xffff, v14;
	v14 =	vadd.s32 s14, v7  }
0xd2: {  	v16 =	vadd.s32 s9, v4;
	v26 =	vld.idx.msk [tilespmem:v27+s28+$0x0], $0xffff  }
0xd3: {  	v18 =	vadd.s32 s9, v3;
	v27 =	vld.idx.msk [tilespmem:v30+s2+$0x0], $0xffff  }
0xd4: {  	v20 =	vadd.s32 s9, v7;
	v30 =	vld.idx.msk [tilespmem:v51+s2+$0x0], $0xffff  }
0xd5: {  	v21 =	vadd.s32 s9, v6;
	v32 =	vld.idx.msk [tilespmem:v52+s28+$0x0], $0xffff  }
0xd6: {  	v23 =	vadd.s32 s11, v5;
	v11 =	vld.idx.msk [tilespmem:v14+s2+$0x0], $0xffff  }
0xd7: {  	v25 =	vadd.s32 s11, v2;
	v14 =	vld.idx.msk [tilespmem:v16+s2+$0x0], $0xffff  }
0xd8: {  	v28 =	vadd.s32 s12, v4;
	v16 =	vld.idx.msk [tilespmem:v18+s2+$0x0], $0xffff  }
0xd9: {  	v29 =	vadd.s32 s12, v5;
	v18 =	vld.idx.msk [tilespmem:v20+s2+$0x0], $0xffff  }
0xda: {  	v31 =	vadd.s32 s12, v2;
	s13 =	simm.s32 $0xC0;
	v20 =	vld.idx.msk [tilespmem:v21+s28+$0x0], $0xffff  }
0xdb: {  	v53 =	vadd.s32 s13, v4;
	v21 =	vld.idx.msk [tilespmem:v23+s28+$0x0], $0xffff  }
0xdc: {  	v54 =	vadd.s32 s13, v5;
	v23 =	vld.idx.msk [tilespmem:v25+s28+$0x0], $0xffff  }
0xdd: {  	v55 =	vadd.s32 s13, v3;
	v25 =	vld.idx.msk [tilespmem:v28+s2+$0x0], $0xffff  }
0xde: {  	v56 =	vadd.s32 s13, v2;
	v28 =	vld.idx.msk [tilespmem:v29+s28+$0x0], $0xffff  }
0xdf: {  	v57 =	vadd.s32 s13, v7;
	v29 =	vld.idx.msk [tilespmem:v31+s28+$0x0], $0xffff  }
0xe0: {  	s14 =	simm.s32 $0xD0;
	v58 =	vadd.s32 s13, v6;
	v31 =	vld.idx.msk [tilespmem:v53+s2+$0x0], $0xffff  }
0xe1: {  	v59 =	vadd.s32 s14, v4;
	v33 =	vld.idx.msk [tilespmem:v54+s28+$0x0], $0xffff  }
0xe2: {  	v60 =	vadd.s32 s14, v5;
	v34 =	vld.idx.msk [tilespmem:v55+s2+$0x0], $0xffff  }
0xe3: {  	v61 =	vadd.s32 s14, v3;
	v35 =	vld.idx.msk [tilespmem:v56+s28+$0x0], $0xffff  }
0xe4: {  	v62 =	vadd.s32 s14, v2;
	v36 =	vld.idx.msk [tilespmem:v57+s2+$0x0], $0xffff  }
0xe5: {  	v63 =	vadd.s32 s14, v7;
	v38 =	vld.idx.msk [tilespmem:v58+s28+$0x0], $0xffff  }
0xe6: {  	s11 =	simm.s32 $0xE0;
	v44 =	vadd.s32 s14, v6;
	v37 =	vld.idx.msk [tilespmem:v59+s2+$0x0], $0xffff  }
0xe7: {  	v45 =	vadd.s32 s11, v4;
	v39 =	vld.idx.msk [tilespmem:v60+s28+$0x0], $0xffff  }
0xe8: {  	v47 =	vadd.s32 s11, v5;
	v40 =	vld.idx.msk [tilespmem:v61+s2+$0x0], $0xffff  }
0xe9: {  	v46 =	vadd.s32 s11, v3;
	s9 =	simm.s32 $0xF0;
	v41 =	vld.idx.msk [tilespmem:v62+s28+$0x0], $0xffff  }
0xea: {  	s7 =	simm.s32 $0x0;
	s8 =	simm.s32 $0x100;
	v43 =	vadd.s32 s9, v7;
	v42 =	vld.idx.msk [tilespmem:v63+s2+$0x0], $0xffff  }
.LBB2_5:
0xeb: {  	p0 =	slt.u32 s8, $0x1F80;
	v44 =	vld.idx.msk [tilespmem:v44+s28+$0x0], $0xffff;
	v48 =	vadd.s32 s9, v6  }
0xec: {  	v49 =	vadd.s32 s11, v2;
	v45 =	vld.idx.msk [tilespmem:v45+s2+$0x0], $0xffff  }
0xed: {  	v50 =	vadd.s32 s11, v7;
	v47 =	vld.idx.msk [tilespmem:v47+s28+$0x0], $0xffff  }
0xee: {  	v51 =	vadd.s32 s11, v6;
	v46 =	vld.idx.msk [tilespmem:v46+s2+$0x0], $0xffff  }
0xef: {  	v52 =	vadd.s32 s9, v4;
	v43 =	vld.idx.msk [tilespmem:v43+s2+$0x0], $0xffff  }
0xf0: {  	v53 =	vadd.s32 s9, v5;
	v48 =	vld.idx.msk [tilespmem:v48+s28+$0x0], $0xffff  }
0xf1: {  	v54 =	vadd.s32 s9, v3;
	v49 =	vld.idx.msk [tilespmem:v49+s28+$0x0], $0xffff  }
0xf2: {  	v55 =	vadd.s32 s9, v2;
	v50 =	vld.idx.msk [tilespmem:v50+s2+$0x0], $0xffff  }
0xf3: {  	v51 =	vld.idx.msk [tilespmem:v51+s28+$0x0], $0xffff  }
0xf4: {  	v52 =	vld.idx.msk [tilespmem:v52+s2+$0x0], $0xffff  }
0xf5: {  	v53 =	vld.idx.msk [tilespmem:v53+s28+$0x0], $0xffff  }
0xf6: {  	s7 =	sadd.s32 $0x200, s7;
	v43 =	vadd.f32 v48, v43;
	v54 =	vld.idx.msk [tilespmem:v54+s2+$0x0], $0xffff  }
0xf7: {  	v14 =	vadd.f32 v15, v14;
	s9 =	sshra.s32 s7, $0x2;
	v15 =	vld.idx.msk [tilespmem:v55+s28+$0x0], $0xffff  }
0xf8: {  	v16 =	vadd.f32 v17, v16;
	[tilespmem:s9+$0xC7F0] =	vst.add.f32.msk $0xffff, v43  }
0xf9: {  	v17 =	vadd.f32 v20, v18;
	[tilespmem:s9+$0x8790] =	vst.add.f32.msk $0xffff, v14  }
0xfa: {  	v14 =	vadd.f32 v21, v19;
	[tilespmem:s9+$0xA790] =	vst.add.f32.msk $0xffff, v16  }
0xfb: {  	v16 =	vadd.f32 v23, v22;
	[tilespmem:s9+$0xC790] =	vst.add.f32.msk $0xffff, v17;
	v17 =	vadd.f32 v53, v52  }
0xfc: {  	v18 =	vadd.f32 v26, v24;
	[tilespmem:s9+$0x87A0] =	vst.add.f32.msk $0xffff, v14  }
0xfd: {  	v14 =	vadd.f32 v28, v25;
	v15 =	vadd.f32 v15, v54;
	[tilespmem:s9+$0xA7A0] =	vst.add.f32.msk $0xffff, v16  }
0xfe: {  	v16 =	vadd.f32 v29, v27;
	[tilespmem:s9+$0xC7A0] =	vst.add.f32.msk $0xffff, v18  }
0xff: {  	v18 =	vadd.f32 v32, v30;
	[tilespmem:s9+$0x87B0] =	vst.add.f32.msk $0xffff, v14  }
0x100: {  	v14 =	vadd.f32 v33, v31;
	[tilespmem:s9+$0xA7B0] =	vst.add.f32.msk $0xffff, v16  }
0x101: {  	v16 =	vadd.f32 v35, v34;
	[tilespmem:s9+$0xC7B0] =	vst.add.f32.msk $0xffff, v18  }
0x102: {  	v18 =	vadd.f32 v38, v36;
	[tilespmem:s9+$0x87C0] =	vst.add.f32.msk $0xffff, v14  }
0x103: {  	v14 =	vadd.f32 v39, v37;
	[tilespmem:s9+$0xA7C0] =	vst.add.f32.msk $0xffff, v16  }
0x104: {  	v16 =	vadd.f32 v41, v40;
	[tilespmem:s9+$0xC7C0] =	vst.add.f32.msk $0xffff, v18  }
0x105: {  	v18 =	vadd.f32 v44, v42;
	[tilespmem:s9+$0x87D0] =	vst.add.f32.msk $0xffff, v14  }
0x106: {  	v14 =	vadd.f32 v47, v45;
	[tilespmem:s9+$0xA7D0] =	vst.add.f32.msk $0xffff, v16  }
0x107: {  	v16 =	vadd.f32 v49, v46;
	[tilespmem:s9+$0xC7D0] =	vst.add.f32.msk $0xffff, v18  }
0x108: {  	v18 =	vadd.f32 v51, v50;
	[tilespmem:s9+$0x87E0] =	vst.add.f32.msk $0xffff, v14  }
0x109: {  	[tilespmem:s9+$0xA7E0] =	vst.add.f32.msk $0xffff, v16  }
0x10a: {  	[tilespmem:s9+$0xC7E0] =	vst.add.f32.msk $0xffff, v18  }
0x10b: {  	v8 =	vadd.f32 v10, v8;
	v14 =	vadd.s32 s8, v4;
	[tilespmem:s9+$0x87F0] =	vst.add.f32.msk $0xffff, v17  }
0x10c: {  	v10 =	vadd.s32 s8, v5;
	v9 =	vadd.f32 v12, v9;
	[tilespmem:s9+$0xA7F0] =	vst.add.f32.msk $0xffff, v15  }
0x10d: {  	v12 =	vadd.s32 s8, v3;
	v11 =	vadd.f32 v13, v11;
	[tilespmem:s9+$0x8780] =	vst.add.f32.msk $0xffff, v8  }
0x10e: {  	v13 =	vadd.s32 s8, v2;
	[tilespmem:s9+$0xA780] =	vst.add.f32.msk $0xffff, v9  }
0x10f: {  	v15 =	vadd.s32 s8, v7;
	[tilespmem:s9+$0xC780] =	vst.add.f32.msk $0xffff, v11  }
0x110: {  	s9 =	sadd.s32 $0x10, s8;
	v8 =	vld.idx.msk [tilespmem:v14+s2+$0x0], $0xffff;
	v14 =	vadd.s32 s8, v6  }
0x111: {  	v16 =	vadd.s32 s9, v4;
	v10 =	vld.idx.msk [tilespmem:v10+s28+$0x0], $0xffff  }
0x112: {  	v17 =	vadd.s32 s9, v5;
	v9 =	vld.idx.msk [tilespmem:v12+s2+$0x0], $0xffff  }
0x113: {  	v18 =	vadd.s32 s9, v3;
	v12 =	vld.idx.msk [tilespmem:v13+s28+$0x0], $0xffff  }
0x114: {  	v19 =	vadd.s32 s9, v2;
	v11 =	vld.idx.msk [tilespmem:v15+s2+$0x0], $0xffff  }
0x115: {  	v20 =	vadd.s32 s9, v7;
	v13 =	vld.idx.msk [tilespmem:v14+s28+$0x0], $0xffff  }
0x116: {  	v21 =	vadd.s32 s9, v6;
	s9 =	sadd.s32 $0x20, s8;
	v14 =	vld.idx.msk [tilespmem:v16+s2+$0x0], $0xffff  }
0x117: {  	v22 =	vadd.s32 s9, v4;
	v15 =	vld.idx.msk [tilespmem:v17+s28+$0x0], $0xffff  }
0x118: {  	v23 =	vadd.s32 s9, v5;
	v16 =	vld.idx.msk [tilespmem:v18+s2+$0x0], $0xffff  }
0x119: {  	v24 =	vadd.s32 s9, v3;
	v17 =	vld.idx.msk [tilespmem:v19+s28+$0x0], $0xffff  }
0x11a: {  	v25 =	vadd.s32 s9, v2;
	v18 =	vld.idx.msk [tilespmem:v20+s2+$0x0], $0xffff  }
0x11b: {  	v26 =	vadd.s32 s9, v7;
	v20 =	vld.idx.msk [tilespmem:v21+s28+$0x0], $0xffff  }
0x11c: {  	v27 =	vadd.s32 s9, v6;
	s9 =	sadd.s32 $0x30, s8;
	v19 =	vld.idx.msk [tilespmem:v22+s2+$0x0], $0xffff  }
0x11d: {  	v28 =	vadd.s32 s9, v4;
	v21 =	vld.idx.msk [tilespmem:v23+s28+$0x0], $0xffff  }
0x11e: {  	v29 =	vadd.s32 s9, v5;
	v22 =	vld.idx.msk [tilespmem:v24+s2+$0x0], $0xffff  }
0x11f: {  	v30 =	vadd.s32 s9, v3;
	v23 =	vld.idx.msk [tilespmem:v25+s28+$0x0], $0xffff  }
0x120: {  	v31 =	vadd.s32 s9, v2;
	v24 =	vld.idx.msk [tilespmem:v26+s2+$0x0], $0xffff  }
0x121: {  	v32 =	vadd.s32 s9, v7;
	v26 =	vld.idx.msk [tilespmem:v27+s28+$0x0], $0xffff  }
0x122: {  	v33 =	vadd.s32 s9, v6;
	s9 =	sadd.s32 $0x40, s8;
	v25 =	vld.idx.msk [tilespmem:v28+s2+$0x0], $0xffff  }
0x123: {  	v34 =	vadd.s32 s9, v4;
	v28 =	vld.idx.msk [tilespmem:v29+s28+$0x0], $0xffff  }
0x124: {  	v35 =	vadd.s32 s9, v5;
	v27 =	vld.idx.msk [tilespmem:v30+s2+$0x0], $0xffff  }
0x125: {  	v36 =	vadd.s32 s9, v3;
	v29 =	vld.idx.msk [tilespmem:v31+s28+$0x0], $0xffff  }
0x126: {  	v37 =	vadd.s32 s9, v2;
	v30 =	vld.idx.msk [tilespmem:v32+s2+$0x0], $0xffff  }
0x127: {  	v38 =	vadd.s32 s9, v7;
	v32 =	vld.idx.msk [tilespmem:v33+s28+$0x0], $0xffff  }
0x128: {  	v39 =	vadd.s32 s9, v6;
	s9 =	sadd.s32 $0x50, s8;
	v31 =	vld.idx.msk [tilespmem:v34+s2+$0x0], $0xffff  }
0x129: {  	v40 =	vadd.s32 s9, v4;
	v33 =	vld.idx.msk [tilespmem:v35+s28+$0x0], $0xffff  }
0x12a: {  	v41 =	vadd.s32 s9, v5;
	v34 =	vld.idx.msk [tilespmem:v36+s2+$0x0], $0xffff  }
0x12b: {  	v42 =	vadd.s32 s9, v3;
	v35 =	vld.idx.msk [tilespmem:v37+s28+$0x0], $0xffff  }
0x12c: {  	v43 =	vadd.s32 s9, v2;
	v36 =	vld.idx.msk [tilespmem:v38+s2+$0x0], $0xffff  }
0x12d: {  	v48 =	vadd.s32 s9, v7;
	v38 =	vld.idx.msk [tilespmem:v39+s28+$0x0], $0xffff  }
.Ltmp1:
0x12e: {  	s11 =	sadd.s32 $0x60, s8;
	v44 =	vadd.s32 s9, v6;
	v37 =	vld.idx.msk [tilespmem:v40+s2+$0x0], $0xffff;
	(pc) =	sbr.rel @p0 .LBB2_5-.Ltmp1, $4  }
0x12f: {  	v45 =	vadd.s32 s11, v4;
	v39 =	vld.idx.msk [tilespmem:v41+s28+$0x0], $0xffff  }
0x130: {  	v47 =	vadd.s32 s11, v5;
	v40 =	vld.idx.msk [tilespmem:v42+s2+$0x0], $0xffff  }
0x131: {  	v46 =	vadd.s32 s11, v3;
	s9 =	sadd.s32 $0x70, s8;
	v41 =	vld.idx.msk [tilespmem:v43+s28+$0x0], $0xffff  }
0x132: {  	s8 =	sadd.s32 $0x80, s8;
	v43 =	vadd.s32 s9, v7;
	v42 =	vld.idx.msk [tilespmem:v48+s2+$0x0], $0xffff  }
0x133: {  	_ =	sdelay $0x3  }
0x134: {  	v44 =	vld.idx.msk [tilespmem:v44+s28+$0x0], $0xffff  }
0x135: {  	v45 =	vld.idx.msk [tilespmem:v45+s2+$0x0], $0xffff  }
0x136: {  	v47 =	vld.idx.msk [tilespmem:v47+s28+$0x0], $0xffff  }
0x137: {  	v46 =	vld.idx.msk [tilespmem:v46+s2+$0x0], $0xffff;
	s7 =	sadd.s32 $0x200, s7;
	v14 =	vadd.f32 v15, v14  }
0x138: {  	v43 =	vld.idx.msk [tilespmem:v43+s2+$0x0], $0xffff;
	v15 =	vadd.f32 v17, v16;
	s7 =	sshra.s32 s7, $0x2  }
0x139: {  	v16 =	vadd.f32 v20, v18;
	[tilespmem:s7+$0x8790] =	vst.add.f32.msk $0xffff, v14  }
0x13a: {  	v48 =	vadd.s32 s9, v6;
	[tilespmem:s7+$0xA790] =	vst.add.f32.msk $0xffff, v15;
	v14 =	vadd.f32 v21, v19  }
0x13b: {  	v49 =	vadd.s32 s11, v2;
	[tilespmem:s7+$0xC790] =	vst.add.f32.msk $0xffff, v16;
	v15 =	vadd.f32 v23, v22  }
0x13c: {  	v7 =	vadd.s32 s11, v7;
	v16 =	vadd.f32 v26, v24;
	[tilespmem:s7+$0x87A0] =	vst.add.f32.msk $0xffff, v14  }
0x13d: {  	v6 =	vadd.s32 s11, v6;
	[tilespmem:s7+$0xA7A0] =	vst.add.f32.msk $0xffff, v15  }
0x13e: {  	v4 =	vadd.s32 s9, v4;
	[tilespmem:s7+$0xC7A0] =	vst.add.f32.msk $0xffff, v16  }
0x13f: {  	v5 =	vadd.s32 s9, v5;
	v48 =	vld.idx.msk [tilespmem:v48+s28+$0x0], $0xffff  }
0x140: {  	v3 =	vadd.s32 s9, v3;
	v49 =	vld.idx.msk [tilespmem:v49+s28+$0x0], $0xffff  }
0x141: {  	v2 =	vadd.s32 s9, v2;
	v7 =	vld.idx.msk [tilespmem:v7+s2+$0x0], $0xffff  }
0x142: {  	v6 =	vld.idx.msk [tilespmem:v6+s28+$0x0], $0xffff  }
0x143: {  	v4 =	vld.idx.msk [tilespmem:v4+s2+$0x0], $0xffff  }
0x144: {  	v5 =	vld.idx.msk [tilespmem:v5+s28+$0x0], $0xffff  }
0x145: {  	v14 =	vadd.f32 v28, v25;
	v3 =	vld.idx.msk [tilespmem:v3+s2+$0x0], $0xffff  }
0x146: {  	v15 =	vadd.f32 v29, v27;
	v2 =	vld.idx.msk [tilespmem:v2+s28+$0x0], $0xffff  }
0x147: {  	v16 =	vadd.f32 v32, v30;
	[tilespmem:s7+$0x87B0] =	vst.add.f32.msk $0xffff, v14  }
0x148: {  	[tilespmem:s7+$0xA7B0] =	vst.add.f32.msk $0xffff, v15;
	v14 =	vadd.f32 v33, v31  }
0x149: {  	[tilespmem:s7+$0xC7B0] =	vst.add.f32.msk $0xffff, v16;
	v15 =	vadd.f32 v35, v34  }
0x14a: {  	v16 =	vadd.f32 v38, v36;
	[tilespmem:s7+$0x87C0] =	vst.add.f32.msk $0xffff, v14  }
0x14b: {  	[tilespmem:s7+$0xA7C0] =	vst.add.f32.msk $0xffff, v15;
	v14 =	vadd.f32 v39, v37  }
0x14c: {  	[tilespmem:s7+$0xC7C0] =	vst.add.f32.msk $0xffff, v16;
	v15 =	vadd.f32 v41, v40  }
0x14d: {  	v16 =	vadd.f32 v44, v42;
	[tilespmem:s7+$0x87D0] =	vst.add.f32.msk $0xffff, v14  }
0x14e: {  	v43 =	vadd.f32 v48, v43;
	[tilespmem:s7+$0xA7D0] =	vst.add.f32.msk $0xffff, v15  }
0x14f: {  	v14 =	vadd.f32 v47, v45;
	[tilespmem:s7+$0xC7D0] =	vst.add.f32.msk $0xffff, v16  }
0x150: {  	v15 =	vadd.f32 v49, v46;
	[tilespmem:s7+$0xC7F0] =	vst.add.f32.msk $0xffff, v43  }
0x151: {  	s8 =	sshllo.u32 s6, $0x1;
	p0 =	seq.s32 s6, $0x6;
	v6 =	vadd.f32 v6, v7;
	[tilespmem:s7+$0x87E0] =	vst.add.f32.msk $0xffff, v14  }
0x152: {  	s9 =	sshll.u32 @!p0 s8, $0x1;
	v4 =	vadd.f32 v5, v4;
	[tilespmem:s7+$0xA7E0] =	vst.add.f32.msk $0xffff, v15  }
0x153: {  	s11 =	sadd.s32 @!p0 $0x2, s9;
	v2 =	vadd.f32 v2, v3;
	[tilespmem:s7+$0xC7E0] =	vst.add.f32.msk $0xffff, v6  }
0x154: {  	s12 =	smulhi.u32 @!p0 $0x92492493, s11;
	v3 =	vadd.f32 v10, v8;
	[tilespmem:s7+$0x87F0] =	vst.add.f32.msk $0xffff, v4  }
0x155: {  	v4 =	vadd.f32 v12, v9;
	[tilespmem:s7+$0xA7F0] =	vst.add.f32.msk $0xffff, v2  }
0x156: {  	s12 =	sshrl.u32 @!p0 s12, $0x2;
	v2 =	vadd.f32 v13, v11;
	[tilespmem:s7+$0x8780] =	vst.add.f32.msk $0xffff, v3  }
0x157: {  	s13 =	smul.u32 @!p0 $0x7, s12;
	[tilespmem:s7+$0xA780] =	vst.add.f32.msk $0xffff, v4  }
0x158: {  	s9 =	sadd.s32 @!p0 $0x3, s9;
	[tilespmem:s7+$0xC780] =	vst.add.f32.msk $0xffff, v2  }
0x159: {  	s11 =	ssub.s32 @!p0 s11, s13;
	s7 =	smul.u32 @!p0 $0x70, s12;
	_ =	swait.ge [sflag:s29], $0x2000  }
0x15a: {  	s13 =	simm.s32 @!p0 $0x10;
	s11 =	sadd.s32 @!p0 s11, s4;
	[sflag:s29] =	ssyncset.done $0x0  }
0x15b: {  	s7 =	sadd.s32 @!p0 s7, s11;
	s11 =	smulhi.u32 @!p0 $0x92492493, s9;
	[sflag:s29] =	ssyncadd.s32 $0xFFFFE000  }
0x15c: {  	s12 =	simm.s32 @!p0 $0x0;
	s7 =	sshll.u32 @!p0 s7, $0xA;
	_ =	swait.ge [sflag:s30], $0x2000  }
0x15d: {  	s7 =	sand.u32 @!p0 $0x1FFFFC00, s7;
	s11 =	sshrl.u32 @!p0 s11, $0x2;
	[sflag:s30] =	ssyncset.done $0x0  }
0x15e: {  	s7 =	sadd.s32 @!p0 s3, s7;
	s14 =	smul.u32 @!p0 $0x7, s11;
	[sflag:s30] =	ssyncadd.s32 $0xFFFFE000  }
0x15f: {  	[tilespmem:s13], [sflag:$0x1] =	stream.linear.gather @!p0 [hbm4b:s7+s12], $0x2000, $0x38;
	[tilespmem:$0xE780] =	vst v63  }
0x160: {  	s7 =	smul.u32 @!p0 $0x70, s11;
	s9 =	ssub.s32 @!p0 s9, s14  }
0x161: {  	s9 =	sadd.s32 @!p0 s9, s4  }
0x162: {  	s7 =	sadd.s32 @!p0 s7, s9  }
0x163: {  	s11 =	sshll.u32 s8, $0x5;
	s7 =	sshll.u32 @!p0 s7, $0xA  }
0x164: {  	v2 =	vor.u32 s11, v1;
	s8 =	sor.u32 $0x10, s11;
	s7 =	sand.u32 @!p0 $0x1FFFFC00, s7  }
0x165: {  	s13 =	sadd.s32 $0x1D0, s11;
	s9 =	simm.s32 @!p0 $0x2090;
	v3 =	vor.u32 s8, v1;
	s7 =	sadd.s32 @!p0 s3, s7  }
0x166: {  	v7 =	vor.u32 s13, v1;
	[tilespmem:s9], [sflag:$0x2] =	stream.linear.gather @!p0 [hbm4b:s7+s12], $0x2000, $0x38;
	[tilespmem:$0xE780] =	vst v63  }
0x167: {  	s12 =	sadd.s32 $0x1C0, s11  }
0x168: {  	s14 =	sadd.s32 $0x380, s11;
	v6 =	vor.u32 s12, v1  }
0x169: {  	v8 =	vor.u32 s14, v1;
	s7 =	sadd.s32 $0x390, s11;
	v4 =	vld.idx.msk [tilespmem:v2+s19+$0x0], $0xffff  }
0x16a: {  	v9 =	vor.u32 s7, v1;
	v5 =	vld.idx.msk [tilespmem:v3+s19+$0x0], $0xffff  }
0x16b: {  	v2 =	vld.idx.msk [tilespmem:v7+s19+$0x0], $0xffff;
	_ =	sdelay $0x1  }
0x16c: {  	s7 =	simm.s32 $0x0;
	v3 =	vld.idx.msk [tilespmem:v6+s19+$0x0], $0xffff  }
0x16d: {  	v6 =	vld.idx.msk [tilespmem:v8+s19+$0x0], $0xffff;
	v8 =	vadd.s32 s7, v4  }
0x16e: {  	v7 =	vld.idx.msk [tilespmem:v9+s19+$0x0], $0xffff;
	v9 =	vadd.s32 s7, v5  }
0x16f: {  	s11 =	simm.s32 $0x10;
	v12 =	vadd.s32 s7, v2  }
0x170: {  	v15 =	vadd.s32 s11, v4  }
0x171: {  	v16 =	vadd.s32 s11, v5  }
0x172: {  	s12 =	simm.s32 $0x20;
	v18 =	vadd.s32 s11, v2;
	v8 =	vld.idx.msk [tilespmem:v8+s31+$0x0], $0xffff  }
0x173: {  	v20 =	vadd.s32 s12, v4;
	v10 =	vld.idx.msk [tilespmem:v9+s0+$0x0], $0xffff  }
0x174: {  	v21 =	vadd.s32 s12, v5;
	v12 =	vld.idx.msk [tilespmem:v12+s0+$0x0], $0xffff  }
0x175: {  	s13 =	simm.s32 $0x30;
	v23 =	vadd.s32 s12, v2;
	v15 =	vld.idx.msk [tilespmem:v15+s31+$0x0], $0xffff  }
0x176: {  	v26 =	vadd.s32 s13, v4;
	v16 =	vld.idx.msk [tilespmem:v16+s0+$0x0], $0xffff  }
0x177: {  	v27 =	vadd.s32 s13, v5;
	v18 =	vld.idx.msk [tilespmem:v18+s0+$0x0], $0xffff  }
0x178: {  	s14 =	simm.s32 $0x40;
	v29 =	vadd.s32 s13, v2;
	v20 =	vld.idx.msk [tilespmem:v20+s31+$0x0], $0xffff  }
0x179: {  	v46 =	vadd.s32 s14, v4;
	v21 =	vld.idx.msk [tilespmem:v21+s0+$0x0], $0xffff  }
0x17a: {  	v47 =	vadd.s32 s14, v5;
	v23 =	vld.idx.msk [tilespmem:v23+s0+$0x0], $0xffff  }
0x17b: {  	s9 =	simm.s32 $0x50;
	v49 =	vadd.s32 s14, v2;
	v26 =	vld.idx.msk [tilespmem:v26+s31+$0x0], $0xffff  }
0x17c: {  	v52 =	vadd.s32 s9, v4;
	v27 =	vld.idx.msk [tilespmem:v27+s0+$0x0], $0xffff  }
0x17d: {  	v53 =	vadd.s32 s9, v5;
	v29 =	vld.idx.msk [tilespmem:v29+s0+$0x0], $0xffff  }
0x17e: {  	v55 =	vadd.s32 s9, v2;
	v32 =	vld.idx.msk [tilespmem:v46+s31+$0x0], $0xffff  }
0x17f: {  	v11 =	vadd.s32 s7, v3;
	v33 =	vld.idx.msk [tilespmem:v47+s0+$0x0], $0xffff  }
0x180: {  	v13 =	vadd.s32 s7, v6;
	v35 =	vld.idx.msk [tilespmem:v49+s0+$0x0], $0xffff  }
0x181: {  	v14 =	vadd.s32 s7, v7;
	v38 =	vld.idx.msk [tilespmem:v52+s31+$0x0], $0xffff  }
0x182: {  	v17 =	vadd.s32 s11, v3;
	v39 =	vld.idx.msk [tilespmem:v53+s0+$0x0], $0xffff  }
0x183: {  	v19 =	vadd.s32 s11, v7;
	v41 =	vld.idx.msk [tilespmem:v55+s0+$0x0], $0xffff  }
0x184: {  	v22 =	vadd.s32 s12, v3;
	v9 =	vld.idx.msk [tilespmem:v11+s31+$0x0], $0xffff  }
0x185: {  	v24 =	vadd.s32 s12, v6;
	v11 =	vld.idx.msk [tilespmem:v13+s31+$0x0], $0xffff  }
0x186: {  	v25 =	vadd.s32 s12, v7;
	v13 =	vld.idx.msk [tilespmem:v14+s0+$0x0], $0xffff  }
0x187: {  	v28 =	vadd.s32 s13, v3;
	v17 =	vld.idx.msk [tilespmem:v17+s31+$0x0], $0xffff  }
0x188: {  	v30 =	vadd.s32 s13, v6;
	v19 =	vld.idx.msk [tilespmem:v19+s0+$0x0], $0xffff  }
0x189: {  	v31 =	vadd.s32 s13, v7;
	v22 =	vld.idx.msk [tilespmem:v22+s31+$0x0], $0xffff  }
0x18a: {  	v48 =	vadd.s32 s14, v3;
	v24 =	vld.idx.msk [tilespmem:v24+s31+$0x0], $0xffff  }
0x18b: {  	v50 =	vadd.s32 s14, v6;
	v25 =	vld.idx.msk [tilespmem:v25+s0+$0x0], $0xffff  }
0x18c: {  	v51 =	vadd.s32 s14, v7;
	v28 =	vld.idx.msk [tilespmem:v28+s31+$0x0], $0xffff  }
0x18d: {  	v54 =	vadd.s32 s9, v3;
	v30 =	vld.idx.msk [tilespmem:v30+s31+$0x0], $0xffff  }
0x18e: {  	v56 =	vadd.s32 s9, v6;
	v31 =	vld.idx.msk [tilespmem:v31+s0+$0x0], $0xffff  }
0x18f: {  	v57 =	vadd.s32 s9, v7;
	s12 =	simm.s32 $0x70;
	v34 =	vld.idx.msk [tilespmem:v48+s31+$0x0], $0xffff  }
0x190: {  	v61 =	vadd.s32 s12, v6;
	v36 =	vld.idx.msk [tilespmem:v50+s31+$0x0], $0xffff  }
0x191: {  	v62 =	vadd.s32 s12, v7;
	v37 =	vld.idx.msk [tilespmem:v51+s0+$0x0], $0xffff  }
0x192: {  	v52 =	vadd.s32 s12, v4;
	v40 =	vld.idx.msk [tilespmem:v54+s31+$0x0], $0xffff  }
0x193: {  	v53 =	vadd.s32 s12, v5;
	v42 =	vld.idx.msk [tilespmem:v56+s31+$0x0], $0xffff  }
0x194: {  	v55 =	vadd.s32 s12, v2;
	v43 =	vld.idx.msk [tilespmem:v57+s0+$0x0], $0xffff  }
0x195: {  	v47 =	vld.idx.msk [tilespmem:v61+s31+$0x0], $0xffff  }
0x196: {  	v14 =	vadd.s32 s11, v6;
	v48 =	vld.idx.msk [tilespmem:v62+s0+$0x0], $0xffff  }
0x197: {  	v54 =	vadd.s32 s12, v3;
	v52 =	vld.idx.msk [tilespmem:v52+s31+$0x0], $0xffff  }
0x198: {  	s14 =	simm.s32 $0x80;
	v8 =	vadd.f32 v10, v8;
	v53 =	vld.idx.msk [tilespmem:v53+s0+$0x0], $0xffff  }
0x199: {  	s13 =	simm.s32 $0x0;
	s11 =	simm.s32 $0x60;
	v15 =	vadd.f32 v16, v15;
	v10 =	vadd.s32 s14, v5;
	v16 =	vld.idx.msk [tilespmem:v55+s0+$0x0], $0xffff  }
0x19a: {  	v58 =	vadd.s32 s11, v4;
	[tilespmem:s13+$0x8780] =	vst.add.f32.msk $0xffff, v8  }
0x19b: {  	v59 =	vadd.s32 s11, v5;
	v14 =	vld.idx.msk [tilespmem:v14+s31+$0x0], $0xffff  }
0x19c: {  	v60 =	vadd.s32 s11, v3;
	v54 =	vld.idx.msk [tilespmem:v54+s31+$0x0], $0xffff  }
0x19d: {  	v63 =	vadd.s32 s11, v2;
	[tilespmem:s13+$0x8790] =	vst.add.f32.msk $0xffff, v15  }
0x19e: {  	v50 =	vadd.s32 s11, v6;
	v10 =	vld.idx.msk [tilespmem:v10+s0+$0x0], $0xffff  }
0x19f: {  	v51 =	vadd.s32 s11, v7;
	v44 =	vld.idx.msk [tilespmem:v58+s31+$0x0], $0xffff  }
0x1a0: {  	v45 =	vld.idx.msk [tilespmem:v59+s0+$0x0], $0xffff  }
0x1a1: {  	v46 =	vld.idx.msk [tilespmem:v60+s31+$0x0], $0xffff  }
0x1a2: {  	v49 =	vld.idx.msk [tilespmem:v63+s0+$0x0], $0xffff  }
0x1a3: {  	v17 =	vadd.f32 v18, v17;
	v50 =	vld.idx.msk [tilespmem:v50+s31+$0x0], $0xffff  }
0x1a4: {  	v15 =	vadd.f32 v21, v20;
	v51 =	vld.idx.msk [tilespmem:v51+s0+$0x0], $0xffff  }
0x1a5: {  	v9 =	vadd.f32 v12, v9;
	[tilespmem:s13+$0xA790] =	vst.add.f32.msk $0xffff, v17  }
0x1a6: {  	v11 =	vadd.f32 v13, v11;
	[tilespmem:s13+$0x87A0] =	vst.add.f32.msk $0xffff, v15  }
0x1a7: {  	v12 =	vadd.s32 s14, v3;
	v47 =	vadd.f32 v48, v47;
	[tilespmem:s13+$0xA780] =	vst.add.f32.msk $0xffff, v9  }
0x1a8: {  	v13 =	vadd.s32 s14, v2;
	v17 =	vadd.f32 v25, v24;
	[tilespmem:s13+$0xC780] =	vst.add.f32.msk $0xffff, v11  }
0x1a9: {  	v15 =	vadd.f32 v29, v28;
	[tilespmem:s13+$0xC7F0] =	vst.add.f32.msk $0xffff, v47  }
0x1aa: {  	[tilespmem:s13+$0xC7A0] =	vst.add.f32.msk $0xffff, v17  }
0x1ab: {  	[tilespmem:s13+$0xA7B0] =	vst.add.f32.msk $0xffff, v15  }
0x1ac: {  	v17 =	vadd.f32 v31, v30;
	v9 =	vld.idx.msk [tilespmem:v12+s31+$0x0], $0xffff  }
0x1ad: {  	v15 =	vadd.f32 v35, v34;
	v12 =	vld.idx.msk [tilespmem:v13+s0+$0x0], $0xffff  }
0x1ae: {  	v14 =	vadd.f32 v19, v14;
	[tilespmem:s13+$0xC7B0] =	vst.add.f32.msk $0xffff, v17  }
0x1af: {  	v17 =	vadd.f32 v37, v36;
	[tilespmem:s13+$0xA7C0] =	vst.add.f32.msk $0xffff, v15  }
0x1b0: {  	v15 =	vadd.f32 v41, v40;
	[tilespmem:s13+$0xC790] =	vst.add.f32.msk $0xffff, v14  }
0x1b1: {  	v14 =	vadd.f32 v23, v22;
	[tilespmem:s13+$0xC7C0] =	vst.add.f32.msk $0xffff, v17  }
0x1b2: {  	v17 =	vadd.f32 v43, v42;
	[tilespmem:s13+$0xA7D0] =	vst.add.f32.msk $0xffff, v15  }
0x1b3: {  	v15 =	vadd.f32 v49, v46;
	[tilespmem:s13+$0xA7A0] =	vst.add.f32.msk $0xffff, v14  }
0x1b4: {  	v14 =	vadd.f32 v27, v26;
	[tilespmem:s13+$0xC7D0] =	vst.add.f32.msk $0xffff, v17  }
0x1b5: {  	[tilespmem:s13+$0xA7E0] =	vst.add.f32.msk $0xffff, v15;
	v15 =	vadd.f32 v16, v54  }
0x1b6: {  	v16 =	vadd.s32 s14, v4;
	[tilespmem:s13+$0x87B0] =	vst.add.f32.msk $0xffff, v14;
	v14 =	vadd.f32 v33, v32  }
0x1b7: {  	v17 =	vadd.f32 v51, v50;
	[tilespmem:s13+$0xA7F0] =	vst.add.f32.msk $0xffff, v15  }
0x1b8: {  	s9 =	simm.s32 $0x90;
	v15 =	vadd.s32 s14, v7;
	[tilespmem:s13+$0x87C0] =	vst.add.f32.msk $0xffff, v14;
	v14 =	vadd.f32 v39, v38  }
0x1b9: {  	[tilespmem:s13+$0xC7E0] =	vst.add.f32.msk $0xffff, v17;
	v17 =	vadd.s32 s9, v5  }
0x1ba: {  	s11 =	simm.s32 $0xA0;
	v19 =	vadd.s32 s9, v2;
	[tilespmem:s13+$0x87D0] =	vst.add.f32.msk $0xffff, v14;
	v14 =	vadd.f32 v45, v44  }
0x1bb: {  	v22 =	vadd.s32 s11, v4;
	v8 =	vld.idx.msk [tilespmem:v16+s31+$0x0], $0xffff  }
0x1bc: {  	v24 =	vadd.s32 s11, v3;
	[tilespmem:s13+$0x87E0] =	vst.add.f32.msk $0xffff, v14  }
0x1bd: {  	v26 =	vadd.s32 s11, v6;
	v13 =	vld.idx.msk [tilespmem:v15+s0+$0x0], $0xffff  }
0x1be: {  	v15 =	vld.idx.msk [tilespmem:v17+s0+$0x0], $0xffff  }
0x1bf: {  	s12 =	simm.s32 $0xB0;
	v27 =	vadd.s32 s11, v7;
	v17 =	vld.idx.msk [tilespmem:v19+s0+$0x0], $0xffff  }
0x1c0: {  	v30 =	vadd.s32 s12, v3;
	v19 =	vld.idx.msk [tilespmem:v22+s31+$0x0], $0xffff  }
0x1c1: {  	v51 =	vadd.s32 s12, v6;
	v14 =	vadd.f32 v53, v52;
	v22 =	vld.idx.msk [tilespmem:v24+s31+$0x0], $0xffff  }
0x1c2: {  	v24 =	vld.idx.msk [tilespmem:v26+s31+$0x0], $0xffff;
	v52 =	vadd.s32 s12, v7  }
0x1c3: {  	[tilespmem:s13+$0x87F0] =	vst.add.f32.msk $0xffff, v14;
	v14 =	vadd.s32 s14, v6  }
0x1c4: {  	v16 =	vadd.s32 s9, v4;
	v26 =	vld.idx.msk [tilespmem:v27+s0+$0x0], $0xffff  }
0x1c5: {  	v18 =	vadd.s32 s9, v3;
	v27 =	vld.idx.msk [tilespmem:v30+s31+$0x0], $0xffff  }
0x1c6: {  	v20 =	vadd.s32 s9, v6;
	v30 =	vld.idx.msk [tilespmem:v51+s31+$0x0], $0xffff  }
0x1c7: {  	v21 =	vadd.s32 s9, v7;
	v32 =	vld.idx.msk [tilespmem:v52+s0+$0x0], $0xffff  }
0x1c8: {  	v23 =	vadd.s32 s11, v5;
	v11 =	vld.idx.msk [tilespmem:v14+s31+$0x0], $0xffff  }
0x1c9: {  	v25 =	vadd.s32 s11, v2;
	v14 =	vld.idx.msk [tilespmem:v16+s31+$0x0], $0xffff  }
0x1ca: {  	v28 =	vadd.s32 s12, v4;
	v16 =	vld.idx.msk [tilespmem:v18+s31+$0x0], $0xffff  }
0x1cb: {  	v29 =	vadd.s32 s12, v5;
	v18 =	vld.idx.msk [tilespmem:v20+s31+$0x0], $0xffff  }
0x1cc: {  	v31 =	vadd.s32 s12, v2;
	s13 =	simm.s32 $0xC0;
	v20 =	vld.idx.msk [tilespmem:v21+s0+$0x0], $0xffff  }
0x1cd: {  	v53 =	vadd.s32 s13, v4;
	v21 =	vld.idx.msk [tilespmem:v23+s0+$0x0], $0xffff  }
0x1ce: {  	v54 =	vadd.s32 s13, v5;
	v23 =	vld.idx.msk [tilespmem:v25+s0+$0x0], $0xffff  }
0x1cf: {  	v55 =	vadd.s32 s13, v3;
	v25 =	vld.idx.msk [tilespmem:v28+s31+$0x0], $0xffff  }
0x1d0: {  	v56 =	vadd.s32 s13, v2;
	v28 =	vld.idx.msk [tilespmem:v29+s0+$0x0], $0xffff  }
0x1d1: {  	v57 =	vadd.s32 s13, v6;
	v29 =	vld.idx.msk [tilespmem:v31+s0+$0x0], $0xffff  }
0x1d2: {  	s14 =	simm.s32 $0xD0;
	v58 =	vadd.s32 s13, v7;
	v31 =	vld.idx.msk [tilespmem:v53+s31+$0x0], $0xffff  }
0x1d3: {  	v59 =	vadd.s32 s14, v4;
	v33 =	vld.idx.msk [tilespmem:v54+s0+$0x0], $0xffff  }
0x1d4: {  	v60 =	vadd.s32 s14, v5;
	v34 =	vld.idx.msk [tilespmem:v55+s31+$0x0], $0xffff  }
0x1d5: {  	v61 =	vadd.s32 s14, v3;
	v35 =	vld.idx.msk [tilespmem:v56+s0+$0x0], $0xffff  }
0x1d6: {  	v62 =	vadd.s32 s14, v2;
	v36 =	vld.idx.msk [tilespmem:v57+s31+$0x0], $0xffff  }
0x1d7: {  	v63 =	vadd.s32 s14, v6;
	v38 =	vld.idx.msk [tilespmem:v58+s0+$0x0], $0xffff  }
0x1d8: {  	s11 =	simm.s32 $0xE0;
	v44 =	vadd.s32 s14, v7;
	v37 =	vld.idx.msk [tilespmem:v59+s31+$0x0], $0xffff  }
0x1d9: {  	v45 =	vadd.s32 s11, v4;
	v39 =	vld.idx.msk [tilespmem:v60+s0+$0x0], $0xffff  }
0x1da: {  	v47 =	vadd.s32 s11, v5;
	v40 =	vld.idx.msk [tilespmem:v61+s31+$0x0], $0xffff  }
0x1db: {  	v46 =	vadd.s32 s11, v3;
	s9 =	simm.s32 $0xF0;
	v41 =	vld.idx.msk [tilespmem:v62+s0+$0x0], $0xffff  }
0x1dc: {  	s8 =	simm.s32 $0x100;
	v43 =	vadd.s32 s9, v6;
	v42 =	vld.idx.msk [tilespmem:v63+s31+$0x0], $0xffff  }
.LBB2_7:
0x1dd: {  	p0 =	slt.u32 s8, $0x1F80;
	v44 =	vld.idx.msk [tilespmem:v44+s0+$0x0], $0xffff;
	v48 =	vadd.s32 s9, v7  }
0x1de: {  	v49 =	vadd.s32 s11, v2;
	v45 =	vld.idx.msk [tilespmem:v45+s31+$0x0], $0xffff  }
0x1df: {  	v50 =	vadd.s32 s11, v6;
	v47 =	vld.idx.msk [tilespmem:v47+s0+$0x0], $0xffff  }
0x1e0: {  	v51 =	vadd.s32 s11, v7;
	v46 =	vld.idx.msk [tilespmem:v46+s31+$0x0], $0xffff  }
0x1e1: {  	v52 =	vadd.s32 s9, v4;
	v43 =	vld.idx.msk [tilespmem:v43+s31+$0x0], $0xffff  }
0x1e2: {  	v53 =	vadd.s32 s9, v5;
	v48 =	vld.idx.msk [tilespmem:v48+s0+$0x0], $0xffff  }
0x1e3: {  	v54 =	vadd.s32 s9, v3;
	v49 =	vld.idx.msk [tilespmem:v49+s0+$0x0], $0xffff  }
0x1e4: {  	v55 =	vadd.s32 s9, v2;
	v50 =	vld.idx.msk [tilespmem:v50+s31+$0x0], $0xffff  }
0x1e5: {  	v51 =	vld.idx.msk [tilespmem:v51+s0+$0x0], $0xffff  }
0x1e6: {  	v52 =	vld.idx.msk [tilespmem:v52+s31+$0x0], $0xffff  }
0x1e7: {  	v53 =	vld.idx.msk [tilespmem:v53+s0+$0x0], $0xffff  }
0x1e8: {  	s7 =	sadd.s32 $0x200, s7;
	v43 =	vadd.f32 v48, v43;
	v54 =	vld.idx.msk [tilespmem:v54+s31+$0x0], $0xffff  }
0x1e9: {  	v14 =	vadd.f32 v15, v14;
	s9 =	sshra.s32 s7, $0x2;
	v15 =	vld.idx.msk [tilespmem:v55+s0+$0x0], $0xffff  }
0x1ea: {  	v16 =	vadd.f32 v17, v16;
	[tilespmem:s9+$0xC7F0] =	vst.add.f32.msk $0xffff, v43  }
0x1eb: {  	v17 =	vadd.f32 v20, v18;
	[tilespmem:s9+$0x8790] =	vst.add.f32.msk $0xffff, v14  }
0x1ec: {  	v14 =	vadd.f32 v21, v19;
	[tilespmem:s9+$0xA790] =	vst.add.f32.msk $0xffff, v16  }
0x1ed: {  	v16 =	vadd.f32 v23, v22;
	[tilespmem:s9+$0xC790] =	vst.add.f32.msk $0xffff, v17;
	v17 =	vadd.f32 v53, v52  }
0x1ee: {  	v18 =	vadd.f32 v26, v24;
	[tilespmem:s9+$0x87A0] =	vst.add.f32.msk $0xffff, v14  }
0x1ef: {  	v14 =	vadd.f32 v28, v25;
	v15 =	vadd.f32 v15, v54;
	[tilespmem:s9+$0xA7A0] =	vst.add.f32.msk $0xffff, v16  }
0x1f0: {  	v16 =	vadd.f32 v29, v27;
	[tilespmem:s9+$0xC7A0] =	vst.add.f32.msk $0xffff, v18  }
0x1f1: {  	v18 =	vadd.f32 v32, v30;
	[tilespmem:s9+$0x87B0] =	vst.add.f32.msk $0xffff, v14  }
0x1f2: {  	v14 =	vadd.f32 v33, v31;
	[tilespmem:s9+$0xA7B0] =	vst.add.f32.msk $0xffff, v16  }
0x1f3: {  	v16 =	vadd.f32 v35, v34;
	[tilespmem:s9+$0xC7B0] =	vst.add.f32.msk $0xffff, v18  }
0x1f4: {  	v18 =	vadd.f32 v38, v36;
	[tilespmem:s9+$0x87C0] =	vst.add.f32.msk $0xffff, v14  }
0x1f5: {  	v14 =	vadd.f32 v39, v37;
	[tilespmem:s9+$0xA7C0] =	vst.add.f32.msk $0xffff, v16  }
0x1f6: {  	v16 =	vadd.f32 v41, v40;
	[tilespmem:s9+$0xC7C0] =	vst.add.f32.msk $0xffff, v18  }
0x1f7: {  	v18 =	vadd.f32 v44, v42;
	[tilespmem:s9+$0x87D0] =	vst.add.f32.msk $0xffff, v14  }
0x1f8: {  	v14 =	vadd.f32 v47, v45;
	[tilespmem:s9+$0xA7D0] =	vst.add.f32.msk $0xffff, v16  }
0x1f9: {  	v16 =	vadd.f32 v49, v46;
	[tilespmem:s9+$0xC7D0] =	vst.add.f32.msk $0xffff, v18  }
0x1fa: {  	v18 =	vadd.f32 v51, v50;
	[tilespmem:s9+$0x87E0] =	vst.add.f32.msk $0xffff, v14  }
0x1fb: {  	[tilespmem:s9+$0xA7E0] =	vst.add.f32.msk $0xffff, v16  }
0x1fc: {  	[tilespmem:s9+$0xC7E0] =	vst.add.f32.msk $0xffff, v18  }
0x1fd: {  	v8 =	vadd.f32 v10, v8;
	v14 =	vadd.s32 s8, v4;
	[tilespmem:s9+$0x87F0] =	vst.add.f32.msk $0xffff, v17  }
0x1fe: {  	v10 =	vadd.s32 s8, v5;
	v9 =	vadd.f32 v12, v9;
	[tilespmem:s9+$0xA7F0] =	vst.add.f32.msk $0xffff, v15  }
0x1ff: {  	v12 =	vadd.s32 s8, v3;
	v11 =	vadd.f32 v13, v11;
	[tilespmem:s9+$0x8780] =	vst.add.f32.msk $0xffff, v8  }
0x200: {  	v13 =	vadd.s32 s8, v2;
	[tilespmem:s9+$0xA780] =	vst.add.f32.msk $0xffff, v9  }
0x201: {  	v15 =	vadd.s32 s8, v6;
	[tilespmem:s9+$0xC780] =	vst.add.f32.msk $0xffff, v11  }
0x202: {  	s9 =	sadd.s32 $0x10, s8;
	v8 =	vld.idx.msk [tilespmem:v14+s31+$0x0], $0xffff;
	v14 =	vadd.s32 s8, v7  }
0x203: {  	v16 =	vadd.s32 s9, v4;
	v10 =	vld.idx.msk [tilespmem:v10+s0+$0x0], $0xffff  }
0x204: {  	v17 =	vadd.s32 s9, v5;
	v9 =	vld.idx.msk [tilespmem:v12+s31+$0x0], $0xffff  }
0x205: {  	v18 =	vadd.s32 s9, v3;
	v12 =	vld.idx.msk [tilespmem:v13+s0+$0x0], $0xffff  }
0x206: {  	v19 =	vadd.s32 s9, v2;
	v11 =	vld.idx.msk [tilespmem:v15+s31+$0x0], $0xffff  }
0x207: {  	v20 =	vadd.s32 s9, v6;
	v13 =	vld.idx.msk [tilespmem:v14+s0+$0x0], $0xffff  }
0x208: {  	v21 =	vadd.s32 s9, v7;
	s9 =	sadd.s32 $0x20, s8;
	v14 =	vld.idx.msk [tilespmem:v16+s31+$0x0], $0xffff  }
0x209: {  	v22 =	vadd.s32 s9, v4;
	v15 =	vld.idx.msk [tilespmem:v17+s0+$0x0], $0xffff  }
0x20a: {  	v23 =	vadd.s32 s9, v5;
	v16 =	vld.idx.msk [tilespmem:v18+s31+$0x0], $0xffff  }
0x20b: {  	v24 =	vadd.s32 s9, v3;
	v17 =	vld.idx.msk [tilespmem:v19+s0+$0x0], $0xffff  }
0x20c: {  	v25 =	vadd.s32 s9, v2;
	v18 =	vld.idx.msk [tilespmem:v20+s31+$0x0], $0xffff  }
0x20d: {  	v26 =	vadd.s32 s9, v6;
	v20 =	vld.idx.msk [tilespmem:v21+s0+$0x0], $0xffff  }
0x20e: {  	v27 =	vadd.s32 s9, v7;
	s9 =	sadd.s32 $0x30, s8;
	v19 =	vld.idx.msk [tilespmem:v22+s31+$0x0], $0xffff  }
0x20f: {  	v28 =	vadd.s32 s9, v4;
	v21 =	vld.idx.msk [tilespmem:v23+s0+$0x0], $0xffff  }
0x210: {  	v29 =	vadd.s32 s9, v5;
	v22 =	vld.idx.msk [tilespmem:v24+s31+$0x0], $0xffff  }
0x211: {  	v30 =	vadd.s32 s9, v3;
	v23 =	vld.idx.msk [tilespmem:v25+s0+$0x0], $0xffff  }
0x212: {  	v31 =	vadd.s32 s9, v2;
	v24 =	vld.idx.msk [tilespmem:v26+s31+$0x0], $0xffff  }
0x213: {  	v32 =	vadd.s32 s9, v6;
	v26 =	vld.idx.msk [tilespmem:v27+s0+$0x0], $0xffff  }
0x214: {  	v33 =	vadd.s32 s9, v7;
	s9 =	sadd.s32 $0x40, s8;
	v25 =	vld.idx.msk [tilespmem:v28+s31+$0x0], $0xffff  }
0x215: {  	v34 =	vadd.s32 s9, v4;
	v28 =	vld.idx.msk [tilespmem:v29+s0+$0x0], $0xffff  }
0x216: {  	v35 =	vadd.s32 s9, v5;
	v27 =	vld.idx.msk [tilespmem:v30+s31+$0x0], $0xffff  }
0x217: {  	v36 =	vadd.s32 s9, v3;
	v29 =	vld.idx.msk [tilespmem:v31+s0+$0x0], $0xffff  }
0x218: {  	v37 =	vadd.s32 s9, v2;
	v30 =	vld.idx.msk [tilespmem:v32+s31+$0x0], $0xffff  }
0x219: {  	v38 =	vadd.s32 s9, v6;
	v32 =	vld.idx.msk [tilespmem:v33+s0+$0x0], $0xffff  }
0x21a: {  	v39 =	vadd.s32 s9, v7;
	s9 =	sadd.s32 $0x50, s8;
	v31 =	vld.idx.msk [tilespmem:v34+s31+$0x0], $0xffff  }
0x21b: {  	v40 =	vadd.s32 s9, v4;
	v33 =	vld.idx.msk [tilespmem:v35+s0+$0x0], $0xffff  }
0x21c: {  	v41 =	vadd.s32 s9, v5;
	v34 =	vld.idx.msk [tilespmem:v36+s31+$0x0], $0xffff  }
0x21d: {  	v42 =	vadd.s32 s9, v3;
	v35 =	vld.idx.msk [tilespmem:v37+s0+$0x0], $0xffff  }
0x21e: {  	v43 =	vadd.s32 s9, v2;
	v36 =	vld.idx.msk [tilespmem:v38+s31+$0x0], $0xffff  }
0x21f: {  	v48 =	vadd.s32 s9, v6;
	v38 =	vld.idx.msk [tilespmem:v39+s0+$0x0], $0xffff  }
.Ltmp2:
0x220: {  	s11 =	sadd.s32 $0x60, s8;
	v44 =	vadd.s32 s9, v7;
	v37 =	vld.idx.msk [tilespmem:v40+s31+$0x0], $0xffff;
	(pc) =	sbr.rel @p0 .LBB2_7-.Ltmp2, $4  }
0x221: {  	v45 =	vadd.s32 s11, v4;
	v39 =	vld.idx.msk [tilespmem:v41+s0+$0x0], $0xffff  }
0x222: {  	v47 =	vadd.s32 s11, v5;
	v40 =	vld.idx.msk [tilespmem:v42+s31+$0x0], $0xffff  }
0x223: {  	v46 =	vadd.s32 s11, v3;
	s9 =	sadd.s32 $0x70, s8;
	v41 =	vld.idx.msk [tilespmem:v43+s0+$0x0], $0xffff  }
0x224: {  	s8 =	sadd.s32 $0x80, s8;
	v43 =	vadd.s32 s9, v6;
	v42 =	vld.idx.msk [tilespmem:v48+s31+$0x0], $0xffff  }
0x225: {  	_ =	sdelay $0x3  }
0x226: {  	v44 =	vld.idx.msk [tilespmem:v44+s0+$0x0], $0xffff  }
0x227: {  	v45 =	vld.idx.msk [tilespmem:v45+s31+$0x0], $0xffff  }
0x228: {  	v47 =	vld.idx.msk [tilespmem:v47+s0+$0x0], $0xffff  }
0x229: {  	v46 =	vld.idx.msk [tilespmem:v46+s31+$0x0], $0xffff;
	s7 =	sadd.s32 $0x200, s7;
	v14 =	vadd.f32 v15, v14  }
0x22a: {  	v43 =	vld.idx.msk [tilespmem:v43+s31+$0x0], $0xffff;
	v63 =	vadd.f32 v17, v16;
	s7 =	sshra.s32 s7, $0x2  }
0x22b: {  	v50 =	vadd.f32 v23, v22;
	[tilespmem:s7+$0x8790] =	vst.add.f32.msk $0xffff, v14  }
0x22c: {  	v51 =	vadd.f32 v26, v24;
	[tilespmem:s7+$0xA790] =	vst.add.f32.msk $0xffff, v63  }
0x22d: {  	v52 =	vadd.f32 v28, v25;
	[tilespmem:s7+$0xA7A0] =	vst.add.f32.msk $0xffff, v50  }
0x22e: {  	v53 =	vadd.f32 v29, v27;
	[tilespmem:s7+$0xC7A0] =	vst.add.f32.msk $0xffff, v51  }
0x22f: {  	v54 =	vadd.f32 v32, v30;
	[tilespmem:s7+$0x87B0] =	vst.add.f32.msk $0xffff, v52  }
0x230: {  	v55 =	vadd.f32 v33, v31;
	[tilespmem:s7+$0xA7B0] =	vst.add.f32.msk $0xffff, v53  }
0x231: {  	v56 =	vadd.f32 v35, v34;
	[tilespmem:s7+$0xC7B0] =	vst.add.f32.msk $0xffff, v54  }
0x232: {  	v48 =	vadd.s32 s9, v7;
	v57 =	vadd.f32 v38, v36;
	[tilespmem:s7+$0x87C0] =	vst.add.f32.msk $0xffff, v55  }
0x233: {  	v49 =	vadd.s32 s11, v2;
	v58 =	vadd.f32 v39, v37;
	[tilespmem:s7+$0xA7C0] =	vst.add.f32.msk $0xffff, v56  }
0x234: {  	v6 =	vadd.s32 s11, v6;
	[tilespmem:s7+$0xC7C0] =	vst.add.f32.msk $0xffff, v57;
	v63 =	vadd.f32 v12, v9  }
0x235: {  	v62 =	vadd.s32 s11, v7;
	[tilespmem:s7+$0x87D0] =	vst.add.f32.msk $0xffff, v58  }
0x236: {  	v4 =	vadd.s32 s9, v4;
	[tilespmem:s7+$0xA780] =	vst.add.f32.msk $0xffff, v63  }
0x237: {  	v5 =	vadd.s32 s9, v5;
	v48 =	vld.idx.msk [tilespmem:v48+s0+$0x0], $0xffff  }
0x238: {  	v3 =	vadd.s32 s9, v3;
	v49 =	vld.idx.msk [tilespmem:v49+s0+$0x0], $0xffff  }
0x239: {  	v2 =	vadd.s32 s9, v2;
	v6 =	vld.idx.msk [tilespmem:v6+s31+$0x0], $0xffff  }
0x23a: {  	v7 =	vld.idx.msk [tilespmem:v62+s0+$0x0], $0xffff  }
0x23b: {  	v4 =	vld.idx.msk [tilespmem:v4+s31+$0x0], $0xffff  }
0x23c: {  	v5 =	vld.idx.msk [tilespmem:v5+s0+$0x0], $0xffff  }
0x23d: {  	v59 =	vadd.f32 v41, v40;
	v3 =	vld.idx.msk [tilespmem:v3+s31+$0x0], $0xffff  }
0x23e: {  	v2 =	vld.idx.msk [tilespmem:v2+s0+$0x0], $0xffff;
	v60 =	vadd.f32 v44, v42  }
0x23f: {  	[tilespmem:s7+$0xA7D0] =	vst.add.f32.msk $0xffff, v59;
	v61 =	vadd.f32 v47, v45  }
0x240: {  	[tilespmem:s7+$0xC7D0] =	vst.add.f32.msk $0xffff, v60;
	v43 =	vadd.f32 v48, v43  }
0x241: {  	[tilespmem:s7+$0x87E0] =	vst.add.f32.msk $0xffff, v61;
	v48 =	vadd.f32 v21, v19  }
0x242: {  	v62 =	vadd.f32 v49, v46;
	[tilespmem:s7+$0xC7F0] =	vst.add.f32.msk $0xffff, v43  }
0x243: {  	v6 =	vadd.f32 v7, v6;
	[tilespmem:s7+$0x87A0] =	vst.add.f32.msk $0xffff, v48  }
0x244: {  	s6 =	sadd.s32 $0x1, s6;
	v4 =	vadd.f32 v5, v4;
	[tilespmem:s7+$0xA7E0] =	vst.add.f32.msk $0xffff, v62  }
0x245: {  	p0 =	sne.s32 s6, $0x7;
	v2 =	vadd.f32 v2, v3;
	[tilespmem:s7+$0xC7E0] =	vst.add.f32.msk $0xffff, v6  }
.Ltmp3:
0x246: {  	v3 =	vadd.f32 v10, v8;
	[tilespmem:s7+$0x87F0] =	vst.add.f32.msk $0xffff, v4;
	(pc) =	sbr.rel @p0 .LBB2_4-.Ltmp3, $4  }
0x247: {  	v43 =	vadd.f32 v20, v18;
	[tilespmem:s7+$0xA7F0] =	vst.add.f32.msk $0xffff, v2  }
0x248: {  	v2 =	vadd.f32 v13, v11;
	[tilespmem:s7+$0x8780] =	vst.add.f32.msk $0xffff, v3  }
0x249: {  	[tilespmem:s7+$0xC790] =	vst.add.f32.msk $0xffff, v43  }
0x24a: {  	[tilespmem:s7+$0xC780] =	vst.add.f32.msk $0xffff, v2  }
0x24b: {  	s6 =	rddreg [dreg:$0x7];
	s7 =	simm.s32 $0x8780  }
0x24c: {  	[hbm4b:s6+s2] =	stream.linear.scatter [tilespmem:s7], [sflag:$0x6], $0x2000, $0x38;
	[tilespmem:$0xE780] =	vst v63  }
0x24d: {  	s14 =	rddreg [dreg:$0x8];
	s21 =	simm.s32 $0xA780  }
0x24e: {  	[hbm4b:s14+s2] =	stream.linear.scatter [tilespmem:s21], [sflag:$0x6], $0x2000, $0x38;
	[tilespmem:$0xE780] =	vst v63  }
0x24f: {  	s8 =	rddreg [dreg:$0x9];
	s9 =	simm.s32 $0xC780  }
0x250: {  	[hbm4b:s8+s2] =	stream.linear.scatter [tilespmem:s9], [sflag:$0x6], $0x2000, $0x38;
	[tilespmem:$0xE780] =	vst v63  }
0x251: {  	s11 =	rddreg [dreg:$0xa]  }
0x252: {  	[tilespmem:s19], [sflag:$0x5] =	stream.linear.gather [hbm4b:s11+s2], $0x540, $0x38;
	[tilespmem:$0xE780] =	vst v63  }
0x253: {  	s12 =	rddreg [dreg:$0xb];
	s13 =	simm.s32 $0x10  }
0x254: {  	[tilespmem:s13], [sflag:$0x1] =	stream.linear.gather [hbm4b:s12+s2], $0x2000, $0x38;
	[tilespmem:$0xE780] =	vst v63  }
0x255: {  	s14 =	rddreg [dreg:$0xc];
	s21 =	simm.s32 $0x2090  }
0x256: {  	[tilespmem:s21], [sflag:$0x2] =	stream.linear.gather [hbm4b:s14+s2], $0x2000, $0x38;
	[tilespmem:$0xE780] =	vst v63  }
0x257: {  	_ =	swait.ge [sflag:s1], $0x2000  }
0x258: {  	[sflag:s1] =	ssyncset.done $0x0  }
0x259: {  	[sflag:s1] =	ssyncadd.s32 $0xFFFFE000  }
0x25a: {  	_ =	swait.ge [sflag:s1], $0x2000  }
0x25b: {  	[sflag:s1] =	ssyncset.done $0x0  }
0x25c: {  	[sflag:s1] =	ssyncadd.s32 $0xFFFFE000  }
0x25d: {  	_ =	swait.ge [sflag:s1], $0x2000  }
0x25e: {  	[sflag:s1] =	ssyncset.done $0x0  }
0x25f: {  	s6 =	simm.s32 $0x87C0;
	[sflag:s1] =	ssyncadd.s32 $0xFFFFE000  }
0x260: {  	[tilespmem:s6+$0xFFFFFFD0] =	vst v0  }
0x261: {  	[tilespmem:s6+$0x0] =	vst v0  }
0x262: {  	[tilespmem:s6+$0xFFFFFFC0] =	vst v0  }
0x263: {  	[tilespmem:s6+$0x30] =	vst v0  }
0x264: {  	[tilespmem:s6+$0xFFFFFFF0] =	vst v0  }
0x265: {  	[tilespmem:s6+$0xFFFFFFE0] =	vst v0  }
0x266: {  	[tilespmem:s6+$0x10] =	vst v0  }
0x267: {  	s8 =	simm.s32 $0xA7C0;
	[tilespmem:s6+$0x20] =	vst v0  }
0x268: {  	[tilespmem:s8+$0xFFFFFFC0] =	vst v0  }
0x269: {  	[tilespmem:s8+$0x30] =	vst v0  }
0x26a: {  	[tilespmem:s8+$0x0] =	vst v0  }
0x26b: {  	[tilespmem:s8+$0x20] =	vst v0  }
0x26c: {  	[tilespmem:s8+$0x10] =	vst v0  }
0x26d: {  	[tilespmem:s8+$0xFFFFFFD0] =	vst v0  }
0x26e: {  	[tilespmem:s8+$0xFFFFFFE0] =	vst v0  }
0x26f: {  	s7 =	simm.s32 $0xC7C0;
	[tilespmem:s8+$0xFFFFFFF0] =	vst v0  }
0x270: {  	[tilespmem:s7+$0xFFFFFFC0] =	vst v0  }
0x271: {  	[tilespmem:s7+$0x30] =	vst v0  }
0x272: {  	[tilespmem:s7+$0x20] =	vst v0  }
0x273: {  	[tilespmem:s7+$0x10] =	vst v0  }
0x274: {  	s9 =	simm.s32 $0x0;
	s21 =	simm.s32 $0xC840;
	[tilespmem:s7+$0xFFFFFFD0] =	vst v0  }
.LBB2_10:
0x275: {  	s9 =	sadd.s32 $0x80, s9;
	[tilespmem:s7+$0xFFFFFFE0] =	vst v0;
	s6 =	sadd.s32 $0x80, s6;
	s8 =	sadd.s32 $0x80, s8  }
0x276: {  	p0 =	slt.u32 s9, $0x1F80;
	[tilespmem:s7+$0x0] =	vst v0  }
0x277: {  	[tilespmem:s7+$0xFFFFFFF0] =	vst v0;
	s7 =	smov.u32 s21  }
0x278: {  	[tilespmem:s6+$0xFFFFFFD0] =	vst v0  }
0x279: {  	[tilespmem:s6+$0x0] =	vst v0  }
0x27a: {  	[tilespmem:s6+$0xFFFFFFC0] =	vst v0  }
0x27b: {  	[tilespmem:s8+$0xFFFFFFC0] =	vst v0  }
0x27c: {  	[tilespmem:s21+$0xFFFFFFC0] =	vst v0  }
0x27d: {  	[tilespmem:s6+$0x30] =	vst v0  }
0x27e: {  	[tilespmem:s8+$0x30] =	vst v0  }
0x27f: {  	[tilespmem:s21+$0x30] =	vst v0  }
0x280: {  	[tilespmem:s8+$0x0] =	vst v0  }
0x281: {  	[tilespmem:s6+$0xFFFFFFF0] =	vst v0  }
0x282: {  	[tilespmem:s6+$0xFFFFFFE0] =	vst v0  }
0x283: {  	[tilespmem:s6+$0x10] =	vst v0  }
0x284: {  	[tilespmem:s6+$0x20] =	vst v0  }
0x285: {  	[tilespmem:s8+$0x20] =	vst v0  }
0x286: {  	[tilespmem:s21+$0x20] =	vst v0  }
0x287: {  	[tilespmem:s8+$0x10] =	vst v0  }
.Ltmp4:
0x288: {  	[tilespmem:s21+$0x10] =	vst v0;
	(pc) =	sbr.rel @p0 .LBB2_10-.Ltmp4, $4  }
0x289: {  	[tilespmem:s8+$0xFFFFFFD0] =	vst v0  }
0x28a: {  	[tilespmem:s8+$0xFFFFFFE0] =	vst v0  }
0x28b: {  	[tilespmem:s21+$0xFFFFFFD0] =	vst v0  }
0x28c: {  	s21 =	sadd.s32 $0x80, s21;
	[tilespmem:s8+$0xFFFFFFF0] =	vst v0  }
0x28d: {  	[tilespmem:s7+$0xFFFFFFE0] =	vst v0  }
0x28e: {  	[tilespmem:s7+$0x0] =	vst v0  }
0x28f: {  	[tilespmem:s7+$0xFFFFFFF0] =	vst v0  }
0x290: {  	_ =	swait.ge [sflag:s22], $0x540  }
0x291: {  	[sflag:s22] =	ssyncset.done $0x0  }
0x292: {  	s21 =	simm.s32 $0x0;
	s6 =	simm.s32 $0x0;
	[sflag:s22] =	ssyncadd.s32 $0xFFFFFAC0  }
.LBB2_12:
0x293: {  	s7 =	sshll.u32 s6, $0x2  }
0x294: {  	s7 =	sor.u32 $0x2, s7  }
0x295: {  	s8 =	sand.u32 $0xFE, s7  }
0x296: {  	s8 =	smul.u32 $0x25, s8;
	_ =	sdelay $0x1  }
0x297: {  	s8 =	sshrl.u32 s8, $0x8  }
0x298: {  	s9 =	ssub.s32 s7, s8  }
0x299: {  	s9 =	sand.u32 $0xFE, s9  }
0x29a: {  	s11 =	sshllo.u32 s6, $0x2;
	s9 =	sshrl.u32 s9, $0x1  }
0x29b: {  	s13 =	sand.u32 $0xFF, s11;
	s8 =	sadd.s32 s8, s9  }
0x29c: {  	s9 =	smul.u32 $0x25, s13;
	s8 =	sshrl.u32 s8, $0x2  }
0x29d: {  	s12 =	smul.u32 $0x7, s8  }
0x29e: {  	_ =	swait.ge [sflag:s23], $0x2000;
	s9 =	sshrl.u32 s9, $0x8  }
0x29f: {  	[sflag:s23] =	ssyncset.done $0x0;
	s14 =	ssub.s32 s11, s9;
	s7 =	ssub.s32 s7, s12  }
0x2a0: {  	s8 =	smul.u32 $0x70, s8;
	s12 =	sand.u32 $0xFE, s14;
	s7 =	sand.u32 $0xFF, s7  }
0x2a1: {  	[sflag:s23] =	ssyncadd.s32 $0xFFFFE000;
	s12 =	sshrl.u32 s12, $0x1;
	s7 =	sadd.s32 s7, s10  }
0x2a2: {  	_ =	swait.ge [sflag:s24], $0x2000;
	s13 =	sadd.s32 s9, s12;
	s7 =	sadd.s32 s8, s7  }
0x2a3: {  	[sflag:s24] =	ssyncset.done $0x0;
	s8 =	sshrl.u32 s13, $0x2;
	s7 =	sshll.u32 s7, $0xA  }
0x2a4: {  	[sflag:s24] =	ssyncadd.s32 $0xFFFFE000;
	s14 =	smul.u32 $0x7, s8;
	s7 =	sadd.s32 s3, s7  }
0x2a5: {  	[tilespmem:s25], [sflag:$0x3] =	stream.linear.gather [hbm4b:s7+s21], $0x2000, $0x38;
	[tilespmem:$0xE780] =	vst v63  }
0x2a6: {  	s11 =	ssub.s32 s11, s14  }
0x2a7: {  	s12 =	sshll.u32 s6, $0x6;
	s8 =	smul.u32 $0x70, s8;
	s7 =	sand.u32 $0xFF, s11  }
0x2a8: {  	v2 =	vor.u32 s12, v1;
	s13 =	sor.u32 $0x10, s12;
	s7 =	sadd.s32 s7, s10  }
0x2a9: {  	v3 =	vor.u32 s13, v1;
	s14 =	sadd.s32 $0x1C0, s12;
	s7 =	sadd.s32 s8, s7  }
0x2aa: {  	s9 =	sadd.s32 $0x1D0, s12;
	v6 =	vor.u32 s14, v1;
	s7 =	sshll.u32 s7, $0xA  }
0x2ab: {  	v7 =	vor.u32 s9, v1;
	s11 =	sadd.s32 $0x380, s12;
	s7 =	sadd.s32 s3, s7  }
0x2ac: {  	v8 =	vor.u32 s11, v1;
	[tilespmem:s26], [sflag:$0x4] =	stream.linear.gather [hbm4b:s7+s21], $0x2000, $0x38;
	[tilespmem:$0xE780] =	vst v63  }
0x2ad: {  	s7 =	sadd.s32 $0x390, s12;
	v4 =	vld.idx.msk [tilespmem:v2+s19+$0x0], $0xffff  }
0x2ae: {  	v9 =	vor.u32 s7, v1;
	v5 =	vld.idx.msk [tilespmem:v3+s19+$0x0], $0xffff  }
0x2af: {  	v3 =	vld.idx.msk [tilespmem:v6+s19+$0x0], $0xffff  }
0x2b0: {  	v2 =	vld.idx.msk [tilespmem:v7+s19+$0x0], $0xffff  }
0x2b1: {  	v7 =	vld.idx.msk [tilespmem:v8+s19+$0x0], $0xffff  }
0x2b2: {  	v8 =	vadd.s32 s21, v4  }
0x2b3: {  	v6 =	vld.idx.msk [tilespmem:v9+s19+$0x0], $0xffff;
	v9 =	vadd.s32 s21, v5  }
0x2b4: {  	v11 =	vadd.s32 s21, v3  }
0x2b5: {  	v12 =	vadd.s32 s21, v2  }
0x2b6: {  	s12 =	simm.s32 $0x10;
	v13 =	vadd.s32 s21, v7  }
0x2b7: {  	v15 =	vadd.s32 s12, v4;
	v8 =	vld.idx.msk [tilespmem:v8+s2+$0x0], $0xffff  }
0x2b8: {  	v16 =	vadd.s32 s12, v5;
	v10 =	vld.idx.msk [tilespmem:v9+s28+$0x0], $0xffff  }
0x2b9: {  	v17 =	vadd.s32 s12, v3;
	v9 =	vld.idx.msk [tilespmem:v11+s2+$0x0], $0xffff  }
0x2ba: {  	s13 =	simm.s32 $0x20;
	v18 =	vadd.s32 s12, v2;
	v12 =	vld.idx.msk [tilespmem:v12+s28+$0x0], $0xffff  }
0x2bb: {  	v20 =	vadd.s32 s13, v4;
	v11 =	vld.idx.msk [tilespmem:v13+s2+$0x0], $0xffff  }
0x2bc: {  	v21 =	vadd.s32 s13, v5;
	v15 =	vld.idx.msk [tilespmem:v15+s2+$0x0], $0xffff  }
0x2bd: {  	v22 =	vadd.s32 s13, v3;
	v16 =	vld.idx.msk [tilespmem:v16+s28+$0x0], $0xffff  }
0x2be: {  	v23 =	vadd.s32 s13, v2;
	v17 =	vld.idx.msk [tilespmem:v17+s2+$0x0], $0xffff  }
0x2bf: {  	s14 =	simm.s32 $0x30;
	v24 =	vadd.s32 s13, v7;
	v18 =	vld.idx.msk [tilespmem:v18+s28+$0x0], $0xffff  }
0x2c0: {  	v26 =	vadd.s32 s14, v4;
	v20 =	vld.idx.msk [tilespmem:v20+s2+$0x0], $0xffff  }
0x2c1: {  	v27 =	vadd.s32 s14, v5;
	v21 =	vld.idx.msk [tilespmem:v21+s28+$0x0], $0xffff  }
0x2c2: {  	v28 =	vadd.s32 s14, v3;
	v22 =	vld.idx.msk [tilespmem:v22+s2+$0x0], $0xffff  }
0x2c3: {  	v29 =	vadd.s32 s14, v2;
	v23 =	vld.idx.msk [tilespmem:v23+s28+$0x0], $0xffff  }
0x2c4: {  	s8 =	simm.s32 $0x40;
	v30 =	vadd.s32 s14, v7;
	v24 =	vld.idx.msk [tilespmem:v24+s2+$0x0], $0xffff  }
0x2c5: {  	v32 =	vadd.s32 s8, v4;
	v26 =	vld.idx.msk [tilespmem:v26+s2+$0x0], $0xffff  }
0x2c6: {  	v33 =	vadd.s32 s8, v5;
	v27 =	vld.idx.msk [tilespmem:v27+s28+$0x0], $0xffff  }
0x2c7: {  	v34 =	vadd.s32 s8, v3;
	v28 =	vld.idx.msk [tilespmem:v28+s2+$0x0], $0xffff  }
0x2c8: {  	v35 =	vadd.s32 s8, v2;
	v29 =	vld.idx.msk [tilespmem:v29+s28+$0x0], $0xffff  }
0x2c9: {  	s9 =	simm.s32 $0x50;
	v36 =	vadd.s32 s8, v7;
	v30 =	vld.idx.msk [tilespmem:v30+s2+$0x0], $0xffff  }
0x2ca: {  	v38 =	vadd.s32 s9, v4;
	v32 =	vld.idx.msk [tilespmem:v32+s2+$0x0], $0xffff  }
0x2cb: {  	v39 =	vadd.s32 s9, v5;
	v33 =	vld.idx.msk [tilespmem:v33+s28+$0x0], $0xffff  }
0x2cc: {  	v40 =	vadd.s32 s9, v3;
	v34 =	vld.idx.msk [tilespmem:v34+s2+$0x0], $0xffff  }
0x2cd: {  	v41 =	vadd.s32 s9, v2;
	v35 =	vld.idx.msk [tilespmem:v35+s28+$0x0], $0xffff  }
0x2ce: {  	s11 =	simm.s32 $0x60;
	v42 =	vadd.s32 s9, v7;
	v36 =	vld.idx.msk [tilespmem:v36+s2+$0x0], $0xffff  }
0x2cf: {  	v44 =	vadd.s32 s11, v4;
	v38 =	vld.idx.msk [tilespmem:v38+s2+$0x0], $0xffff  }
0x2d0: {  	v45 =	vadd.s32 s11, v5;
	v39 =	vld.idx.msk [tilespmem:v39+s28+$0x0], $0xffff  }
0x2d1: {  	v46 =	vadd.s32 s11, v3;
	v40 =	vld.idx.msk [tilespmem:v40+s2+$0x0], $0xffff  }
0x2d2: {  	v49 =	vadd.s32 s11, v2;
	v41 =	vld.idx.msk [tilespmem:v41+s28+$0x0], $0xffff  }
0x2d3: {  	v50 =	vadd.s32 s11, v7;
	v42 =	vld.idx.msk [tilespmem:v42+s2+$0x0], $0xffff  }
0x2d4: {  	v14 =	vadd.s32 s21, v6;
	v44 =	vld.idx.msk [tilespmem:v44+s2+$0x0], $0xffff  }
0x2d5: {  	v19 =	vadd.s32 s12, v6;
	v45 =	vld.idx.msk [tilespmem:v45+s28+$0x0], $0xffff  }
0x2d6: {  	v25 =	vadd.s32 s13, v6;
	v46 =	vld.idx.msk [tilespmem:v46+s2+$0x0], $0xffff  }
0x2d7: {  	v31 =	vadd.s32 s14, v6;
	v49 =	vld.idx.msk [tilespmem:v49+s28+$0x0], $0xffff  }
0x2d8: {  	v37 =	vadd.s32 s8, v6;
	v50 =	vld.idx.msk [tilespmem:v50+s2+$0x0], $0xffff  }
0x2d9: {  	v43 =	vadd.s32 s9, v6;
	v13 =	vld.idx.msk [tilespmem:v14+s28+$0x0], $0xffff  }
0x2da: {  	v51 =	vadd.s32 s11, v6;
	v19 =	vld.idx.msk [tilespmem:v19+s28+$0x0], $0xffff  }
0x2db: {  	v25 =	vld.idx.msk [tilespmem:v25+s28+$0x0], $0xffff  }
0x2dc: {  	v31 =	vld.idx.msk [tilespmem:v31+s28+$0x0], $0xffff  }
0x2dd: {  	v14 =	vadd.s32 s12, v7;
	v37 =	vld.idx.msk [tilespmem:v37+s28+$0x0], $0xffff  }
0x2de: {  	v43 =	vld.idx.msk [tilespmem:v43+s28+$0x0], $0xffff;
	v8 =	vadd.f32 v10, v8  }
0x2df: {  	s13 =	simm.s32 $0x0;
	s14 =	simm.s32 $0x80;
	v51 =	vld.idx.msk [tilespmem:v51+s28+$0x0], $0xffff;
	v9 =	vadd.f32 v12, v9  }
0x2e0: {  	v10 =	vadd.s32 s14, v5;
	[tilespmem:s13+$0x8780] =	vst.add.f32.msk $0xffff, v8  }
0x2e1: {  	s12 =	simm.s32 $0x70;
	v15 =	vadd.f32 v16, v15;
	v12 =	vadd.s32 s14, v3;
	[tilespmem:s13+$0xA780] =	vst.add.f32.msk $0xffff, v9  }
0x2e2: {  	v17 =	vadd.f32 v18, v17;
	v47 =	vadd.s32 s12, v7;
	v14 =	vld.idx.msk [tilespmem:v14+s2+$0x0], $0xffff  }
0x2e3: {  	v48 =	vadd.s32 s12, v6;
	[tilespmem:s13+$0x8790] =	vst.add.f32.msk $0xffff, v15  }
0x2e4: {  	v52 =	vadd.s32 s12, v4;
	[tilespmem:s13+$0xA790] =	vst.add.f32.msk $0xffff, v17  }
0x2e5: {  	v53 =	vadd.s32 s12, v5;
	v10 =	vld.idx.msk [tilespmem:v10+s28+$0x0], $0xffff  }
0x2e6: {  	v54 =	vadd.s32 s12, v3;
	v9 =	vld.idx.msk [tilespmem:v12+s2+$0x0], $0xffff  }
0x2e7: {  	v55 =	vadd.s32 s12, v2;
	v47 =	vld.idx.msk [tilespmem:v47+s2+$0x0], $0xffff  }
0x2e8: {  	v48 =	vld.idx.msk [tilespmem:v48+s28+$0x0], $0xffff  }
0x2e9: {  	v52 =	vld.idx.msk [tilespmem:v52+s2+$0x0], $0xffff  }
0x2ea: {  	v53 =	vld.idx.msk [tilespmem:v53+s28+$0x0], $0xffff  }
0x2eb: {  	v15 =	vadd.f32 v21, v20;
	v54 =	vld.idx.msk [tilespmem:v54+s2+$0x0], $0xffff  }
0x2ec: {  	v17 =	vadd.f32 v25, v24;
	v16 =	vld.idx.msk [tilespmem:v55+s28+$0x0], $0xffff  }
0x2ed: {  	v11 =	vadd.f32 v13, v11;
	v13 =	vadd.s32 s14, v2;
	[tilespmem:s13+$0x87A0] =	vst.add.f32.msk $0xffff, v15  }
0x2ee: {  	[tilespmem:s13+$0xC7A0] =	vst.add.f32.msk $0xffff, v17;
	v15 =	vadd.f32 v29, v28  }
0x2ef: {  	v17 =	vadd.f32 v31, v30;
	[tilespmem:s13+$0xC780] =	vst.add.f32.msk $0xffff, v11  }
0x2f0: {  	[tilespmem:s13+$0xA7B0] =	vst.add.f32.msk $0xffff, v15  }
0x2f1: {  	[tilespmem:s13+$0xC7B0] =	vst.add.f32.msk $0xffff, v17;
	v15 =	vadd.f32 v35, v34  }
0x2f2: {  	v17 =	vadd.f32 v37, v36;
	v12 =	vld.idx.msk [tilespmem:v13+s28+$0x0], $0xffff  }
0x2f3: {  	v14 =	vadd.f32 v19, v14;
	[tilespmem:s13+$0xA7C0] =	vst.add.f32.msk $0xffff, v15  }
0x2f4: {  	v47 =	vadd.f32 v48, v47;
	[tilespmem:s13+$0xC7C0] =	vst.add.f32.msk $0xffff, v17  }
0x2f5: {  	v15 =	vadd.f32 v41, v40;
	[tilespmem:s13+$0xC790] =	vst.add.f32.msk $0xffff, v14  }
0x2f6: {  	v17 =	vadd.f32 v43, v42;
	[tilespmem:s13+$0xC7F0] =	vst.add.f32.msk $0xffff, v47  }
0x2f7: {  	v14 =	vadd.f32 v23, v22;
	[tilespmem:s13+$0xA7D0] =	vst.add.f32.msk $0xffff, v15  }
0x2f8: {  	[tilespmem:s13+$0xC7D0] =	vst.add.f32.msk $0xffff, v17;
	v15 =	vadd.f32 v49, v46  }
0x2f9: {  	[tilespmem:s13+$0xA7A0] =	vst.add.f32.msk $0xffff, v14;
	v14 =	vadd.f32 v27, v26  }
0x2fa: {  	[tilespmem:s13+$0xA7E0] =	vst.add.f32.msk $0xffff, v15;
	v15 =	vadd.f32 v16, v54  }
0x2fb: {  	v16 =	vadd.s32 s14, v4;
	[tilespmem:s13+$0x87B0] =	vst.add.f32.msk $0xffff, v14;
	v14 =	vadd.f32 v33, v32  }
0x2fc: {  	v17 =	vadd.f32 v51, v50;
	[tilespmem:s13+$0xA7F0] =	vst.add.f32.msk $0xffff, v15  }
0x2fd: {  	s9 =	simm.s32 $0x90;
	v15 =	vadd.s32 s14, v6;
	[tilespmem:s13+$0x87C0] =	vst.add.f32.msk $0xffff, v14;
	v14 =	vadd.f32 v39, v38  }
0x2fe: {  	[tilespmem:s13+$0xC7E0] =	vst.add.f32.msk $0xffff, v17;
	v17 =	vadd.s32 s9, v5  }
0x2ff: {  	s11 =	simm.s32 $0xA0;
	v19 =	vadd.s32 s9, v2;
	[tilespmem:s13+$0x87D0] =	vst.add.f32.msk $0xffff, v14;
	v14 =	vadd.f32 v45, v44  }
0x300: {  	v22 =	vadd.s32 s11, v4;
	v8 =	vld.idx.msk [tilespmem:v16+s2+$0x0], $0xffff  }
0x301: {  	v24 =	vadd.s32 s11, v3;
	[tilespmem:s13+$0x87E0] =	vst.add.f32.msk $0xffff, v14  }
0x302: {  	v26 =	vadd.s32 s11, v7;
	v13 =	vld.idx.msk [tilespmem:v15+s28+$0x0], $0xffff  }
0x303: {  	v15 =	vld.idx.msk [tilespmem:v17+s28+$0x0], $0xffff  }
0x304: {  	s12 =	simm.s32 $0xB0;
	v27 =	vadd.s32 s11, v6;
	v17 =	vld.idx.msk [tilespmem:v19+s28+$0x0], $0xffff  }
0x305: {  	v30 =	vadd.s32 s12, v3;
	v19 =	vld.idx.msk [tilespmem:v22+s2+$0x0], $0xffff  }
0x306: {  	v51 =	vadd.s32 s12, v7;
	v14 =	vadd.f32 v53, v52;
	v22 =	vld.idx.msk [tilespmem:v24+s2+$0x0], $0xffff  }
0x307: {  	v24 =	vld.idx.msk [tilespmem:v26+s2+$0x0], $0xffff;
	v52 =	vadd.s32 s12, v6  }
0x308: {  	[tilespmem:s13+$0x87F0] =	vst.add.f32.msk $0xffff, v14;
	v14 =	vadd.s32 s14, v7  }
0x309: {  	v16 =	vadd.s32 s9, v4;
	v26 =	vld.idx.msk [tilespmem:v27+s28+$0x0], $0xffff  }
0x30a: {  	v18 =	vadd.s32 s9, v3;
	v27 =	vld.idx.msk [tilespmem:v30+s2+$0x0], $0xffff  }
0x30b: {  	v20 =	vadd.s32 s9, v7;
	v30 =	vld.idx.msk [tilespmem:v51+s2+$0x0], $0xffff  }
0x30c: {  	v21 =	vadd.s32 s9, v6;
	v32 =	vld.idx.msk [tilespmem:v52+s28+$0x0], $0xffff  }
0x30d: {  	v23 =	vadd.s32 s11, v5;
	v11 =	vld.idx.msk [tilespmem:v14+s2+$0x0], $0xffff  }
0x30e: {  	v25 =	vadd.s32 s11, v2;
	v14 =	vld.idx.msk [tilespmem:v16+s2+$0x0], $0xffff  }
0x30f: {  	v28 =	vadd.s32 s12, v4;
	v16 =	vld.idx.msk [tilespmem:v18+s2+$0x0], $0xffff  }
0x310: {  	v29 =	vadd.s32 s12, v5;
	v18 =	vld.idx.msk [tilespmem:v20+s2+$0x0], $0xffff  }
0x311: {  	v31 =	vadd.s32 s12, v2;
	s13 =	simm.s32 $0xC0;
	v20 =	vld.idx.msk [tilespmem:v21+s28+$0x0], $0xffff  }
0x312: {  	v53 =	vadd.s32 s13, v4;
	v21 =	vld.idx.msk [tilespmem:v23+s28+$0x0], $0xffff  }
0x313: {  	v54 =	vadd.s32 s13, v5;
	v23 =	vld.idx.msk [tilespmem:v25+s28+$0x0], $0xffff  }
0x314: {  	v55 =	vadd.s32 s13, v3;
	v25 =	vld.idx.msk [tilespmem:v28+s2+$0x0], $0xffff  }
0x315: {  	v56 =	vadd.s32 s13, v2;
	v28 =	vld.idx.msk [tilespmem:v29+s28+$0x0], $0xffff  }
0x316: {  	v57 =	vadd.s32 s13, v7;
	v29 =	vld.idx.msk [tilespmem:v31+s28+$0x0], $0xffff  }
0x317: {  	s14 =	simm.s32 $0xD0;
	v58 =	vadd.s32 s13, v6;
	v31 =	vld.idx.msk [tilespmem:v53+s2+$0x0], $0xffff  }
0x318: {  	v59 =	vadd.s32 s14, v4;
	v33 =	vld.idx.msk [tilespmem:v54+s28+$0x0], $0xffff  }
0x319: {  	v60 =	vadd.s32 s14, v5;
	v34 =	vld.idx.msk [tilespmem:v55+s2+$0x0], $0xffff  }
0x31a: {  	v61 =	vadd.s32 s14, v3;
	v35 =	vld.idx.msk [tilespmem:v56+s28+$0x0], $0xffff  }
0x31b: {  	v62 =	vadd.s32 s14, v2;
	v36 =	vld.idx.msk [tilespmem:v57+s2+$0x0], $0xffff  }
0x31c: {  	v63 =	vadd.s32 s14, v7;
	v38 =	vld.idx.msk [tilespmem:v58+s28+$0x0], $0xffff  }
0x31d: {  	s11 =	simm.s32 $0xE0;
	v44 =	vadd.s32 s14, v6;
	v37 =	vld.idx.msk [tilespmem:v59+s2+$0x0], $0xffff  }
0x31e: {  	v45 =	vadd.s32 s11, v4;
	v39 =	vld.idx.msk [tilespmem:v60+s28+$0x0], $0xffff  }
0x31f: {  	v47 =	vadd.s32 s11, v5;
	v40 =	vld.idx.msk [tilespmem:v61+s2+$0x0], $0xffff  }
0x320: {  	v46 =	vadd.s32 s11, v3;
	s9 =	simm.s32 $0xF0;
	v41 =	vld.idx.msk [tilespmem:v62+s28+$0x0], $0xffff  }
0x321: {  	s7 =	simm.s32 $0x0;
	s8 =	simm.s32 $0x100;
	v43 =	vadd.s32 s9, v7;
	v42 =	vld.idx.msk [tilespmem:v63+s2+$0x0], $0xffff  }
.LBB2_13:
0x322: {  	p0 =	slt.u32 s8, $0x1F80;
	v44 =	vld.idx.msk [tilespmem:v44+s28+$0x0], $0xffff;
	v48 =	vadd.s32 s9, v6  }
0x323: {  	v49 =	vadd.s32 s11, v2;
	v45 =	vld.idx.msk [tilespmem:v45+s2+$0x0], $0xffff  }
0x324: {  	v50 =	vadd.s32 s11, v7;
	v47 =	vld.idx.msk [tilespmem:v47+s28+$0x0], $0xffff  }
0x325: {  	v51 =	vadd.s32 s11, v6;
	v46 =	vld.idx.msk [tilespmem:v46+s2+$0x0], $0xffff  }
0x326: {  	v52 =	vadd.s32 s9, v4;
	v43 =	vld.idx.msk [tilespmem:v43+s2+$0x0], $0xffff  }
0x327: {  	v53 =	vadd.s32 s9, v5;
	v48 =	vld.idx.msk [tilespmem:v48+s28+$0x0], $0xffff  }
0x328: {  	v54 =	vadd.s32 s9, v3;
	v49 =	vld.idx.msk [tilespmem:v49+s28+$0x0], $0xffff  }
0x329: {  	v55 =	vadd.s32 s9, v2;
	v50 =	vld.idx.msk [tilespmem:v50+s2+$0x0], $0xffff  }
0x32a: {  	v51 =	vld.idx.msk [tilespmem:v51+s28+$0x0], $0xffff  }
0x32b: {  	v52 =	vld.idx.msk [tilespmem:v52+s2+$0x0], $0xffff  }
0x32c: {  	v53 =	vld.idx.msk [tilespmem:v53+s28+$0x0], $0xffff  }
0x32d: {  	s7 =	sadd.s32 $0x200, s7;
	v43 =	vadd.f32 v48, v43;
	v54 =	vld.idx.msk [tilespmem:v54+s2+$0x0], $0xffff  }
0x32e: {  	v14 =	vadd.f32 v15, v14;
	s9 =	sshra.s32 s7, $0x2;
	v15 =	vld.idx.msk [tilespmem:v55+s28+$0x0], $0xffff  }
0x32f: {  	v16 =	vadd.f32 v17, v16;
	[tilespmem:s9+$0xC7F0] =	vst.add.f32.msk $0xffff, v43  }
0x330: {  	v17 =	vadd.f32 v20, v18;
	[tilespmem:s9+$0x8790] =	vst.add.f32.msk $0xffff, v14  }
0x331: {  	v14 =	vadd.f32 v21, v19;
	[tilespmem:s9+$0xA790] =	vst.add.f32.msk $0xffff, v16  }
0x332: {  	v16 =	vadd.f32 v23, v22;
	[tilespmem:s9+$0xC790] =	vst.add.f32.msk $0xffff, v17;
	v17 =	vadd.f32 v53, v52  }
0x333: {  	v18 =	vadd.f32 v26, v24;
	[tilespmem:s9+$0x87A0] =	vst.add.f32.msk $0xffff, v14  }
0x334: {  	v14 =	vadd.f32 v28, v25;
	v15 =	vadd.f32 v15, v54;
	[tilespmem:s9+$0xA7A0] =	vst.add.f32.msk $0xffff, v16  }
0x335: {  	v16 =	vadd.f32 v29, v27;
	[tilespmem:s9+$0xC7A0] =	vst.add.f32.msk $0xffff, v18  }
0x336: {  	v18 =	vadd.f32 v32, v30;
	[tilespmem:s9+$0x87B0] =	vst.add.f32.msk $0xffff, v14  }
0x337: {  	v14 =	vadd.f32 v33, v31;
	[tilespmem:s9+$0xA7B0] =	vst.add.f32.msk $0xffff, v16  }
0x338: {  	v16 =	vadd.f32 v35, v34;
	[tilespmem:s9+$0xC7B0] =	vst.add.f32.msk $0xffff, v18  }
0x339: {  	v18 =	vadd.f32 v38, v36;
	[tilespmem:s9+$0x87C0] =	vst.add.f32.msk $0xffff, v14  }
0x33a: {  	v14 =	vadd.f32 v39, v37;
	[tilespmem:s9+$0xA7C0] =	vst.add.f32.msk $0xffff, v16  }
0x33b: {  	v16 =	vadd.f32 v41, v40;
	[tilespmem:s9+$0xC7C0] =	vst.add.f32.msk $0xffff, v18  }
0x33c: {  	v18 =	vadd.f32 v44, v42;
	[tilespmem:s9+$0x87D0] =	vst.add.f32.msk $0xffff, v14  }
0x33d: {  	v14 =	vadd.f32 v47, v45;
	[tilespmem:s9+$0xA7D0] =	vst.add.f32.msk $0xffff, v16  }
0x33e: {  	v16 =	vadd.f32 v49, v46;
	[tilespmem:s9+$0xC7D0] =	vst.add.f32.msk $0xffff, v18  }
0x33f: {  	v18 =	vadd.f32 v51, v50;
	[tilespmem:s9+$0x87E0] =	vst.add.f32.msk $0xffff, v14  }
0x340: {  	[tilespmem:s9+$0xA7E0] =	vst.add.f32.msk $0xffff, v16  }
0x341: {  	[tilespmem:s9+$0xC7E0] =	vst.add.f32.msk $0xffff, v18  }
0x342: {  	v8 =	vadd.f32 v10, v8;
	v14 =	vadd.s32 s8, v4;
	[tilespmem:s9+$0x87F0] =	vst.add.f32.msk $0xffff, v17  }
0x343: {  	v10 =	vadd.s32 s8, v5;
	v9 =	vadd.f32 v12, v9;
	[tilespmem:s9+$0xA7F0] =	vst.add.f32.msk $0xffff, v15  }
0x344: {  	v12 =	vadd.s32 s8, v3;
	v11 =	vadd.f32 v13, v11;
	[tilespmem:s9+$0x8780] =	vst.add.f32.msk $0xffff, v8  }
0x345: {  	v13 =	vadd.s32 s8, v2;
	[tilespmem:s9+$0xA780] =	vst.add.f32.msk $0xffff, v9  }
0x346: {  	v15 =	vadd.s32 s8, v7;
	[tilespmem:s9+$0xC780] =	vst.add.f32.msk $0xffff, v11  }
0x347: {  	s9 =	sadd.s32 $0x10, s8;
	v8 =	vld.idx.msk [tilespmem:v14+s2+$0x0], $0xffff;
	v14 =	vadd.s32 s8, v6  }
0x348: {  	v16 =	vadd.s32 s9, v4;
	v10 =	vld.idx.msk [tilespmem:v10+s28+$0x0], $0xffff  }
0x349: {  	v17 =	vadd.s32 s9, v5;
	v9 =	vld.idx.msk [tilespmem:v12+s2+$0x0], $0xffff  }
0x34a: {  	v18 =	vadd.s32 s9, v3;
	v12 =	vld.idx.msk [tilespmem:v13+s28+$0x0], $0xffff  }
0x34b: {  	v19 =	vadd.s32 s9, v2;
	v11 =	vld.idx.msk [tilespmem:v15+s2+$0x0], $0xffff  }
0x34c: {  	v20 =	vadd.s32 s9, v7;
	v13 =	vld.idx.msk [tilespmem:v14+s28+$0x0], $0xffff  }
0x34d: {  	v21 =	vadd.s32 s9, v6;
	s9 =	sadd.s32 $0x20, s8;
	v14 =	vld.idx.msk [tilespmem:v16+s2+$0x0], $0xffff  }
0x34e: {  	v22 =	vadd.s32 s9, v4;
	v15 =	vld.idx.msk [tilespmem:v17+s28+$0x0], $0xffff  }
0x34f: {  	v23 =	vadd.s32 s9, v5;
	v16 =	vld.idx.msk [tilespmem:v18+s2+$0x0], $0xffff  }
0x350: {  	v24 =	vadd.s32 s9, v3;
	v17 =	vld.idx.msk [tilespmem:v19+s28+$0x0], $0xffff  }
0x351: {  	v25 =	vadd.s32 s9, v2;
	v18 =	vld.idx.msk [tilespmem:v20+s2+$0x0], $0xffff  }
0x352: {  	v26 =	vadd.s32 s9, v7;
	v20 =	vld.idx.msk [tilespmem:v21+s28+$0x0], $0xffff  }
0x353: {  	v27 =	vadd.s32 s9, v6;
	s9 =	sadd.s32 $0x30, s8;
	v19 =	vld.idx.msk [tilespmem:v22+s2+$0x0], $0xffff  }
0x354: {  	v28 =	vadd.s32 s9, v4;
	v21 =	vld.idx.msk [tilespmem:v23+s28+$0x0], $0xffff  }
0x355: {  	v29 =	vadd.s32 s9, v5;
	v22 =	vld.idx.msk [tilespmem:v24+s2+$0x0], $0xffff  }
0x356: {  	v30 =	vadd.s32 s9, v3;
	v23 =	vld.idx.msk [tilespmem:v25+s28+$0x0], $0xffff  }
0x357: {  	v31 =	vadd.s32 s9, v2;
	v24 =	vld.idx.msk [tilespmem:v26+s2+$0x0], $0xffff  }
0x358: {  	v32 =	vadd.s32 s9, v7;
	v26 =	vld.idx.msk [tilespmem:v27+s28+$0x0], $0xffff  }
0x359: {  	v33 =	vadd.s32 s9, v6;
	s9 =	sadd.s32 $0x40, s8;
	v25 =	vld.idx.msk [tilespmem:v28+s2+$0x0], $0xffff  }
0x35a: {  	v34 =	vadd.s32 s9, v4;
	v28 =	vld.idx.msk [tilespmem:v29+s28+$0x0], $0xffff  }
0x35b: {  	v35 =	vadd.s32 s9, v5;
	v27 =	vld.idx.msk [tilespmem:v30+s2+$0x0], $0xffff  }
0x35c: {  	v36 =	vadd.s32 s9, v3;
	v29 =	vld.idx.msk [tilespmem:v31+s28+$0x0], $0xffff  }
0x35d: {  	v37 =	vadd.s32 s9, v2;
	v30 =	vld.idx.msk [tilespmem:v32+s2+$0x0], $0xffff  }
0x35e: {  	v38 =	vadd.s32 s9, v7;
	v32 =	vld.idx.msk [tilespmem:v33+s28+$0x0], $0xffff  }
0x35f: {  	v39 =	vadd.s32 s9, v6;
	s9 =	sadd.s32 $0x50, s8;
	v31 =	vld.idx.msk [tilespmem:v34+s2+$0x0], $0xffff  }
0x360: {  	v40 =	vadd.s32 s9, v4;
	v33 =	vld.idx.msk [tilespmem:v35+s28+$0x0], $0xffff  }
0x361: {  	v41 =	vadd.s32 s9, v5;
	v34 =	vld.idx.msk [tilespmem:v36+s2+$0x0], $0xffff  }
0x362: {  	v42 =	vadd.s32 s9, v3;
	v35 =	vld.idx.msk [tilespmem:v37+s28+$0x0], $0xffff  }
0x363: {  	v43 =	vadd.s32 s9, v2;
	v36 =	vld.idx.msk [tilespmem:v38+s2+$0x0], $0xffff  }
0x364: {  	v48 =	vadd.s32 s9, v7;
	v38 =	vld.idx.msk [tilespmem:v39+s28+$0x0], $0xffff  }
.Ltmp5:
0x365: {  	s11 =	sadd.s32 $0x60, s8;
	v44 =	vadd.s32 s9, v6;
	v37 =	vld.idx.msk [tilespmem:v40+s2+$0x0], $0xffff;
	(pc) =	sbr.rel @p0 .LBB2_13-.Ltmp5, $4  }
0x366: {  	v45 =	vadd.s32 s11, v4;
	v39 =	vld.idx.msk [tilespmem:v41+s28+$0x0], $0xffff  }
0x367: {  	v47 =	vadd.s32 s11, v5;
	v40 =	vld.idx.msk [tilespmem:v42+s2+$0x0], $0xffff  }
0x368: {  	v46 =	vadd.s32 s11, v3;
	s9 =	sadd.s32 $0x70, s8;
	v41 =	vld.idx.msk [tilespmem:v43+s28+$0x0], $0xffff  }
0x369: {  	s8 =	sadd.s32 $0x80, s8;
	v43 =	vadd.s32 s9, v7;
	v42 =	vld.idx.msk [tilespmem:v48+s2+$0x0], $0xffff  }
0x36a: {  	_ =	sdelay $0x3  }
0x36b: {  	v44 =	vld.idx.msk [tilespmem:v44+s28+$0x0], $0xffff  }
0x36c: {  	v45 =	vld.idx.msk [tilespmem:v45+s2+$0x0], $0xffff  }
0x36d: {  	v47 =	vld.idx.msk [tilespmem:v47+s28+$0x0], $0xffff  }
0x36e: {  	v46 =	vld.idx.msk [tilespmem:v46+s2+$0x0], $0xffff;
	s7 =	sadd.s32 $0x200, s7;
	v14 =	vadd.f32 v15, v14  }
0x36f: {  	v43 =	vld.idx.msk [tilespmem:v43+s2+$0x0], $0xffff;
	v15 =	vadd.f32 v17, v16;
	s7 =	sshra.s32 s7, $0x2  }
0x370: {  	v16 =	vadd.f32 v20, v18;
	[tilespmem:s7+$0x8790] =	vst.add.f32.msk $0xffff, v14  }
0x371: {  	v48 =	vadd.s32 s9, v6;
	[tilespmem:s7+$0xA790] =	vst.add.f32.msk $0xffff, v15;
	v14 =	vadd.f32 v21, v19  }
0x372: {  	v49 =	vadd.s32 s11, v2;
	[tilespmem:s7+$0xC790] =	vst.add.f32.msk $0xffff, v16;
	v15 =	vadd.f32 v23, v22  }
0x373: {  	v7 =	vadd.s32 s11, v7;
	v16 =	vadd.f32 v26, v24;
	[tilespmem:s7+$0x87A0] =	vst.add.f32.msk $0xffff, v14  }
0x374: {  	v6 =	vadd.s32 s11, v6;
	[tilespmem:s7+$0xA7A0] =	vst.add.f32.msk $0xffff, v15  }
0x375: {  	v4 =	vadd.s32 s9, v4;
	[tilespmem:s7+$0xC7A0] =	vst.add.f32.msk $0xffff, v16  }
0x376: {  	v5 =	vadd.s32 s9, v5;
	v48 =	vld.idx.msk [tilespmem:v48+s28+$0x0], $0xffff  }
0x377: {  	v3 =	vadd.s32 s9, v3;
	v49 =	vld.idx.msk [tilespmem:v49+s28+$0x0], $0xffff  }
0x378: {  	v2 =	vadd.s32 s9, v2;
	v7 =	vld.idx.msk [tilespmem:v7+s2+$0x0], $0xffff  }
0x379: {  	v6 =	vld.idx.msk [tilespmem:v6+s28+$0x0], $0xffff  }
0x37a: {  	v4 =	vld.idx.msk [tilespmem:v4+s2+$0x0], $0xffff  }
0x37b: {  	v5 =	vld.idx.msk [tilespmem:v5+s28+$0x0], $0xffff  }
0x37c: {  	v14 =	vadd.f32 v28, v25;
	v3 =	vld.idx.msk [tilespmem:v3+s2+$0x0], $0xffff  }
0x37d: {  	v15 =	vadd.f32 v29, v27;
	v2 =	vld.idx.msk [tilespmem:v2+s28+$0x0], $0xffff  }
0x37e: {  	v16 =	vadd.f32 v32, v30;
	[tilespmem:s7+$0x87B0] =	vst.add.f32.msk $0xffff, v14  }
0x37f: {  	[tilespmem:s7+$0xA7B0] =	vst.add.f32.msk $0xffff, v15;
	v14 =	vadd.f32 v33, v31  }
0x380: {  	[tilespmem:s7+$0xC7B0] =	vst.add.f32.msk $0xffff, v16;
	v15 =	vadd.f32 v35, v34  }
0x381: {  	v16 =	vadd.f32 v38, v36;
	[tilespmem:s7+$0x87C0] =	vst.add.f32.msk $0xffff, v14  }
0x382: {  	[tilespmem:s7+$0xA7C0] =	vst.add.f32.msk $0xffff, v15;
	v14 =	vadd.f32 v39, v37  }
0x383: {  	[tilespmem:s7+$0xC7C0] =	vst.add.f32.msk $0xffff, v16;
	v15 =	vadd.f32 v41, v40  }
0x384: {  	v16 =	vadd.f32 v44, v42;
	[tilespmem:s7+$0x87D0] =	vst.add.f32.msk $0xffff, v14  }
0x385: {  	v43 =	vadd.f32 v48, v43;
	[tilespmem:s7+$0xA7D0] =	vst.add.f32.msk $0xffff, v15  }
0x386: {  	v14 =	vadd.f32 v47, v45;
	[tilespmem:s7+$0xC7D0] =	vst.add.f32.msk $0xffff, v16  }
0x387: {  	v15 =	vadd.f32 v49, v46;
	[tilespmem:s7+$0xC7F0] =	vst.add.f32.msk $0xffff, v43  }
0x388: {  	s8 =	sshllo.u32 s6, $0x1;
	p0 =	seq.s32 s6, $0x6;
	v6 =	vadd.f32 v6, v7;
	[tilespmem:s7+$0x87E0] =	vst.add.f32.msk $0xffff, v14  }
0x389: {  	s9 =	sshll.u32 @!p0 s8, $0x1;
	v4 =	vadd.f32 v5, v4;
	[tilespmem:s7+$0xA7E0] =	vst.add.f32.msk $0xffff, v15  }
0x38a: {  	s11 =	sadd.s32 @!p0 $0x2, s9;
	v2 =	vadd.f32 v2, v3;
	[tilespmem:s7+$0xC7E0] =	vst.add.f32.msk $0xffff, v6  }
0x38b: {  	s12 =	smulhi.u32 @!p0 $0x92492493, s11;
	v3 =	vadd.f32 v10, v8;
	[tilespmem:s7+$0x87F0] =	vst.add.f32.msk $0xffff, v4  }
0x38c: {  	v4 =	vadd.f32 v12, v9;
	[tilespmem:s7+$0xA7F0] =	vst.add.f32.msk $0xffff, v2  }
0x38d: {  	s12 =	sshrl.u32 @!p0 s12, $0x2;
	v2 =	vadd.f32 v13, v11;
	[tilespmem:s7+$0x8780] =	vst.add.f32.msk $0xffff, v3  }
0x38e: {  	s13 =	smul.u32 @!p0 $0x7, s12;
	[tilespmem:s7+$0xA780] =	vst.add.f32.msk $0xffff, v4  }
0x38f: {  	s9 =	sadd.s32 @!p0 $0x3, s9;
	[tilespmem:s7+$0xC780] =	vst.add.f32.msk $0xffff, v2  }
0x390: {  	s11 =	ssub.s32 @!p0 s11, s13;
	s7 =	smul.u32 @!p0 $0x70, s12;
	_ =	swait.ge [sflag:s29], $0x2000  }
0x391: {  	s13 =	simm.s32 @!p0 $0x10;
	s11 =	sadd.s32 @!p0 s11, s10;
	[sflag:s29] =	ssyncset.done $0x0  }
0x392: {  	s7 =	sadd.s32 @!p0 s7, s11;
	s11 =	smulhi.u32 @!p0 $0x92492493, s9;
	[sflag:s29] =	ssyncadd.s32 $0xFFFFE000  }
0x393: {  	s12 =	simm.s32 @!p0 $0x0;
	s7 =	sshll.u32 @!p0 s7, $0xA;
	_ =	swait.ge [sflag:s30], $0x2000  }
0x394: {  	s7 =	sand.u32 @!p0 $0x1FFFFC00, s7;
	s11 =	sshrl.u32 @!p0 s11, $0x2;
	[sflag:s30] =	ssyncset.done $0x0  }
0x395: {  	s7 =	sadd.s32 @!p0 s3, s7;
	s14 =	smul.u32 @!p0 $0x7, s11;
	[sflag:s30] =	ssyncadd.s32 $0xFFFFE000  }
0x396: {  	[tilespmem:s13], [sflag:$0x1] =	stream.linear.gather @!p0 [hbm4b:s7+s12], $0x2000, $0x38;
	[tilespmem:$0xE780] =	vst v63  }
0x397: {  	s7 =	smul.u32 @!p0 $0x70, s11;
	s9 =	ssub.s32 @!p0 s9, s14  }
0x398: {  	s9 =	sadd.s32 @!p0 s9, s10  }
0x399: {  	s7 =	sadd.s32 @!p0 s7, s9  }
0x39a: {  	s11 =	sshll.u32 s8, $0x5;
	s7 =	sshll.u32 @!p0 s7, $0xA  }
0x39b: {  	v2 =	vor.u32 s11, v1;
	s8 =	sor.u32 $0x10, s11;
	s7 =	sand.u32 @!p0 $0x1FFFFC00, s7  }
0x39c: {  	s13 =	sadd.s32 $0x1D0, s11;
	s9 =	simm.s32 @!p0 $0x2090;
	v3 =	vor.u32 s8, v1;
	s7 =	sadd.s32 @!p0 s3, s7  }
0x39d: {  	v7 =	vor.u32 s13, v1;
	[tilespmem:s9], [sflag:$0x2] =	stream.linear.gather @!p0 [hbm4b:s7+s12], $0x2000, $0x38;
	[tilespmem:$0xE780] =	vst v63  }
0x39e: {  	s12 =	sadd.s32 $0x1C0, s11  }
0x39f: {  	s14 =	sadd.s32 $0x380, s11;
	v6 =	vor.u32 s12, v1  }
0x3a0: {  	v8 =	vor.u32 s14, v1;
	s7 =	sadd.s32 $0x390, s11;
	v4 =	vld.idx.msk [tilespmem:v2+s19+$0x0], $0xffff  }
0x3a1: {  	v9 =	vor.u32 s7, v1;
	v5 =	vld.idx.msk [tilespmem:v3+s19+$0x0], $0xffff  }
0x3a2: {  	v2 =	vld.idx.msk [tilespmem:v7+s19+$0x0], $0xffff;
	_ =	sdelay $0x1  }
0x3a3: {  	s7 =	simm.s32 $0x0;
	v3 =	vld.idx.msk [tilespmem:v6+s19+$0x0], $0xffff  }
0x3a4: {  	v6 =	vld.idx.msk [tilespmem:v8+s19+$0x0], $0xffff;
	v8 =	vadd.s32 s7, v4  }
0x3a5: {  	v7 =	vld.idx.msk [tilespmem:v9+s19+$0x0], $0xffff;
	v9 =	vadd.s32 s7, v5  }
0x3a6: {  	s11 =	simm.s32 $0x10;
	v12 =	vadd.s32 s7, v2  }
0x3a7: {  	v15 =	vadd.s32 s11, v4  }
0x3a8: {  	v16 =	vadd.s32 s11, v5  }
0x3a9: {  	s12 =	simm.s32 $0x20;
	v18 =	vadd.s32 s11, v2;
	v8 =	vld.idx.msk [tilespmem:v8+s31+$0x0], $0xffff  }
0x3aa: {  	v20 =	vadd.s32 s12, v4;
	v10 =	vld.idx.msk [tilespmem:v9+s0+$0x0], $0xffff  }
0x3ab: {  	v21 =	vadd.s32 s12, v5;
	v12 =	vld.idx.msk [tilespmem:v12+s0+$0x0], $0xffff  }
0x3ac: {  	s13 =	simm.s32 $0x30;
	v23 =	vadd.s32 s12, v2;
	v15 =	vld.idx.msk [tilespmem:v15+s31+$0x0], $0xffff  }
0x3ad: {  	v26 =	vadd.s32 s13, v4;
	v16 =	vld.idx.msk [tilespmem:v16+s0+$0x0], $0xffff  }
0x3ae: {  	v27 =	vadd.s32 s13, v5;
	v18 =	vld.idx.msk [tilespmem:v18+s0+$0x0], $0xffff  }
0x3af: {  	s14 =	simm.s32 $0x40;
	v29 =	vadd.s32 s13, v2;
	v20 =	vld.idx.msk [tilespmem:v20+s31+$0x0], $0xffff  }
0x3b0: {  	v46 =	vadd.s32 s14, v4;
	v21 =	vld.idx.msk [tilespmem:v21+s0+$0x0], $0xffff  }
0x3b1: {  	v47 =	vadd.s32 s14, v5;
	v23 =	vld.idx.msk [tilespmem:v23+s0+$0x0], $0xffff  }
0x3b2: {  	s9 =	simm.s32 $0x50;
	v49 =	vadd.s32 s14, v2;
	v26 =	vld.idx.msk [tilespmem:v26+s31+$0x0], $0xffff  }
0x3b3: {  	v52 =	vadd.s32 s9, v4;
	v27 =	vld.idx.msk [tilespmem:v27+s0+$0x0], $0xffff  }
0x3b4: {  	v53 =	vadd.s32 s9, v5;
	v29 =	vld.idx.msk [tilespmem:v29+s0+$0x0], $0xffff  }
0x3b5: {  	v55 =	vadd.s32 s9, v2;
	v32 =	vld.idx.msk [tilespmem:v46+s31+$0x0], $0xffff  }
0x3b6: {  	v11 =	vadd.s32 s7, v3;
	v33 =	vld.idx.msk [tilespmem:v47+s0+$0x0], $0xffff  }
0x3b7: {  	v13 =	vadd.s32 s7, v6;
	v35 =	vld.idx.msk [tilespmem:v49+s0+$0x0], $0xffff  }
0x3b8: {  	v14 =	vadd.s32 s7, v7;
	v38 =	vld.idx.msk [tilespmem:v52+s31+$0x0], $0xffff  }
0x3b9: {  	v17 =	vadd.s32 s11, v3;
	v39 =	vld.idx.msk [tilespmem:v53+s0+$0x0], $0xffff  }
0x3ba: {  	v19 =	vadd.s32 s11, v7;
	v41 =	vld.idx.msk [tilespmem:v55+s0+$0x0], $0xffff  }
0x3bb: {  	v22 =	vadd.s32 s12, v3;
	v9 =	vld.idx.msk [tilespmem:v11+s31+$0x0], $0xffff  }
0x3bc: {  	v24 =	vadd.s32 s12, v6;
	v11 =	vld.idx.msk [tilespmem:v13+s31+$0x0], $0xffff  }
0x3bd: {  	v25 =	vadd.s32 s12, v7;
	v13 =	vld.idx.msk [tilespmem:v14+s0+$0x0], $0xffff  }
0x3be: {  	v28 =	vadd.s32 s13, v3;
	v17 =	vld.idx.msk [tilespmem:v17+s31+$0x0], $0xffff  }
0x3bf: {  	v30 =	vadd.s32 s13, v6;
	v19 =	vld.idx.msk [tilespmem:v19+s0+$0x0], $0xffff  }
0x3c0: {  	v31 =	vadd.s32 s13, v7;
	v22 =	vld.idx.msk [tilespmem:v22+s31+$0x0], $0xffff  }
0x3c1: {  	v48 =	vadd.s32 s14, v3;
	v24 =	vld.idx.msk [tilespmem:v24+s31+$0x0], $0xffff  }
0x3c2: {  	v50 =	vadd.s32 s14, v6;
	v25 =	vld.idx.msk [tilespmem:v25+s0+$0x0], $0xffff  }
0x3c3: {  	v51 =	vadd.s32 s14, v7;
	v28 =	vld.idx.msk [tilespmem:v28+s31+$0x0], $0xffff  }
0x3c4: {  	v54 =	vadd.s32 s9, v3;
	v30 =	vld.idx.msk [tilespmem:v30+s31+$0x0], $0xffff  }
0x3c5: {  	v56 =	vadd.s32 s9, v6;
	v31 =	vld.idx.msk [tilespmem:v31+s0+$0x0], $0xffff  }
0x3c6: {  	v57 =	vadd.s32 s9, v7;
	s12 =	simm.s32 $0x70;
	v34 =	vld.idx.msk [tilespmem:v48+s31+$0x0], $0xffff  }
0x3c7: {  	v61 =	vadd.s32 s12, v6;
	v36 =	vld.idx.msk [tilespmem:v50+s31+$0x0], $0xffff  }
0x3c8: {  	v62 =	vadd.s32 s12, v7;
	v37 =	vld.idx.msk [tilespmem:v51+s0+$0x0], $0xffff  }
0x3c9: {  	v52 =	vadd.s32 s12, v4;
	v40 =	vld.idx.msk [tilespmem:v54+s31+$0x0], $0xffff  }
0x3ca: {  	v53 =	vadd.s32 s12, v5;
	v42 =	vld.idx.msk [tilespmem:v56+s31+$0x0], $0xffff  }
0x3cb: {  	v55 =	vadd.s32 s12, v2;
	v43 =	vld.idx.msk [tilespmem:v57+s0+$0x0], $0xffff  }
0x3cc: {  	v47 =	vld.idx.msk [tilespmem:v61+s31+$0x0], $0xffff  }
0x3cd: {  	v14 =	vadd.s32 s11, v6;
	v48 =	vld.idx.msk [tilespmem:v62+s0+$0x0], $0xffff  }
0x3ce: {  	v54 =	vadd.s32 s12, v3;
	v52 =	vld.idx.msk [tilespmem:v52+s31+$0x0], $0xffff  }
0x3cf: {  	s14 =	simm.s32 $0x80;
	v8 =	vadd.f32 v10, v8;
	v53 =	vld.idx.msk [tilespmem:v53+s0+$0x0], $0xffff  }
0x3d0: {  	s13 =	simm.s32 $0x0;
	s11 =	simm.s32 $0x60;
	v15 =	vadd.f32 v16, v15;
	v10 =	vadd.s32 s14, v5;
	v16 =	vld.idx.msk [tilespmem:v55+s0+$0x0], $0xffff  }
0x3d1: {  	v58 =	vadd.s32 s11, v4;
	[tilespmem:s13+$0x8780] =	vst.add.f32.msk $0xffff, v8  }
0x3d2: {  	v59 =	vadd.s32 s11, v5;
	v14 =	vld.idx.msk [tilespmem:v14+s31+$0x0], $0xffff  }
0x3d3: {  	v60 =	vadd.s32 s11, v3;
	v54 =	vld.idx.msk [tilespmem:v54+s31+$0x0], $0xffff  }
0x3d4: {  	v63 =	vadd.s32 s11, v2;
	[tilespmem:s13+$0x8790] =	vst.add.f32.msk $0xffff, v15  }
0x3d5: {  	v50 =	vadd.s32 s11, v6;
	v10 =	vld.idx.msk [tilespmem:v10+s0+$0x0], $0xffff  }
0x3d6: {  	v51 =	vadd.s32 s11, v7;
	v44 =	vld.idx.msk [tilespmem:v58+s31+$0x0], $0xffff  }
0x3d7: {  	v45 =	vld.idx.msk [tilespmem:v59+s0+$0x0], $0xffff  }
0x3d8: {  	v46 =	vld.idx.msk [tilespmem:v60+s31+$0x0], $0xffff  }
0x3d9: {  	v49 =	vld.idx.msk [tilespmem:v63+s0+$0x0], $0xffff  }
0x3da: {  	v17 =	vadd.f32 v18, v17;
	v50 =	vld.idx.msk [tilespmem:v50+s31+$0x0], $0xffff  }
0x3db: {  	v15 =	vadd.f32 v21, v20;
	v51 =	vld.idx.msk [tilespmem:v51+s0+$0x0], $0xffff  }
0x3dc: {  	v9 =	vadd.f32 v12, v9;
	[tilespmem:s13+$0xA790] =	vst.add.f32.msk $0xffff, v17  }
0x3dd: {  	v11 =	vadd.f32 v13, v11;
	[tilespmem:s13+$0x87A0] =	vst.add.f32.msk $0xffff, v15  }
0x3de: {  	v12 =	vadd.s32 s14, v3;
	v47 =	vadd.f32 v48, v47;
	[tilespmem:s13+$0xA780] =	vst.add.f32.msk $0xffff, v9  }
0x3df: {  	v13 =	vadd.s32 s14, v2;
	v17 =	vadd.f32 v25, v24;
	[tilespmem:s13+$0xC780] =	vst.add.f32.msk $0xffff, v11  }
0x3e0: {  	v15 =	vadd.f32 v29, v28;
	[tilespmem:s13+$0xC7F0] =	vst.add.f32.msk $0xffff, v47  }
0x3e1: {  	[tilespmem:s13+$0xC7A0] =	vst.add.f32.msk $0xffff, v17  }
0x3e2: {  	[tilespmem:s13+$0xA7B0] =	vst.add.f32.msk $0xffff, v15  }
0x3e3: {  	v17 =	vadd.f32 v31, v30;
	v9 =	vld.idx.msk [tilespmem:v12+s31+$0x0], $0xffff  }
0x3e4: {  	v15 =	vadd.f32 v35, v34;
	v12 =	vld.idx.msk [tilespmem:v13+s0+$0x0], $0xffff  }
0x3e5: {  	v14 =	vadd.f32 v19, v14;
	[tilespmem:s13+$0xC7B0] =	vst.add.f32.msk $0xffff, v17  }
0x3e6: {  	v17 =	vadd.f32 v37, v36;
	[tilespmem:s13+$0xA7C0] =	vst.add.f32.msk $0xffff, v15  }
0x3e7: {  	v15 =	vadd.f32 v41, v40;
	[tilespmem:s13+$0xC790] =	vst.add.f32.msk $0xffff, v14  }
0x3e8: {  	v14 =	vadd.f32 v23, v22;
	[tilespmem:s13+$0xC7C0] =	vst.add.f32.msk $0xffff, v17  }
0x3e9: {  	v17 =	vadd.f32 v43, v42;
	[tilespmem:s13+$0xA7D0] =	vst.add.f32.msk $0xffff, v15  }
0x3ea: {  	v15 =	vadd.f32 v49, v46;
	[tilespmem:s13+$0xA7A0] =	vst.add.f32.msk $0xffff, v14  }
0x3eb: {  	v14 =	vadd.f32 v27, v26;
	[tilespmem:s13+$0xC7D0] =	vst.add.f32.msk $0xffff, v17  }
0x3ec: {  	[tilespmem:s13+$0xA7E0] =	vst.add.f32.msk $0xffff, v15;
	v15 =	vadd.f32 v16, v54  }
0x3ed: {  	v16 =	vadd.s32 s14, v4;
	[tilespmem:s13+$0x87B0] =	vst.add.f32.msk $0xffff, v14;
	v14 =	vadd.f32 v33, v32  }
0x3ee: {  	v17 =	vadd.f32 v51, v50;
	[tilespmem:s13+$0xA7F0] =	vst.add.f32.msk $0xffff, v15  }
0x3ef: {  	s9 =	simm.s32 $0x90;
	v15 =	vadd.s32 s14, v7;
	[tilespmem:s13+$0x87C0] =	vst.add.f32.msk $0xffff, v14;
	v14 =	vadd.f32 v39, v38  }
0x3f0: {  	[tilespmem:s13+$0xC7E0] =	vst.add.f32.msk $0xffff, v17;
	v17 =	vadd.s32 s9, v5  }
0x3f1: {  	s11 =	simm.s32 $0xA0;
	v19 =	vadd.s32 s9, v2;
	[tilespmem:s13+$0x87D0] =	vst.add.f32.msk $0xffff, v14;
	v14 =	vadd.f32 v45, v44  }
0x3f2: {  	v22 =	vadd.s32 s11, v4;
	v8 =	vld.idx.msk [tilespmem:v16+s31+$0x0], $0xffff  }
0x3f3: {  	v24 =	vadd.s32 s11, v3;
	[tilespmem:s13+$0x87E0] =	vst.add.f32.msk $0xffff, v14  }
0x3f4: {  	v26 =	vadd.s32 s11, v6;
	v13 =	vld.idx.msk [tilespmem:v15+s0+$0x0], $0xffff  }
0x3f5: {  	v15 =	vld.idx.msk [tilespmem:v17+s0+$0x0], $0xffff  }
0x3f6: {  	s12 =	simm.s32 $0xB0;
	v27 =	vadd.s32 s11, v7;
	v17 =	vld.idx.msk [tilespmem:v19+s0+$0x0], $0xffff  }
0x3f7: {  	v30 =	vadd.s32 s12, v3;
	v19 =	vld.idx.msk [tilespmem:v22+s31+$0x0], $0xffff  }
0x3f8: {  	v51 =	vadd.s32 s12, v6;
	v14 =	vadd.f32 v53, v52;
	v22 =	vld.idx.msk [tilespmem:v24+s31+$0x0], $0xffff  }
0x3f9: {  	v24 =	vld.idx.msk [tilespmem:v26+s31+$0x0], $0xffff;
	v52 =	vadd.s32 s12, v7  }
0x3fa: {  	[tilespmem:s13+$0x87F0] =	vst.add.f32.msk $0xffff, v14;
	v14 =	vadd.s32 s14, v6  }
0x3fb: {  	v16 =	vadd.s32 s9, v4;
	v26 =	vld.idx.msk [tilespmem:v27+s0+$0x0], $0xffff  }
0x3fc: {  	v18 =	vadd.s32 s9, v3;
	v27 =	vld.idx.msk [tilespmem:v30+s31+$0x0], $0xffff  }
0x3fd: {  	v20 =	vadd.s32 s9, v6;
	v30 =	vld.idx.msk [tilespmem:v51+s31+$0x0], $0xffff  }
0x3fe: {  	v21 =	vadd.s32 s9, v7;
	v32 =	vld.idx.msk [tilespmem:v52+s0+$0x0], $0xffff  }
0x3ff: {  	v23 =	vadd.s32 s11, v5;
	v11 =	vld.idx.msk [tilespmem:v14+s31+$0x0], $0xffff  }
0x400: {  	v25 =	vadd.s32 s11, v2;
	v14 =	vld.idx.msk [tilespmem:v16+s31+$0x0], $0xffff  }
0x401: {  	v28 =	vadd.s32 s12, v4;
	v16 =	vld.idx.msk [tilespmem:v18+s31+$0x0], $0xffff  }
0x402: {  	v29 =	vadd.s32 s12, v5;
	v18 =	vld.idx.msk [tilespmem:v20+s31+$0x0], $0xffff  }
0x403: {  	v31 =	vadd.s32 s12, v2;
	s13 =	simm.s32 $0xC0;
	v20 =	vld.idx.msk [tilespmem:v21+s0+$0x0], $0xffff  }
0x404: {  	v53 =	vadd.s32 s13, v4;
	v21 =	vld.idx.msk [tilespmem:v23+s0+$0x0], $0xffff  }
0x405: {  	v54 =	vadd.s32 s13, v5;
	v23 =	vld.idx.msk [tilespmem:v25+s0+$0x0], $0xffff  }
0x406: {  	v55 =	vadd.s32 s13, v3;
	v25 =	vld.idx.msk [tilespmem:v28+s31+$0x0], $0xffff  }
0x407: {  	v56 =	vadd.s32 s13, v2;
	v28 =	vld.idx.msk [tilespmem:v29+s0+$0x0], $0xffff  }
0x408: {  	v57 =	vadd.s32 s13, v6;
	v29 =	vld.idx.msk [tilespmem:v31+s0+$0x0], $0xffff  }
0x409: {  	s14 =	simm.s32 $0xD0;
	v58 =	vadd.s32 s13, v7;
	v31 =	vld.idx.msk [tilespmem:v53+s31+$0x0], $0xffff  }
0x40a: {  	v59 =	vadd.s32 s14, v4;
	v33 =	vld.idx.msk [tilespmem:v54+s0+$0x0], $0xffff  }
0x40b: {  	v60 =	vadd.s32 s14, v5;
	v34 =	vld.idx.msk [tilespmem:v55+s31+$0x0], $0xffff  }
0x40c: {  	v61 =	vadd.s32 s14, v3;
	v35 =	vld.idx.msk [tilespmem:v56+s0+$0x0], $0xffff  }
0x40d: {  	v62 =	vadd.s32 s14, v2;
	v36 =	vld.idx.msk [tilespmem:v57+s31+$0x0], $0xffff  }
0x40e: {  	v63 =	vadd.s32 s14, v6;
	v38 =	vld.idx.msk [tilespmem:v58+s0+$0x0], $0xffff  }
0x40f: {  	s11 =	simm.s32 $0xE0;
	v44 =	vadd.s32 s14, v7;
	v37 =	vld.idx.msk [tilespmem:v59+s31+$0x0], $0xffff  }
0x410: {  	v45 =	vadd.s32 s11, v4;
	v39 =	vld.idx.msk [tilespmem:v60+s0+$0x0], $0xffff  }
0x411: {  	v47 =	vadd.s32 s11, v5;
	v40 =	vld.idx.msk [tilespmem:v61+s31+$0x0], $0xffff  }
0x412: {  	v46 =	vadd.s32 s11, v3;
	s9 =	simm.s32 $0xF0;
	v41 =	vld.idx.msk [tilespmem:v62+s0+$0x0], $0xffff  }
0x413: {  	s8 =	simm.s32 $0x100;
	v43 =	vadd.s32 s9, v6;
	v42 =	vld.idx.msk [tilespmem:v63+s31+$0x0], $0xffff  }
.LBB2_15:
0x414: {  	p0 =	slt.u32 s8, $0x1F80;
	v44 =	vld.idx.msk [tilespmem:v44+s0+$0x0], $0xffff;
	v48 =	vadd.s32 s9, v7  }
0x415: {  	v49 =	vadd.s32 s11, v2;
	v45 =	vld.idx.msk [tilespmem:v45+s31+$0x0], $0xffff  }
0x416: {  	v50 =	vadd.s32 s11, v6;
	v47 =	vld.idx.msk [tilespmem:v47+s0+$0x0], $0xffff  }
0x417: {  	v51 =	vadd.s32 s11, v7;
	v46 =	vld.idx.msk [tilespmem:v46+s31+$0x0], $0xffff  }
0x418: {  	v52 =	vadd.s32 s9, v4;
	v43 =	vld.idx.msk [tilespmem:v43+s31+$0x0], $0xffff  }
0x419: {  	v53 =	vadd.s32 s9, v5;
	v48 =	vld.idx.msk [tilespmem:v48+s0+$0x0], $0xffff  }
0x41a: {  	v54 =	vadd.s32 s9, v3;
	v49 =	vld.idx.msk [tilespmem:v49+s0+$0x0], $0xffff  }
0x41b: {  	v55 =	vadd.s32 s9, v2;
	v50 =	vld.idx.msk [tilespmem:v50+s31+$0x0], $0xffff  }
0x41c: {  	v51 =	vld.idx.msk [tilespmem:v51+s0+$0x0], $0xffff  }
0x41d: {  	v52 =	vld.idx.msk [tilespmem:v52+s31+$0x0], $0xffff  }
0x41e: {  	v53 =	vld.idx.msk [tilespmem:v53+s0+$0x0], $0xffff  }
0x41f: {  	s7 =	sadd.s32 $0x200, s7;
	v43 =	vadd.f32 v48, v43;
	v54 =	vld.idx.msk [tilespmem:v54+s31+$0x0], $0xffff  }
0x420: {  	v14 =	vadd.f32 v15, v14;
	s9 =	sshra.s32 s7, $0x2;
	v15 =	vld.idx.msk [tilespmem:v55+s0+$0x0], $0xffff  }
0x421: {  	v16 =	vadd.f32 v17, v16;
	[tilespmem:s9+$0xC7F0] =	vst.add.f32.msk $0xffff, v43  }
0x422: {  	v17 =	vadd.f32 v20, v18;
	[tilespmem:s9+$0x8790] =	vst.add.f32.msk $0xffff, v14  }
0x423: {  	v14 =	vadd.f32 v21, v19;
	[tilespmem:s9+$0xA790] =	vst.add.f32.msk $0xffff, v16  }
0x424: {  	v16 =	vadd.f32 v23, v22;
	[tilespmem:s9+$0xC790] =	vst.add.f32.msk $0xffff, v17;
	v17 =	vadd.f32 v53, v52  }
0x425: {  	v18 =	vadd.f32 v26, v24;
	[tilespmem:s9+$0x87A0] =	vst.add.f32.msk $0xffff, v14  }
0x426: {  	v14 =	vadd.f32 v28, v25;
	v15 =	vadd.f32 v15, v54;
	[tilespmem:s9+$0xA7A0] =	vst.add.f32.msk $0xffff, v16  }
0x427: {  	v16 =	vadd.f32 v29, v27;
	[tilespmem:s9+$0xC7A0] =	vst.add.f32.msk $0xffff, v18  }
0x428: {  	v18 =	vadd.f32 v32, v30;
	[tilespmem:s9+$0x87B0] =	vst.add.f32.msk $0xffff, v14  }
0x429: {  	v14 =	vadd.f32 v33, v31;
	[tilespmem:s9+$0xA7B0] =	vst.add.f32.msk $0xffff, v16  }
0x42a: {  	v16 =	vadd.f32 v35, v34;
	[tilespmem:s9+$0xC7B0] =	vst.add.f32.msk $0xffff, v18  }
0x42b: {  	v18 =	vadd.f32 v38, v36;
	[tilespmem:s9+$0x87C0] =	vst.add.f32.msk $0xffff, v14  }
0x42c: {  	v14 =	vadd.f32 v39, v37;
	[tilespmem:s9+$0xA7C0] =	vst.add.f32.msk $0xffff, v16  }
0x42d: {  	v16 =	vadd.f32 v41, v40;
	[tilespmem:s9+$0xC7C0] =	vst.add.f32.msk $0xffff, v18  }
0x42e: {  	v18 =	vadd.f32 v44, v42;
	[tilespmem:s9+$0x87D0] =	vst.add.f32.msk $0xffff, v14  }
0x42f: {  	v14 =	vadd.f32 v47, v45;
	[tilespmem:s9+$0xA7D0] =	vst.add.f32.msk $0xffff, v16  }
0x430: {  	v16 =	vadd.f32 v49, v46;
	[tilespmem:s9+$0xC7D0] =	vst.add.f32.msk $0xffff, v18  }
0x431: {  	v18 =	vadd.f32 v51, v50;
	[tilespmem:s9+$0x87E0] =	vst.add.f32.msk $0xffff, v14  }
0x432: {  	[tilespmem:s9+$0xA7E0] =	vst.add.f32.msk $0xffff, v16  }
0x433: {  	[tilespmem:s9+$0xC7E0] =	vst.add.f32.msk $0xffff, v18  }
0x434: {  	v8 =	vadd.f32 v10, v8;
	v14 =	vadd.s32 s8, v4;
	[tilespmem:s9+$0x87F0] =	vst.add.f32.msk $0xffff, v17  }
0x435: {  	v10 =	vadd.s32 s8, v5;
	v9 =	vadd.f32 v12, v9;
	[tilespmem:s9+$0xA7F0] =	vst.add.f32.msk $0xffff, v15  }
0x436: {  	v12 =	vadd.s32 s8, v3;
	v11 =	vadd.f32 v13, v11;
	[tilespmem:s9+$0x8780] =	vst.add.f32.msk $0xffff, v8  }
0x437: {  	v13 =	vadd.s32 s8, v2;
	[tilespmem:s9+$0xA780] =	vst.add.f32.msk $0xffff, v9  }
0x438: {  	v15 =	vadd.s32 s8, v6;
	[tilespmem:s9+$0xC780] =	vst.add.f32.msk $0xffff, v11  }
0x439: {  	s9 =	sadd.s32 $0x10, s8;
	v8 =	vld.idx.msk [tilespmem:v14+s31+$0x0], $0xffff;
	v14 =	vadd.s32 s8, v7  }
0x43a: {  	v16 =	vadd.s32 s9, v4;
	v10 =	vld.idx.msk [tilespmem:v10+s0+$0x0], $0xffff  }
0x43b: {  	v17 =	vadd.s32 s9, v5;
	v9 =	vld.idx.msk [tilespmem:v12+s31+$0x0], $0xffff  }
0x43c: {  	v18 =	vadd.s32 s9, v3;
	v12 =	vld.idx.msk [tilespmem:v13+s0+$0x0], $0xffff  }
0x43d: {  	v19 =	vadd.s32 s9, v2;
	v11 =	vld.idx.msk [tilespmem:v15+s31+$0x0], $0xffff  }
0x43e: {  	v20 =	vadd.s32 s9, v6;
	v13 =	vld.idx.msk [tilespmem:v14+s0+$0x0], $0xffff  }
0x43f: {  	v21 =	vadd.s32 s9, v7;
	s9 =	sadd.s32 $0x20, s8;
	v14 =	vld.idx.msk [tilespmem:v16+s31+$0x0], $0xffff  }
0x440: {  	v22 =	vadd.s32 s9, v4;
	v15 =	vld.idx.msk [tilespmem:v17+s0+$0x0], $0xffff  }
0x441: {  	v23 =	vadd.s32 s9, v5;
	v16 =	vld.idx.msk [tilespmem:v18+s31+$0x0], $0xffff  }
0x442: {  	v24 =	vadd.s32 s9, v3;
	v17 =	vld.idx.msk [tilespmem:v19+s0+$0x0], $0xffff  }
0x443: {  	v25 =	vadd.s32 s9, v2;
	v18 =	vld.idx.msk [tilespmem:v20+s31+$0x0], $0xffff  }
0x444: {  	v26 =	vadd.s32 s9, v6;
	v20 =	vld.idx.msk [tilespmem:v21+s0+$0x0], $0xffff  }
0x445: {  	v27 =	vadd.s32 s9, v7;
	s9 =	sadd.s32 $0x30, s8;
	v19 =	vld.idx.msk [tilespmem:v22+s31+$0x0], $0xffff  }
0x446: {  	v28 =	vadd.s32 s9, v4;
	v21 =	vld.idx.msk [tilespmem:v23+s0+$0x0], $0xffff  }
0x447: {  	v29 =	vadd.s32 s9, v5;
	v22 =	vld.idx.msk [tilespmem:v24+s31+$0x0], $0xffff  }
0x448: {  	v30 =	vadd.s32 s9, v3;
	v23 =	vld.idx.msk [tilespmem:v25+s0+$0x0], $0xffff  }
0x449: {  	v31 =	vadd.s32 s9, v2;
	v24 =	vld.idx.msk [tilespmem:v26+s31+$0x0], $0xffff  }
0x44a: {  	v32 =	vadd.s32 s9, v6;
	v26 =	vld.idx.msk [tilespmem:v27+s0+$0x0], $0xffff  }
0x44b: {  	v33 =	vadd.s32 s9, v7;
	s9 =	sadd.s32 $0x40, s8;
	v25 =	vld.idx.msk [tilespmem:v28+s31+$0x0], $0xffff  }
0x44c: {  	v34 =	vadd.s32 s9, v4;
	v28 =	vld.idx.msk [tilespmem:v29+s0+$0x0], $0xffff  }
0x44d: {  	v35 =	vadd.s32 s9, v5;
	v27 =	vld.idx.msk [tilespmem:v30+s31+$0x0], $0xffff  }
0x44e: {  	v36 =	vadd.s32 s9, v3;
	v29 =	vld.idx.msk [tilespmem:v31+s0+$0x0], $0xffff  }
0x44f: {  	v37 =	vadd.s32 s9, v2;
	v30 =	vld.idx.msk [tilespmem:v32+s31+$0x0], $0xffff  }
0x450: {  	v38 =	vadd.s32 s9, v6;
	v32 =	vld.idx.msk [tilespmem:v33+s0+$0x0], $0xffff  }
0x451: {  	v39 =	vadd.s32 s9, v7;
	s9 =	sadd.s32 $0x50, s8;
	v31 =	vld.idx.msk [tilespmem:v34+s31+$0x0], $0xffff  }
0x452: {  	v40 =	vadd.s32 s9, v4;
	v33 =	vld.idx.msk [tilespmem:v35+s0+$0x0], $0xffff  }
0x453: {  	v41 =	vadd.s32 s9, v5;
	v34 =	vld.idx.msk [tilespmem:v36+s31+$0x0], $0xffff  }
0x454: {  	v42 =	vadd.s32 s9, v3;
	v35 =	vld.idx.msk [tilespmem:v37+s0+$0x0], $0xffff  }
0x455: {  	v43 =	vadd.s32 s9, v2;
	v36 =	vld.idx.msk [tilespmem:v38+s31+$0x0], $0xffff  }
0x456: {  	v48 =	vadd.s32 s9, v6;
	v38 =	vld.idx.msk [tilespmem:v39+s0+$0x0], $0xffff  }
.Ltmp6:
0x457: {  	s11 =	sadd.s32 $0x60, s8;
	v44 =	vadd.s32 s9, v7;
	v37 =	vld.idx.msk [tilespmem:v40+s31+$0x0], $0xffff;
	(pc) =	sbr.rel @p0 .LBB2_15-.Ltmp6, $4  }
0x458: {  	v45 =	vadd.s32 s11, v4;
	v39 =	vld.idx.msk [tilespmem:v41+s0+$0x0], $0xffff  }
0x459: {  	v47 =	vadd.s32 s11, v5;
	v40 =	vld.idx.msk [tilespmem:v42+s31+$0x0], $0xffff  }
0x45a: {  	v46 =	vadd.s32 s11, v3;
	s9 =	sadd.s32 $0x70, s8;
	v41 =	vld.idx.msk [tilespmem:v43+s0+$0x0], $0xffff  }
0x45b: {  	s8 =	sadd.s32 $0x80, s8;
	v43 =	vadd.s32 s9, v6;
	v42 =	vld.idx.msk [tilespmem:v48+s31+$0x0], $0xffff  }
0x45c: {  	_ =	sdelay $0x3  }
0x45d: {  	v44 =	vld.idx.msk [tilespmem:v44+s0+$0x0], $0xffff  }
0x45e: {  	v45 =	vld.idx.msk [tilespmem:v45+s31+$0x0], $0xffff  }
0x45f: {  	v47 =	vld.idx.msk [tilespmem:v47+s0+$0x0], $0xffff  }
0x460: {  	v46 =	vld.idx.msk [tilespmem:v46+s31+$0x0], $0xffff;
	s7 =	sadd.s32 $0x200, s7;
	v14 =	vadd.f32 v15, v14  }
0x461: {  	v43 =	vld.idx.msk [tilespmem:v43+s31+$0x0], $0xffff;
	v63 =	vadd.f32 v17, v16;
	s7 =	sshra.s32 s7, $0x2  }
0x462: {  	v50 =	vadd.f32 v23, v22;
	[tilespmem:s7+$0x8790] =	vst.add.f32.msk $0xffff, v14  }
0x463: {  	v51 =	vadd.f32 v26, v24;
	[tilespmem:s7+$0xA790] =	vst.add.f32.msk $0xffff, v63  }
0x464: {  	v52 =	vadd.f32 v28, v25;
	[tilespmem:s7+$0xA7A0] =	vst.add.f32.msk $0xffff, v50  }
0x465: {  	v53 =	vadd.f32 v29, v27;
	[tilespmem:s7+$0xC7A0] =	vst.add.f32.msk $0xffff, v51  }
0x466: {  	v54 =	vadd.f32 v32, v30;
	[tilespmem:s7+$0x87B0] =	vst.add.f32.msk $0xffff, v52  }
0x467: {  	v55 =	vadd.f32 v33, v31;
	[tilespmem:s7+$0xA7B0] =	vst.add.f32.msk $0xffff, v53  }
0x468: {  	v56 =	vadd.f32 v35, v34;
	[tilespmem:s7+$0xC7B0] =	vst.add.f32.msk $0xffff, v54  }
0x469: {  	v48 =	vadd.s32 s9, v7;
	v57 =	vadd.f32 v38, v36;
	[tilespmem:s7+$0x87C0] =	vst.add.f32.msk $0xffff, v55  }
0x46a: {  	v49 =	vadd.s32 s11, v2;
	v58 =	vadd.f32 v39, v37;
	[tilespmem:s7+$0xA7C0] =	vst.add.f32.msk $0xffff, v56  }
0x46b: {  	v6 =	vadd.s32 s11, v6;
	[tilespmem:s7+$0xC7C0] =	vst.add.f32.msk $0xffff, v57;
	v63 =	vadd.f32 v12, v9  }
0x46c: {  	v62 =	vadd.s32 s11, v7;
	[tilespmem:s7+$0x87D0] =	vst.add.f32.msk $0xffff, v58  }
0x46d: {  	v4 =	vadd.s32 s9, v4;
	[tilespmem:s7+$0xA780] =	vst.add.f32.msk $0xffff, v63  }
0x46e: {  	v5 =	vadd.s32 s9, v5;
	v48 =	vld.idx.msk [tilespmem:v48+s0+$0x0], $0xffff  }
0x46f: {  	v3 =	vadd.s32 s9, v3;
	v49 =	vld.idx.msk [tilespmem:v49+s0+$0x0], $0xffff  }
0x470: {  	v2 =	vadd.s32 s9, v2;
	v6 =	vld.idx.msk [tilespmem:v6+s31+$0x0], $0xffff  }
0x471: {  	v7 =	vld.idx.msk [tilespmem:v62+s0+$0x0], $0xffff  }
0x472: {  	v4 =	vld.idx.msk [tilespmem:v4+s31+$0x0], $0xffff  }
0x473: {  	v5 =	vld.idx.msk [tilespmem:v5+s0+$0x0], $0xffff  }
0x474: {  	v59 =	vadd.f32 v41, v40;
	v3 =	vld.idx.msk [tilespmem:v3+s31+$0x0], $0xffff  }
0x475: {  	v2 =	vld.idx.msk [tilespmem:v2+s0+$0x0], $0xffff;
	v60 =	vadd.f32 v44, v42  }
0x476: {  	[tilespmem:s7+$0xA7D0] =	vst.add.f32.msk $0xffff, v59;
	v61 =	vadd.f32 v47, v45  }
0x477: {  	[tilespmem:s7+$0xC7D0] =	vst.add.f32.msk $0xffff, v60;
	v43 =	vadd.f32 v48, v43  }
0x478: {  	[tilespmem:s7+$0x87E0] =	vst.add.f32.msk $0xffff, v61;
	v48 =	vadd.f32 v21, v19  }
0x479: {  	v62 =	vadd.f32 v49, v46;
	[tilespmem:s7+$0xC7F0] =	vst.add.f32.msk $0xffff, v43  }
0x47a: {  	v6 =	vadd.f32 v7, v6;
	[tilespmem:s7+$0x87A0] =	vst.add.f32.msk $0xffff, v48  }
0x47b: {  	s6 =	sadd.s32 $0x1, s6;
	v4 =	vadd.f32 v5, v4;
	[tilespmem:s7+$0xA7E0] =	vst.add.f32.msk $0xffff, v62  }
0x47c: {  	p0 =	sne.s32 s6, $0x7;
	v2 =	vadd.f32 v2, v3;
	[tilespmem:s7+$0xC7E0] =	vst.add.f32.msk $0xffff, v6  }
.Ltmp7:
0x47d: {  	v3 =	vadd.f32 v10, v8;
	[tilespmem:s7+$0x87F0] =	vst.add.f32.msk $0xffff, v4;
	(pc) =	sbr.rel @p0 .LBB2_12-.Ltmp7, $4  }
0x47e: {  	v43 =	vadd.f32 v20, v18;
	[tilespmem:s7+$0xA7F0] =	vst.add.f32.msk $0xffff, v2  }
0x47f: {  	v2 =	vadd.f32 v13, v11;
	[tilespmem:s7+$0x8780] =	vst.add.f32.msk $0xffff, v3  }
0x480: {  	[tilespmem:s7+$0xC790] =	vst.add.f32.msk $0xffff, v43  }
0x481: {  	[tilespmem:s7+$0xC780] =	vst.add.f32.msk $0xffff, v2  }
0x482: {  	s6 =	simm.s32 $0x8780  }
0x483: {  	[hbm4b:s15+s2] =	stream.linear.scatter [tilespmem:s6], [sflag:$0x6], $0x2000, $0x38;
	[tilespmem:$0xE780] =	vst v63  }
0x484: {  	s14 =	simm.s32 $0xA780  }
0x485: {  	[hbm4b:s16+s2] =	stream.linear.scatter [tilespmem:s14], [sflag:$0x6], $0x2000, $0x38;
	[tilespmem:$0xE780] =	vst v63  }
0x486: {  	s21 =	simm.s32 $0xC780  }
0x487: {  	[hbm4b:s17+s2] =	stream.linear.scatter [tilespmem:s21], [sflag:$0x6], $0x2000, $0x38;
	[tilespmem:$0xE780] =	vst v63  }
0x488: {  	_ =	swait.ge [sflag:s1], $0x2000  }
0x489: {  	[sflag:s1] =	ssyncset.done $0x0  }
0x48a: {  	s20 =	sadd.s32 $0x1, s20;
	[sflag:s1] =	ssyncadd.s32 $0xFFFFE000  }
0x48b: {  	p0 =	sne.s32 s20, s18;
	_ =	swait.ge [sflag:s1], $0x2000  }
.Ltmp8:
0x48c: {  	[sflag:s1] =	ssyncset.done $0x0;
	(pc) =	sbr.rel @p0 .LBB2_1-.Ltmp8, $4  }
0x48d: {  	[sflag:s1] =	ssyncadd.s32 $0xFFFFE000  }
0x48e: {  	_ =	swait.ge [sflag:s1], $0x2000  }
0x48f: {  	[sflag:s1] =	ssyncset.done $0x0  }
0x490: {  	[sflag:s1] =	ssyncadd.s32 $0xFFFFE000  }
0x491: {  	_ =	sfence.sel $0x180000  }
0x492: {  	[bflag:$0x0] =	sbarrier.arrive $0xFFFF  }
0x493: {  	_ =	strace $0x9000004A  }
0x494: {  	s0 =	stileid.u32;
	[bflag:$0x2] =	sbarrier.arrive $0xFFFF  }
0x495: {  	p0 =	sne.s32 s0, $0x0;
	s0 =	rddreg [dreg:$0x4]  }
0x496: {  	s0 =	sadd.s32 @!p0 $0x100000, s0  }
0x497: {  	[sflag:s0] =	ssyncadd.tile.s32 @!p0 $0x1;
	_ =	shalt  }
.Lfunc_end2:
_tile_overlayer_lowered:
.L_overlay_start_2:
0x498: {  	(tag) =	ssettag $0x2  }
0x499: {  	s0 =	rddreg [dreg:$0x0];
	s2 =	stileid.u32  }
0x49a: {  	s1 =	rddreg [dreg:$0x1];
	p0 =	sne.s32 s2, $0x0  }
0x49b: {  	s3 =	rddreg [dreg:$0x2];
	[bflag:$0x3] =	sbarrier.arrive $0xFFFF;
	s2 =	simm.s32 @!p0 $0x1C07  }
0x49c: {  	[timem:s3], [sflag:s2] =	dma.local @!p0 [hbm:s0], s1  }
0x49d: {  	s0 =	simm.s32 @!p0 $0x7  }
0x49e: {  	_ =	swait.ge @!p0 [sflag:s0], s1  }
0x49f: {  	s1 =	ssub.s32 @!p0 $0x0, s1;
	[sflag:s0] =	ssyncset.done @!p0 $0x0  }
0x4a0: {  	[sflag:s0] =	ssyncadd.s32 @!p0 s1  }
0x4a1: {  	[bflag:$0x3] =	sbarrier.arrive $0xFFFF  }
0x4a2: {  	_ =	shalt  }

// kernel: sparse-core-data-format-call.cloned.1.call-start
scs
called_computation_lowered:
.L_overlay_start_0:
0x0: {  	s2 =	sld [smem:$0x3FD9]  }
0x1: {  	s3 =	sld [smem:$0x3FFE];
	_ =	sdelay $0x1  }
0x2: {  	s1 =	srdreg.scid  }
0x3: {  	s0 =	sand.u32 $0x1, s1  }
0x4: {  	s18 =	sshll.u32 s0, $0xA;
	s2 =	sadd.s32 s3, s2  }
0x5: {  	s2 =	sadd.s32 s2, s18  }
0x6: {  	[smem:$0x3FC4] =	sst s2  }
0x7: {  	_ = 	snop  }
0x8: {  	s2 =	sld [smem:$0x3FC9];
	(tm) =	ssettm $0x1  }
0x9: {  	s19 =	sld [smem:$0x3FFB];
	_ =	sdelay $0x3  }
0xa: {  	_ =	strace s19  }
0xb: {  	s3 =	sld [smem:$0x3FFC];
	_ =	sdelay $0x3  }
0xc: {  	_ =	strace s3  }
0xd: {  	s3 =	sld [smem:$0x3FFD];
	_ =	sdelay $0x3  }
0xe: {  	_ =	strace s3  }
0xf: {  	_ =	strace $0x8FFFFFFF  }
0x10: {  	s20 =	sld [smem:$0x3FDB];
	_ =	sdelay $0x1  }
0x11: {  	s4 =	simm.s32 $_scs_section_size  }
0x12: {  	s5 =	simm.s32 $_size__tile_overlayer_lowered;
	s6 =	simm.s32 $_tile_overlayer_lowered  }
0x13: {  	s23 =	simm.s32 $0x1BFF;
	s22 =	sshll.u32 s6, $0x1;
	s3 =	sadd.s32 s4, s20  }
0x14: {  	s7 =	simm.s32 $0x0;
	s21 =	sshll.u32 s5, $0x1;
	s5 =	sadd.s32 s22, s3  }
0x15: {  	[timem:s7], [sflag:s23] =	dma.local [hbm:s5], s21  }
0x16: {  	_ =	swait.ge [sflag:s23], s21  }
0x17: {  	s4 =	ssub.s32 $0x0, s21;
	[sflag:s23] =	ssyncset.done $0x0  }
0x18: {  	[sflag:s23] =	ssyncadd.s32 s4;
	_ =	sdelay $0x1  }
0x19: {  	s24 =	simm.s32 $0x1B8B  }
0x1a: {  	_ =	swait.ge [sflag:s24], $0x1  }
0x1b: {  	[sflag:s24] =	ssyncset.done $0x0  }
0x1c: {  	s26 =	simm.s32 $0x1B8E;
	s25 =	sld [smem:$0x3FFE];
	[sflag:s24] =	ssyncadd.s32 $0xFFFFFFFF  }
0x1d: {  	s27 =	simm.s32 $execute0_lowered;
	[smem:$0x3FD2] =	sst s26  }
0x1e: {  	s5 =	sshll.u32 s27, $0x1;
	_ =	strace $0x80000046;
	[dreg:$0x1] =	wrdreg $0xFFFFFFFF  }
0x1f: {  	s28 =	simm.s32 $_size_execute0_lowered;
	s3 =	sadd.s32 s3, s5;
	[dreg:$0x0] =	wrdreg $0x0  }
0x20: {  	s5 =	sshll.u32 s28, $0x1;
	[dreg:$0x2] =	wrdreg s3  }
0x21: {  	[dreg:$0x3] =	wrdreg s5  }
0x22: {  	[dreg:$0x4] =	wrdreg $0xC0  }
0x23: {  	_ =	task [dreg:s7], $0x5FFFF  }
0x24: {  	[dreg:$0x1] =	wrdreg $0xFFFFFFFF  }
0x25: {  	[dreg:$0x0] =	wrdreg $0x60  }
0x26: {  	[dreg:$0x2] =	wrdreg s2  }
0x27: {  	[dreg:$0x3] =	wrdreg s25  }
0x28: {  	[dreg:$0x4] =	wrdreg $0x9  }
0x29: {  	_ =	task.clear_ibuf [dreg:s7], $0x5FFFF;
	_ =	strace $0x90000046  }
0x2a: {  	s29 =	simm.s32 $0x9;
	_ =	strace $0x80000048  }
0x2b: {  	_ =	swait.ge [sflag:s29], $0x1  }
0x2c: {  	[sflag:s29] =	ssyncadd.s32 $0xFFFFFFFF  }
0x2d: {  	_ =	strace $0x90000048  }
0x2e: {  	_ =	sfence  }
0x2f: {  	s30 =	sld [smem:$0x0];
	_ =	sdelay $0x2  }
0x30: {  	s31 =	sshll.u32 s1, $0xD;
	s1 =	sshrl.u32 s1, $0x2  }
0x31: {  	s3 =	sand.u32 $0x4000, s31;
	s1 =	sadd.s32 s1, s30  }
0x32: {  	s0 =	sor.u32 s3, s0;
	s1 =	sshll.u32 s1, $0x11  }
0x33: {  	s0 =	sor.u32 s1, s0  }
0x34: {  	s0 =	sadd.s32 $0x8F2B, s0  }
0x35: {  	[sflag:s0] =	ssyncadd.remote.s32 $0x1  }
0x36: {  	_ =	sfence.sel $0xFFFF  }
0x37: {  	[dreg:$0x0] =	wrdreg $0xFFFFFFFF;
	(pc) =	sbr.abs _section_cstart, $3  }
0x38: {  	[dreg:$0x1] =	wrdreg $0xFFFFFFFF  }
0x39: {  	_ =	task.clear_ibuf [dreg:s7], $0x2FFFF;
	_ =	strace $0x9FFFFFFF  }
0x3a: {  	(tm) =	ssettm $0x7FFFFFFF  }
0x3b: {  	_ =	shalt  }
tec
execute0_lowered:
.L_overlay_start_1:
0x0: {  	(tag) =	ssettag $0x1  }
0x1: {  	s2 =	rddreg [dreg:$0x0]  }
0x2: {  	s1 =	rddreg [dreg:$0x1]  }
0x3: {  	s0 =	rddreg [dreg:$0x2];
	_ =	strace $0x80000047;
	s4 =	srdreg.scid  }
0x4: {  	s6 =	simm.s32 $0x2;
	s11 =	simm.s32 $0x0;
	p0 =	por $0x0, $0x0  }
.Ltmp0:
0x5: {  	s7 =	simm.s32 $0x2000;
	s12 =	simm.s32 $0x0;
	(pc) =	sbr.rel .LBB1_1-.Ltmp0, $4  }
0x6: {  	s9 =	simm.s32 $0x0;
	s3 =	sadd.s32 $0x1800, s1;
	s5 =	sshll.u32 s4, $0x4  }
0x7: {  	s1 =	stileid.u32;
	s4 =	simm.s32 $0x1;
	s5 =	sand.u32 $0x10, s5  }
0x8: {  	s8 =	simm.s32 $0x0;
	[sflag:s4] =	ssyncpa.u1 $0x0;
	s5 =	sor.u32 s1, s5  }
0x9: {  	[sflag:s6] =	ssyncpa.u1 $0x0;
	s6 =	simm.s32 $0x800;
	s10 =	smov.u32 s5  }
.LBB1_7:
0xa: {  	s13 =	sadd.s32 $0x10, s9  }
0xb: {  	s11 =	sadd.s32 $0x20, s10;
	s15 =	smov.u32 s10;
	p2 =	sgt.s32 s13, $0x3F  }
0xc: {  	p1 =	slt.u32 s8, $0x2;
	s15 =	smov.u32 @p2 s11  }
0xd: {  	s8 =	sadd.s32 $0x1, s8;
	s13 =	simm.s32 @p2 $0x0;
	p2 =	sgt.s32 s15, $0xDF  }
0xe: {  	s15 =	smov.u32 @p2 s5;
	p2 =	sne.s32 s8, $0x1E  }
.Ltmp1:
0xf: {  	_ = 	snop;
	(pc) =	sbr.rel @!p2 .LBB1_8-.Ltmp1, $4  }
0x10: {  	s14 =	simm.s32 @!p1 $0x2  }
0x11: {  	s12 =	smov.u32 s10;
	_ =	swait.ge @!p1 [sflag:s14], $0x4000  }
0x12: {  	p0 =	por !p0, !p0;
	s11 =	smov.u32 s9;
	[sflag:s14] =	ssyncset.done @!p1 $0x0  }
0x13: {  	s9 =	smov.u32 s13;
	[sflag:s14] =	ssyncadd.s32 @!p1 $0xFFFFC000;
	s10 =	smov.u32 s15  }
.LBB1_1:
0x14: {  	p1 =	sgt.u32 s8, $0x1B  }
0x15: {  	s13 =	sxor.u32 @!p1 $0xFFFFFFFF, s8;
	s14 =	sshll.u32 @!p1 s10, $0xD  }
0x16: {  	s15 =	sshll.u32 @!p1 s9, $0x7;
	s13 =	sshll.u32 @!p1 s13, $0xE;
	s14 =	sadd.s32 @!p1 s2, s14  }
0x17: {  	s13 =	sand.u32 @!p1 $0x4000, s13;
	s14 =	sadd.s32 @!p1 s15, s14;
	s15 =	simm.s32 @!p1 $0x0  }
0x18: {  	[tilespmem:s13], [sflag:$0x1] =	stream.linear.gather @!p1 [hbm4b:s14+s15], $0x4000, $0x38;
	[tilespmem:$0x10000] =	vst v63  }
0x19: {  	p1 =	seq.s32 s8, $0x0  }
0x1a: {  	p2 =	seq.s32 @!p1 s8, $0x1D  }
0x1b: {  	p1 =	por p1, p2  }
.Ltmp2:
0x1c: {  	_ = 	snop;
	(pc) =	sbr.rel @p1 .LBB1_7-.Ltmp2, $1  }
0x1d: {  	_ =	sdelay $0x3  }
0x1e: {  	s13 =	simm.s32 $0x1;
	_ =	swait.ge [sflag:s4], $0x4000;
	s16 =	sshll.u32 s8, $0xE  }
0x1f: {  	s13 =	simm.s32 @!p0 $0x0;
	[sflag:s4] =	ssyncset.done $0x0;
	s31 =	sand.u32 $0x4000, s16  }
0x20: {  	s16 =	simm.s32 $0x0;
	s14 =	sshll.u32 s13, $0xE;
	[sflag:s4] =	ssyncadd.s32 $0xFFFFC000  }
0x21: {  	s13 =	sor.u32 $0x8040, s14;
	s15 =	sor.u32 $0x40, s14;
	s14 =	sor.u32 $0x8000, s31  }
.LBB1_3:
0x22: {  	v0 =	vmov s15;
	_ =	sdelay $0x3  }
0x23: {  	s18 =	simm.s32 $0x0  }
0x24: {  	v6 =	vld.idx.msk [tilespmem:v0+s18+$0x30 ss:$0x1], $0xffff  }
0x25: {  	v7 =	vld.idx.msk [tilespmem:v0+s18+$0xFFFFFFC0 ss:$0x1], $0xffff  }
0x26: {  	v5 =	vld.idx.msk [tilespmem:v0+s18+$0xFFFFFFD0 ss:$0x1], $0xffff  }
0x27: {  	v4 =	vld.idx.msk [tilespmem:v0+s18+$0xFFFFFFE0 ss:$0x1], $0xffff  }
0x28: {  	v3 =	vld.idx.msk [tilespmem:v0+s18+$0xFFFFFFF0 ss:$0x1], $0xffff  }
0x29: {  	v1 =	vld.idx.msk [tilespmem:v0+s18+$0x0 ss:$0x1], $0xffff  }
0x2a: {  	v2 =	vld.idx.msk [tilespmem:v0+s18+$0x10 ss:$0x1], $0xffff;
	[tilespmem:s13+$0x30] =	vst v6  }
0x2b: {  	s17 =	simm.s32 $0x80;
	s19 =	simm.s32 $0x400;
	[tilespmem:s13+$0xFFFFFFC0] =	vst v7;
	v6 =	vld.idx.msk [tilespmem:v0+s18+$0x20 ss:$0x1], $0xffff;
	s18 =	smov.u32 s13  }
.LBB1_4:
0x2c: {  	p1 =	sne.s32 s19, $0xE00;
	v7 =	vld.idx.msk [tilespmem:v0+s17+$0x30 ss:$0x1], $0xffff;
	[tilespmem:s18+$0xFFFFFFD0] =	vst v5  }
0x2d: {  	v8 =	vld.idx.msk [tilespmem:v0+s17+$0xFFFFFFC0 ss:$0x1], $0xffff;
	[tilespmem:s18+$0xFFFFFFE0] =	vst v4  }
0x2e: {  	v5 =	vld.idx.msk [tilespmem:v0+s17+$0xFFFFFFD0 ss:$0x1], $0xffff;
	[tilespmem:s18+$0xFFFFFFF0] =	vst v3  }
.Ltmp3:
0x2f: {  	v4 =	vld.idx.msk [tilespmem:v0+s17+$0xFFFFFFE0 ss:$0x1], $0xffff;
	[tilespmem:s18+$0x0] =	vst v1;
	(pc) =	sbr.rel @p1 .LBB1_4-.Ltmp3, $4  }
0x30: {  	v3 =	vld.idx.msk [tilespmem:v0+s17+$0xFFFFFFF0 ss:$0x1], $0xffff;
	[tilespmem:s18+$0x10] =	vst v2  }
0x31: {  	v1 =	vld.idx.msk [tilespmem:v0+s17+$0x0 ss:$0x1], $0xffff;
	[tilespmem:s18+$0x20] =	vst v6;
	s18 =	sadd.s32 $0x800, s18  }
0x32: {  	v2 =	vld.idx.msk [tilespmem:v0+s17+$0x10 ss:$0x1], $0xffff;
	[tilespmem:s18+$0x30] =	vst v7  }
0x33: {  	[tilespmem:s18+$0xFFFFFFC0] =	vst v8;
	v6 =	vld.idx.msk [tilespmem:v0+s17+$0x20 ss:$0x1], $0xffff;
	s17 =	sshra.s32 s19, $0x2;
	s19 =	sadd.s32 $0x200, s19  }
0x34: {  	_ =	sdelay $0x2  }
0x35: {  	[tilespmem:s18+$0xFFFFFFD0] =	vst v5  }
0x36: {  	v56 =	vld.idx.msk [tilespmem:v0+s17+$0x30 ss:$0x1], $0xffff;
	[tilespmem:s18+$0xFFFFFFE0] =	vst v4  }
0x37: {  	v57 =	vld.idx.msk [tilespmem:v0+s17+$0xFFFFFFC0 ss:$0x1], $0xffff;
	[tilespmem:s18+$0xFFFFFFF0] =	vst v3  }
0x38: {  	v58 =	vld.idx.msk [tilespmem:v0+s17+$0xFFFFFFD0 ss:$0x1], $0xffff;
	[tilespmem:s18+$0x0] =	vst v1  }
0x39: {  	v59 =	vld.idx.msk [tilespmem:v0+s17+$0xFFFFFFE0 ss:$0x1], $0xffff;
	[tilespmem:s18+$0x10] =	vst v2  }
0x3a: {  	v60 =	vld.idx.msk [tilespmem:v0+s17+$0xFFFFFFF0 ss:$0x1], $0xffff;
	s31 =	sadd.s32 $0x800, s18;
	[tilespmem:s18+$0x20] =	vst v6  }
0x3b: {  	v61 =	vld.idx.msk [tilespmem:v0+s17+$0x0 ss:$0x1], $0xffff;
	[tilespmem:s31+$0x30] =	vst v56  }
0x3c: {  	v62 =	vld.idx.msk [tilespmem:v0+s17+$0x10 ss:$0x1], $0xffff;
	s16 =	sadd.s32 $0x1, s16;
	[tilespmem:s31+$0xFFFFFFC0] =	vst v57  }
0x3d: {  	v63 =	vld.idx.msk [tilespmem:v0+s17+$0x20 ss:$0x1], $0xffff;
	p1 =	sne.s32 s16, $0x10;
	[tilespmem:s31+$0xFFFFFFD0] =	vst v58  }
.Ltmp4:
0x3e: {  	[tilespmem:s31+$0xFFFFFFE0] =	vst v59;
	(pc) =	sbr.rel @p1 .LBB1_3-.Ltmp4, $4  }
0x3f: {  	[tilespmem:s31+$0xFFFFFFF0] =	vst v60  }
0x40: {  	[tilespmem:s31+$0x0] =	vst v61  }
0x41: {  	[tilespmem:s31+$0x10] =	vst v62  }
0x42: {  	s13 =	sadd.s32 $0x80, s13;
	s15 =	sadd.s32 $0x400, s15;
	[tilespmem:s31+$0x20] =	vst v63  }
.Ltmp5:
0x43: {  	(pc) =	sbr.rel .LBB1_7-.Ltmp5, $4  }
0x44: {  	s12 =	sshll.u32 s12, $0xD;
	s11 =	sshll.u32 s11, $0x4  }
0x45: {  	s11 =	sand.u32 $0x3F0, s11;
	s12 =	sadd.s32 s3, s12  }
0x46: {  	s11 =	sadd.s32 s11, s12  }
0x47: {  	[hbm4b:s11+s6] =	stream.strided.scatter [tilespmem:s14], [sflag:$0x2], $0x4000, s7, s6, $0x38;
	[tilespmem:$0x10000] =	vst v63  }
.LBB1_8:
0x48: {  	_ =	sfence.sel $0x180000  }
0x49: {  	s2 =	simm.s32 $0x1;
	[bflag:$0x0] =	sbarrier.arrive $0xFFFF  }
0x4a: {  	s31 =	simm.s32 $0x2;
	[sflag:s2] =	ssyncpa.u1 $0x1  }
0x4b: {  	[sflag:s31] =	ssyncpa.u1 $0x1  }
0x4c: {  	p0 =	sne.s32 s1, $0x0;
	_ =	strace $0x90000047  }
0x4d: {  	s0 =	sadd.s32 @!p0 $0x100000, s0;
	[bflag:$0x2] =	sbarrier.arrive $0xFFFF  }
0x4e: {  	[sflag:s0] =	ssyncadd.tile.s32 @!p0 $0x1;
	_ =	shalt  }
.Lfunc_end1:
_tile_overlayer_lowered:
.L_overlay_start_2:
0x4f: {  	(tag) =	ssettag $0x2  }
0x50: {  	s0 =	rddreg [dreg:$0x0];
	s2 =	stileid.u32  }
0x51: {  	s1 =	rddreg [dreg:$0x1];
	p0 =	sne.s32 s2, $0x0  }
0x52: {  	s3 =	rddreg [dreg:$0x2];
	[bflag:$0x3] =	sbarrier.arrive $0xFFFF;
	s2 =	simm.s32 @!p0 $0x1C01  }
0x53: {  	[timem:s3], [sflag:s2] =	dma.local @!p0 [hbm:s0], s1  }
0x54: {  	s0 =	simm.s32 @!p0 $0x1  }
0x55: {  	_ =	swait.ge @!p0 [sflag:s0], s1  }
0x56: {  	s1 =	ssub.s32 @!p0 $0x0, s1;
	[sflag:s0] =	ssyncset.done @!p0 $0x0  }
0x57: {  	[sflag:s0] =	ssyncadd.s32 @!p0 s1  }
0x58: {  	[bflag:$0x3] =	sbarrier.arrive $0xFFFF  }
0x59: {  	_ =	shalt  }

</sc_bundles>
